<compile_context>
chip_gen: v7x
topology: tpu7x:2x2x1
jax: 0.10.2.dev20260603
libtpu: 0.0.44.dev20260713+nightly
codegen_flags: <defaults>
</compile_context>

<pallas_src>
import functools

import jax
import jax.numpy as jnp
from jax import lax
from jax.experimental import pallas as pl
from jax.experimental.pallas import tpu as pltpu
from jax.experimental.pallas import tpu_sc as plsc

HIDDEN = 64
NC = 2
NS = 16
NW = NC * NS
CHUNK = 80
K = 10
PANEL = 128


def _sc_transpose(tbl_t, tail128, n_pad):
    n_items = tbl_t.shape[1]
    npan = (n_items // PANEL)
    tail_lo = npan * PANEL
    tail_rows = n_pad - tail_lo
    max_steps = npan // NW + 1
    pairs = (max_steps + 2) // 2
    mesh = plsc.VectorSubcoreMesh(core_axis_name="c", subcore_axis_name="s")

    @functools.partial(
        pl.kernel,
        mesh=mesh,
        out_type=jax.ShapeDtypeStruct((n_pad // 2, PANEL), jnp.float32),
        scratch_types=[
            pltpu.VMEM((HIDDEN, PANEL), jnp.float32),
            pltpu.VMEM((HIDDEN, PANEL), jnp.float32),
            pltpu.VMEM((PANEL // 2, PANEL), jnp.float32),
            pltpu.VMEM((PANEL // 2, PANEL), jnp.float32),
            pltpu.VMEM((tail_rows // 2, PANEL), jnp.float32),
            pltpu.SemaphoreType.DMA,
            pltpu.SemaphoreType.DMA,
            pltpu.SemaphoreType.DMA,
            pltpu.SemaphoreType.DMA,
        ],
        compiler_params=pltpu.CompilerParams(
            use_tc_tiling_on_sc=True, needs_layout_passes=False
        ),
    )
    def k(t_hbm, tail_hbm, out_hbm, in0, in1, o0, o1, tv, i0, i1, w0, w1):
        wid = lax.axis_index("s") * NC + lax.axis_index("c")
        ins = [in0, in1]
        outs = [o0, o1]
        isem = [i0, i1]
        wsem = [w0, w1]

        def issue_in(b, p):
            pltpu.async_copy(
                t_hbm.at[:, pl.ds(p * PANEL, PANEL)], ins[b], isem[b]
            )

        def wait_in(b):
            pltpu.make_async_copy(
                t_hbm.at[:, pl.ds(0, PANEL)], ins[b], isem[b]
            ).wait()

        def issue_out(b, p):
            pltpu.async_copy(
                outs[b], out_hbm.at[pl.ds(p * (PANEL // 2), PANEL // 2)], wsem[b]
            )

        def wait_out(b):
            pltpu.make_async_copy(
                outs[b], out_hbm.at[pl.ds(0, PANEL // 2)], wsem[b]
            ).wait()

        lanes = lax.iota(jnp.int32, 16)
        perms = [jnp.mod(lanes + i, 16) for i in range(16)]
        halflanes = lanes // 2
        par64 = (lanes % 2) * HIDDEN

        def transpose(b):
            def blk(t, carry):
                c0 = (t // (HIDDEN // 32)) * 16
                k0 = (t % (HIDDEN // 32)) * 32
                cols = c0 + lanes
                rows_st = c0 // 2 + halflanes
                for i in range(16):
                    rows_a = k0 + perms[i]
                    rows_b = k0 + 16 + perms[i]
                    va = plsc.load_gather(ins[b], [rows_a, cols])
                    vb = plsc.load_gather(ins[b], [rows_b, cols])
                    plsc.store_scatter(outs[b], [rows_st, rows_a + par64], va)
                    plsc.store_scatter(outs[b], [rows_st, rows_b + par64], vb)
                return carry

            lax.fori_loop(0, (PANEL // 16) * (HIDDEN // 32), blk, 0)

        issue_in(0, wid)

        def pair_body(i, carry):
            for b in (0, 1):
                j = 2 * i + b
                p = wid + NW * j

                @pl.when(p < npan)
                def _():
                    wait_in(b)

                    @pl.when(p + NW < npan)
                    def _():
                        issue_in(1 - b, p + NW)

                    @pl.when(j >= 2)
                    def _():
                        wait_out(b)

                    transpose(b)
                    issue_out(b, p)

            return carry

        lax.fori_loop(0, pairs, pair_body, 0)
        wait_out(0)
        wait_out(1)

        @pl.when(wid == 0)
        def _():
            pltpu.sync_copy(tail_hbm, tv)
            pltpu.sync_copy(tv, out_hbm.at[pl.ds(tail_lo // 2, tail_rows // 2)])

    return k(tbl_t, tail128)


def _sc_gather(idx2d, table2, batch, hist):
    rows_per_w = batch * hist // NW
    chunks_per_w = rows_per_w // CHUNK
    groups = chunks_per_w // K
    b_per_group = K * CHUNK // hist
    assert groups % 2 == 0 and K * CHUNK % hist == 0
    mesh = plsc.VectorSubcoreMesh(core_axis_name="c", subcore_axis_name="s")

    @functools.partial(
        pl.kernel,
        mesh=mesh,
        out_type=jax.ShapeDtypeStruct((batch, hist, 2 * HIDDEN), jnp.float32),
        scratch_types=[
            pltpu.VMEM((chunks_per_w, CHUNK), jnp.int32),
            pltpu.VMEM((K * CHUNK, HIDDEN), jnp.float32),
            pltpu.VMEM((K * CHUNK, HIDDEN), jnp.float32),
            pltpu.SemaphoreType.DMA,
            pltpu.SemaphoreType.DMA,
            pltpu.SemaphoreType.DMA,
            pltpu.SemaphoreType.DMA,
        ],
        compiler_params=pltpu.CompilerParams(use_tc_tiling_on_sc=False),
    )
    def k(idx_hbm, table_hbm, out_hbm, idx_v, rows0, rows1, g0, g1, w0, w1):
        wid = lax.axis_index("s") * NC + lax.axis_index("c")
        rows = [rows0, rows1]
        gsem = [g0, g1]
        wsem = [w0, w1]
        pltpu.sync_copy(idx_hbm.at[pl.ds(wid * chunks_per_w, chunks_per_w)], idx_v)
        out_b0 = wid * groups * b_per_group

        def issue_gathers(gi, b):
            for j in range(K):
                pltpu.async_copy(
                    table_hbm.at[idx_v.at[gi * K + j]],
                    rows[b].at[pl.ds(j * CHUNK, CHUNK)],
                    gsem[b],
                )

        def wait_gathers(b):
            pltpu.make_async_copy(
                table_hbm.at[pl.ds(0, K * CHUNK)], rows[b], gsem[b]
            ).wait()

        def issue_write(gi, b):
            for r in range(b_per_group):
                pltpu.async_copy(
                    rows[b].at[pl.ds(r * hist, hist)],
                    out_hbm.at[out_b0 + gi * b_per_group + r, :, pl.ds(0, HIDDEN)],
                    wsem[b],
                )

        def wait_write(b):
            for r in range(b_per_group):
                pltpu.make_async_copy(
                    rows[b].at[pl.ds(r * hist, hist)],
                    out_hbm.at[0, :, pl.ds(0, HIDDEN)],
                    wsem[b],
                ).wait()

        issue_gathers(0, 0)

        def pair_body(i, carry):
            for b in (0, 1):
                gi = 2 * i + b
                wait_gathers(b)
                issue_write(gi, b)

                @pl.when(gi >= 1)
                def _():
                    wait_write(1 - b)

                @pl.when(gi + 1 < groups)
                def _():
                    issue_gathers(gi + 1, 1 - b)

            return carry

        lax.fori_loop(0, groups // 2, pair_body, 0)
        wait_write(1)

    return k(idx2d, table2)


def kernel(item_seq, item_seq_len, item_embeddings):
    batch, hist = item_seq.shape
    n_items = item_embeddings.shape[0]
    n_pad = n_items + ((-n_items) % 16)
    tail_lo = (n_items // PANEL) * PANEL
    tail128 = jnp.pad(
        lax.slice(item_embeddings, (tail_lo, 0), (n_items, HIDDEN)),
        ((0, n_pad - n_items), (0, 0)),
    ).reshape((n_pad - tail_lo) // 2, 2 * HIDDEN)
    t128 = _sc_transpose(item_embeddings.T, tail128, n_pad)
    table2 = t128.reshape(n_pad, HIDDEN)
    idx2d = item_seq.reshape(batch * hist // CHUNK, CHUNK)
    return _sc_gather(idx2d, table2, batch, hist)[:, :, :HIDDEN]

# --- scband reference (transcript-rebuilt; emitter-appended) ---
"""Pipeline reference for scband-mock-rec-model-52329881534856 (READ-ONLY COPY).

The authoritative reference and input builder live on the scoring server;
editing this copy changes nothing except your own understanding.
"""

import jax, jax.numpy as jnp
import numpy as np

HIDDEN_SIZE = 64
NUM_ITEMS = 1000000
BATCH = 4096
HIST_LEN = 200

def setup_inputs(seed: int = 0) -> dict:
    key = jax.random.key(seed)
    k_table, k_seq, k_len = jax.random.split(key, 3)
    item_embeddings = jax.random.normal(k_table, (NUM_ITEMS + 1, HIDDEN_SIZE), dtype=jnp.float32)
    item_seq = jax.random.randint(k_seq, (BATCH, HIST_LEN), 0, NUM_ITEMS + 1, dtype=jnp.int64 if jax.config.jax_enable_x64 else jnp.int32).astype(jnp.int32)
    item_seq_len = jax.random.randint(k_len, (BATCH,), 1, HIST_LEN + 1, dtype=jnp.int32)
    return {"item_seq": item_seq, "item_seq_len": item_seq_len, "item_embeddings": item_embeddings}

def reference(item_seq, item_seq_len, item_embeddings):
    # MockRecModel.get_full_sequence_representations: embedding lookup over the sequence
    # item_seq_len is accepted but unused, faithful to the original module.
    return jnp.take(item_embeddings, item_seq, axis=0)

if __name__ == "__main__":
    import jax
    _d = setup_inputs()
    print(jax.jit(kernel)(*tuple(_d.values())))

</pallas_src>

<mosaic_0001>
#map = affine_map<(d0, d1) -> (0, 0)>
module attributes {stable_mosaic.version = 14 : i64} {
  func.func @k(%arg0: i32, %arg1: i32, %arg2: memref<64x1000001xf32, #tpu.memory_space<hbm>>, %arg3: memref<40x128xf32, #tpu.memory_space<hbm>>, %arg4: memref<500008x128xf32, #tpu.memory_space<hbm>>, %arg5: memref<64x128xf32, #tpu.memory_space<vmem>>, %arg6: memref<64x128xf32, #tpu.memory_space<vmem>>, %arg7: memref<64x128xf32, #tpu.memory_space<vmem>>, %arg8: memref<64x128xf32, #tpu.memory_space<vmem>>, %arg9: memref<40x128xf32, #tpu.memory_space<vmem>>, %arg10: memref<!tpu.dma_semaphore, #tpu.memory_space<semaphore_mem>>, %arg11: memref<!tpu.dma_semaphore, #tpu.memory_space<semaphore_mem>>, %arg12: memref<!tpu.dma_semaphore, #tpu.memory_space<semaphore_mem>>, %arg13: memref<!tpu.dma_semaphore, #tpu.memory_space<semaphore_mem>>) attributes {dimension_semantics = [#tpu.dimension_semantics<core_parallel>, #tpu.dimension_semantics<subcore_parallel>], iteration_bounds = array<i64: 2, 16>, scalar_prefetch = 0 : i64, scratch_operands = 9 : i64, tpu.core_type = #tpu.core_type<sc_vector_subcore>, window_params = [{transform_indices = #map}, {transform_indices = #map}, {transform_indices = #map}]} {
    %mul3A = arith.constant 2 : i32
    %mul3A_0 = arith.muli %arg1, %mul3A : i32
    %add3A = arith.addi %mul3A_0, %arg0 : i32
    %iota3A = tpu.iota {dimensions = array<i32: 0>} : vector<16xi32>
    %add3A_1 = arith.constant 0 : i32
    %add3A_2 = vector.broadcast %add3A_1 : i32 to vector<16xi32>
    %add3A_3 = arith.addi %iota3A, %add3A_2 : vector<16xi32>
    %jit3A = arith.constant 16 : i32
    %eq3A = arith.constant 0 : i32
    %eq3A_4 = arith.cmpi eq, %jit3A, %eq3A : i32
    %jit3A_5 = arith.constant 1 : i32
    %select_n3A = arith.select %eq3A_4, %jit3A_5, %jit3A : i32
    %rem3A = vector.broadcast %select_n3A : i32 to vector<16xi32>
    %rem3A_6 = arith.remsi %add3A_3, %rem3A : vector<16xi32>
    %ne3A = arith.constant 0 : i32
    %ne3A_7 = vector.broadcast %ne3A : i32 to vector<16xi32>
    %ne3A_8 = arith.cmpi ne, %rem3A_6, %ne3A_7 : vector<16xi32>
    %lt3A = arith.constant 0 : i32
    %lt3A_9 = vector.broadcast %lt3A : i32 to vector<16xi32>
    %lt3A_10 = arith.cmpi slt, %rem3A_6, %lt3A_9 : vector<16xi32>
    %lt3A_11 = arith.constant 0 : i32
    %lt3A_12 = arith.cmpi slt, %select_n3A, %lt3A_11 : i32
    %ne3A_13 = vector.broadcast %lt3A_12 : i1 to vector<16xi1>
    %ne3A_14 = vector.broadcast %ne3A_13 : vector<16xi1> to vector<16xi1>
    %ne3A_15 = arith.xori %lt3A_10, %ne3A_14 : vector<16xi1>
    %and3A = arith.andi %ne3A_15, %ne3A_8 : vector<16xi1>
    %add3A_16 = vector.broadcast %select_n3A : i32 to vector<16xi32>
    %add3A_17 = arith.addi %rem3A_6, %add3A_16 : vector<16xi32>
    %select_n3A_18 = arith.select %and3A, %add3A_17, %rem3A_6 : vector<16xi1>, vector<16xi32>
    %add3A_19 = arith.constant 1 : i32
    %add3A_20 = vector.broadcast %add3A_19 : i32 to vector<16xi32>
    %add3A_21 = arith.addi %iota3A, %add3A_20 : vector<16xi32>
    %jit3A_22 = arith.constant 16 : i32
    %eq3A_23 = arith.constant 0 : i32
    %eq3A_24 = arith.cmpi eq, %jit3A_22, %eq3A_23 : i32
    %jit3A_25 = arith.constant 1 : i32
    %select_n3A_26 = arith.select %eq3A_24, %jit3A_25, %jit3A_22 : i32
    %rem3A_27 = vector.broadcast %select_n3A_26 : i32 to vector<16xi32>
    %rem3A_28 = arith.remsi %add3A_21, %rem3A_27 : vector<16xi32>
    %ne3A_29 = arith.constant 0 : i32
    %ne3A_30 = vector.broadcast %ne3A_29 : i32 to vector<16xi32>
    %ne3A_31 = arith.cmpi ne, %rem3A_28, %ne3A_30 : vector<16xi32>
    %lt3A_32 = arith.constant 0 : i32
    %lt3A_33 = vector.broadcast %lt3A_32 : i32 to vector<16xi32>
    %lt3A_34 = arith.cmpi slt, %rem3A_28, %lt3A_33 : vector<16xi32>
    %lt3A_35 = arith.constant 0 : i32
    %lt3A_36 = arith.cmpi slt, %select_n3A_26, %lt3A_35 : i32
    %ne3A_37 = vector.broadcast %lt3A_36 : i1 to vector<16xi1>
    %ne3A_38 = vector.broadcast %ne3A_37 : vector<16xi1> to vector<16xi1>
    %ne3A_39 = arith.xori %lt3A_34, %ne3A_38 : vector<16xi1>
    %and3A_40 = arith.andi %ne3A_39, %ne3A_31 : vector<16xi1>
    %add3A_41 = vector.broadcast %select_n3A_26 : i32 to vector<16xi32>
    %add3A_42 = arith.addi %rem3A_28, %add3A_41 : vector<16xi32>
    %select_n3A_43 = arith.select %and3A_40, %add3A_42, %rem3A_28 : vector<16xi1>, vector<16xi32>
    %add3A_44 = arith.constant 2 : i32
    %add3A_45 = vector.broadcast %add3A_44 : i32 to vector<16xi32>
    %add3A_46 = arith.addi %iota3A, %add3A_45 : vector<16xi32>
    %jit3A_47 = arith.constant 16 : i32
    %eq3A_48 = arith.constant 0 : i32
    %eq3A_49 = arith.cmpi eq, %jit3A_47, %eq3A_48 : i32
    %jit3A_50 = arith.constant 1 : i32
    %select_n3A_51 = arith.select %eq3A_49, %jit3A_50, %jit3A_47 : i32
    %rem3A_52 = vector.broadcast %select_n3A_51 : i32 to vector<16xi32>
    %rem3A_53 = arith.remsi %add3A_46, %rem3A_52 : vector<16xi32>
    %ne3A_54 = arith.constant 0 : i32
    %ne3A_55 = vector.broadcast %ne3A_54 : i32 to vector<16xi32>
    %ne3A_56 = arith.cmpi ne, %rem3A_53, %ne3A_55 : vector<16xi32>
    %lt3A_57 = arith.constant 0 : i32
    %lt3A_58 = vector.broadcast %lt3A_57 : i32 to vector<16xi32>
    %lt3A_59 = arith.cmpi slt, %rem3A_53, %lt3A_58 : vector<16xi32>
    %lt3A_60 = arith.constant 0 : i32
    %lt3A_61 = arith.cmpi slt, %select_n3A_51, %lt3A_60 : i32
    %ne3A_62 = vector.broadcast %lt3A_61 : i1 to vector<16xi1>
    %ne3A_63 = vector.broadcast %ne3A_62 : vector<16xi1> to vector<16xi1>
    %ne3A_64 = arith.xori %lt3A_59, %ne3A_63 : vector<16xi1>
    %and3A_65 = arith.andi %ne3A_64, %ne3A_56 : vector<16xi1>
    %add3A_66 = vector.broadcast %select_n3A_51 : i32 to vector<16xi32>
    %add3A_67 = arith.addi %rem3A_53, %add3A_66 : vector<16xi32>
    %select_n3A_68 = arith.select %and3A_65, %add3A_67, %rem3A_53 : vector<16xi1>, vector<16xi32>
    %add3A_69 = arith.constant 3 : i32
    %add3A_70 = vector.broadcast %add3A_69 : i32 to vector<16xi32>
    %add3A_71 = arith.addi %iota3A, %add3A_70 : vector<16xi32>
    %jit3A_72 = arith.constant 16 : i32
    %eq3A_73 = arith.constant 0 : i32
    %eq3A_74 = arith.cmpi eq, %jit3A_72, %eq3A_73 : i32
    %jit3A_75 = arith.constant 1 : i32
    %select_n3A_76 = arith.select %eq3A_74, %jit3A_75, %jit3A_72 : i32
    %rem3A_77 = vector.broadcast %select_n3A_76 : i32 to vector<16xi32>
    %rem3A_78 = arith.remsi %add3A_71, %rem3A_77 : vector<16xi32>
    %ne3A_79 = arith.constant 0 : i32
    %ne3A_80 = vector.broadcast %ne3A_79 : i32 to vector<16xi32>
    %ne3A_81 = arith.cmpi ne, %rem3A_78, %ne3A_80 : vector<16xi32>
    %lt3A_82 = arith.constant 0 : i32
    %lt3A_83 = vector.broadcast %lt3A_82 : i32 to vector<16xi32>
    %lt3A_84 = arith.cmpi slt, %rem3A_78, %lt3A_83 : vector<16xi32>
    %lt3A_85 = arith.constant 0 : i32
    %lt3A_86 = arith.cmpi slt, %select_n3A_76, %lt3A_85 : i32
    %ne3A_87 = vector.broadcast %lt3A_86 : i1 to vector<16xi1>
    %ne3A_88 = vector.broadcast %ne3A_87 : vector<16xi1> to vector<16xi1>
    %ne3A_89 = arith.xori %lt3A_84, %ne3A_88 : vector<16xi1>
    %and3A_90 = arith.andi %ne3A_89, %ne3A_81 : vector<16xi1>
    %add3A_91 = vector.broadcast %select_n3A_76 : i32 to vector<16xi32>
    %add3A_92 = arith.addi %rem3A_78, %add3A_91 : vector<16xi32>
    %select_n3A_93 = arith.select %and3A_90, %add3A_92, %rem3A_78 : vector<16xi1>, vector<16xi32>
    %add3A_94 = arith.constant 4 : i32
    %add3A_95 = vector.broadcast %add3A_94 : i32 to vector<16xi32>
    %add3A_96 = arith.addi %iota3A, %add3A_95 : vector<16xi32>
    %jit3A_97 = arith.constant 16 : i32
    %eq3A_98 = arith.constant 0 : i32
    %eq3A_99 = arith.cmpi eq, %jit3A_97, %eq3A_98 : i32
    %jit3A_100 = arith.constant 1 : i32
    %select_n3A_101 = arith.select %eq3A_99, %jit3A_100, %jit3A_97 : i32
    %rem3A_102 = vector.broadcast %select_n3A_101 : i32 to vector<16xi32>
    %rem3A_103 = arith.remsi %add3A_96, %rem3A_102 : vector<16xi32>
    %ne3A_104 = arith.constant 0 : i32
    %ne3A_105 = vector.broadcast %ne3A_104 : i32 to vector<16xi32>
    %ne3A_106 = arith.cmpi ne, %rem3A_103, %ne3A_105 : vector<16xi32>
    %lt3A_107 = arith.constant 0 : i32
    %lt3A_108 = vector.broadcast %lt3A_107 : i32 to vector<16xi32>
    %lt3A_109 = arith.cmpi slt, %rem3A_103, %lt3A_108 : vector<16xi32>
    %lt3A_110 = arith.constant 0 : i32
    %lt3A_111 = arith.cmpi slt, %select_n3A_101, %lt3A_110 : i32
    %ne3A_112 = vector.broadcast %lt3A_111 : i1 to vector<16xi1>
    %ne3A_113 = vector.broadcast %ne3A_112 : vector<16xi1> to vector<16xi1>
    %ne3A_114 = arith.xori %lt3A_109, %ne3A_113 : vector<16xi1>
    %and3A_115 = arith.andi %ne3A_114, %ne3A_106 : vector<16xi1>
    %add3A_116 = vector.broadcast %select_n3A_101 : i32 to vector<16xi32>
    %add3A_117 = arith.addi %rem3A_103, %add3A_116 : vector<16xi32>
    %select_n3A_118 = arith.select %and3A_115, %add3A_117, %rem3A_103 : vector<16xi1>, vector<16xi32>
    %add3A_119 = arith.constant 5 : i32
    %add3A_120 = vector.broadcast %add3A_119 : i32 to vector<16xi32>
    %add3A_121 = arith.addi %iota3A, %add3A_120 : vector<16xi32>
    %jit3A_122 = arith.constant 16 : i32
    %eq3A_123 = arith.constant 0 : i32
    %eq3A_124 = arith.cmpi eq, %jit3A_122, %eq3A_123 : i32
    %jit3A_125 = arith.constant 1 : i32
    %select_n3A_126 = arith.select %eq3A_124, %jit3A_125, %jit3A_122 : i32
    %rem3A_127 = vector.broadcast %select_n3A_126 : i32 to vector<16xi32>
    %rem3A_128 = arith.remsi %add3A_121, %rem3A_127 : vector<16xi32>
    %ne3A_129 = arith.constant 0 : i32
    %ne3A_130 = vector.broadcast %ne3A_129 : i32 to vector<16xi32>
    %ne3A_131 = arith.cmpi ne, %rem3A_128, %ne3A_130 : vector<16xi32>
    %lt3A_132 = arith.constant 0 : i32
    %lt3A_133 = vector.broadcast %lt3A_132 : i32 to vector<16xi32>
    %lt3A_134 = arith.cmpi slt, %rem3A_128, %lt3A_133 : vector<16xi32>
    %lt3A_135 = arith.constant 0 : i32
    %lt3A_136 = arith.cmpi slt, %select_n3A_126, %lt3A_135 : i32
    %ne3A_137 = vector.broadcast %lt3A_136 : i1 to vector<16xi1>
    %ne3A_138 = vector.broadcast %ne3A_137 : vector<16xi1> to vector<16xi1>
    %ne3A_139 = arith.xori %lt3A_134, %ne3A_138 : vector<16xi1>
    %and3A_140 = arith.andi %ne3A_139, %ne3A_131 : vector<16xi1>
    %add3A_141 = vector.broadcast %select_n3A_126 : i32 to vector<16xi32>
    %add3A_142 = arith.addi %rem3A_128, %add3A_141 : vector<16xi32>
    %select_n3A_143 = arith.select %and3A_140, %add3A_142, %rem3A_128 : vector<16xi1>, vector<16xi32>
    %add3A_144 = arith.constant 6 : i32
    %add3A_145 = vector.broadcast %add3A_144 : i32 to vector<16xi32>
    %add3A_146 = arith.addi %iota3A, %add3A_145 : vector<16xi32>
    %jit3A_147 = arith.constant 16 : i32
    %eq3A_148 = arith.constant 0 : i32
    %eq3A_149 = arith.cmpi eq, %jit3A_147, %eq3A_148 : i32
    %jit3A_150 = arith.constant 1 : i32
    %select_n3A_151 = arith.select %eq3A_149, %jit3A_150, %jit3A_147 : i32
    %rem3A_152 = vector.broadcast %select_n3A_151 : i32 to vector<16xi32>
    %rem3A_153 = arith.remsi %add3A_146, %rem3A_152 : vector<16xi32>
    %ne3A_154 = arith.constant 0 : i32
    %ne3A_155 = vector.broadcast %ne3A_154 : i32 to vector<16xi32>
    %ne3A_156 = arith.cmpi ne, %rem3A_153, %ne3A_155 : vector<16xi32>
    %lt3A_157 = arith.constant 0 : i32
    %lt3A_158 = vector.broadcast %lt3A_157 : i32 to vector<16xi32>
    %lt3A_159 = arith.cmpi slt, %rem3A_153, %lt3A_158 : vector<16xi32>
    %lt3A_160 = arith.constant 0 : i32
    %lt3A_161 = arith.cmpi slt, %select_n3A_151, %lt3A_160 : i32
    %ne3A_162 = vector.broadcast %lt3A_161 : i1 to vector<16xi1>
    %ne3A_163 = vector.broadcast %ne3A_162 : vector<16xi1> to vector<16xi1>
    %ne3A_164 = arith.xori %lt3A_159, %ne3A_163 : vector<16xi1>
    %and3A_165 = arith.andi %ne3A_164, %ne3A_156 : vector<16xi1>
    %add3A_166 = vector.broadcast %select_n3A_151 : i32 to vector<16xi32>
    %add3A_167 = arith.addi %rem3A_153, %add3A_166 : vector<16xi32>
    %select_n3A_168 = arith.select %and3A_165, %add3A_167, %rem3A_153 : vector<16xi1>, vector<16xi32>
    %add3A_169 = arith.constant 7 : i32
    %add3A_170 = vector.broadcast %add3A_169 : i32 to vector<16xi32>
    %add3A_171 = arith.addi %iota3A, %add3A_170 : vector<16xi32>
    %jit3A_172 = arith.constant 16 : i32
    %eq3A_173 = arith.constant 0 : i32
    %eq3A_174 = arith.cmpi eq, %jit3A_172, %eq3A_173 : i32
    %jit3A_175 = arith.constant 1 : i32
    %select_n3A_176 = arith.select %eq3A_174, %jit3A_175, %jit3A_172 : i32
    %rem3A_177 = vector.broadcast %select_n3A_176 : i32 to vector<16xi32>
    %rem3A_178 = arith.remsi %add3A_171, %rem3A_177 : vector<16xi32>
    %ne3A_179 = arith.constant 0 : i32
    %ne3A_180 = vector.broadcast %ne3A_179 : i32 to vector<16xi32>
    %ne3A_181 = arith.cmpi ne, %rem3A_178, %ne3A_180 : vector<16xi32>
    %lt3A_182 = arith.constant 0 : i32
    %lt3A_183 = vector.broadcast %lt3A_182 : i32 to vector<16xi32>
    %lt3A_184 = arith.cmpi slt, %rem3A_178, %lt3A_183 : vector<16xi32>
    %lt3A_185 = arith.constant 0 : i32
    %lt3A_186 = arith.cmpi slt, %select_n3A_176, %lt3A_185 : i32
    %ne3A_187 = vector.broadcast %lt3A_186 : i1 to vector<16xi1>
    %ne3A_188 = vector.broadcast %ne3A_187 : vector<16xi1> to vector<16xi1>
    %ne3A_189 = arith.xori %lt3A_184, %ne3A_188 : vector<16xi1>
    %and3A_190 = arith.andi %ne3A_189, %ne3A_181 : vector<16xi1>
    %add3A_191 = vector.broadcast %select_n3A_176 : i32 to vector<16xi32>
    %add3A_192 = arith.addi %rem3A_178, %add3A_191 : vector<16xi32>
    %select_n3A_193 = arith.select %and3A_190, %add3A_192, %rem3A_178 : vector<16xi1>, vector<16xi32>
    %add3A_194 = arith.constant 8 : i32
    %add3A_195 = vector.broadcast %add3A_194 : i32 to vector<16xi32>
    %add3A_196 = arith.addi %iota3A, %add3A_195 : vector<16xi32>
    %jit3A_197 = arith.constant 16 : i32
    %eq3A_198 = arith.constant 0 : i32
    %eq3A_199 = arith.cmpi eq, %jit3A_197, %eq3A_198 : i32
    %jit3A_200 = arith.constant 1 : i32
    %select_n3A_201 = arith.select %eq3A_199, %jit3A_200, %jit3A_197 : i32
    %rem3A_202 = vector.broadcast %select_n3A_201 : i32 to vector<16xi32>
    %rem3A_203 = arith.remsi %add3A_196, %rem3A_202 : vector<16xi32>
    %ne3A_204 = arith.constant 0 : i32
    %ne3A_205 = vector.broadcast %ne3A_204 : i32 to vector<16xi32>
    %ne3A_206 = arith.cmpi ne, %rem3A_203, %ne3A_205 : vector<16xi32>
    %lt3A_207 = arith.constant 0 : i32
    %lt3A_208 = vector.broadcast %lt3A_207 : i32 to vector<16xi32>
    %lt3A_209 = arith.cmpi slt, %rem3A_203, %lt3A_208 : vector<16xi32>
    %lt3A_210 = arith.constant 0 : i32
    %lt3A_211 = arith.cmpi slt, %select_n3A_201, %lt3A_210 : i32
    %ne3A_212 = vector.broadcast %lt3A_211 : i1 to vector<16xi1>
    %ne3A_213 = vector.broadcast %ne3A_212 : vector<16xi1> to vector<16xi1>
    %ne3A_214 = arith.xori %lt3A_209, %ne3A_213 : vector<16xi1>
    %and3A_215 = arith.andi %ne3A_214, %ne3A_206 : vector<16xi1>
    %add3A_216 = vector.broadcast %select_n3A_201 : i32 to vector<16xi32>
    %add3A_217 = arith.addi %rem3A_203, %add3A_216 : vector<16xi32>
    %select_n3A_218 = arith.select %and3A_215, %add3A_217, %rem3A_203 : vector<16xi1>, vector<16xi32>
    %add3A_219 = arith.constant 9 : i32
    %add3A_220 = vector.broadcast %add3A_219 : i32 to vector<16xi32>
    %add3A_221 = arith.addi %iota3A, %add3A_220 : vector<16xi32>
    %jit3A_222 = arith.constant 16 : i32
    %eq3A_223 = arith.constant 0 : i32
    %eq3A_224 = arith.cmpi eq, %jit3A_222, %eq3A_223 : i32
    %jit3A_225 = arith.constant 1 : i32
    %select_n3A_226 = arith.select %eq3A_224, %jit3A_225, %jit3A_222 : i32
    %rem3A_227 = vector.broadcast %select_n3A_226 : i32 to vector<16xi32>
    %rem3A_228 = arith.remsi %add3A_221, %rem3A_227 : vector<16xi32>
    %ne3A_229 = arith.constant 0 : i32
    %ne3A_230 = vector.broadcast %ne3A_229 : i32 to vector<16xi32>
    %ne3A_231 = arith.cmpi ne, %rem3A_228, %ne3A_230 : vector<16xi32>
    %lt3A_232 = arith.constant 0 : i32
    %lt3A_233 = vector.broadcast %lt3A_232 : i32 to vector<16xi32>
    %lt3A_234 = arith.cmpi slt, %rem3A_228, %lt3A_233 : vector<16xi32>
    %lt3A_235 = arith.constant 0 : i32
    %lt3A_236 = arith.cmpi slt, %select_n3A_226, %lt3A_235 : i32
    %ne3A_237 = vector.broadcast %lt3A_236 : i1 to vector<16xi1>
    %ne3A_238 = vector.broadcast %ne3A_237 : vector<16xi1> to vector<16xi1>
    %ne3A_239 = arith.xori %lt3A_234, %ne3A_238 : vector<16xi1>
    %and3A_240 = arith.andi %ne3A_239, %ne3A_231 : vector<16xi1>
    %add3A_241 = vector.broadcast %select_n3A_226 : i32 to vector<16xi32>
    %add3A_242 = arith.addi %rem3A_228, %add3A_241 : vector<16xi32>
    %select_n3A_243 = arith.select %and3A_240, %add3A_242, %rem3A_228 : vector<16xi1>, vector<16xi32>
    %add3A_244 = arith.constant 10 : i32
    %add3A_245 = vector.broadcast %add3A_244 : i32 to vector<16xi32>
    %add3A_246 = arith.addi %iota3A, %add3A_245 : vector<16xi32>
    %jit3A_247 = arith.constant 16 : i32
    %eq3A_248 = arith.constant 0 : i32
    %eq3A_249 = arith.cmpi eq, %jit3A_247, %eq3A_248 : i32
    %jit3A_250 = arith.constant 1 : i32
    %select_n3A_251 = arith.select %eq3A_249, %jit3A_250, %jit3A_247 : i32
    %rem3A_252 = vector.broadcast %select_n3A_251 : i32 to vector<16xi32>
    %rem3A_253 = arith.remsi %add3A_246, %rem3A_252 : vector<16xi32>
    %ne3A_254 = arith.constant 0 : i32
    %ne3A_255 = vector.broadcast %ne3A_254 : i32 to vector<16xi32>
    %ne3A_256 = arith.cmpi ne, %rem3A_253, %ne3A_255 : vector<16xi32>
    %lt3A_257 = arith.constant 0 : i32
    %lt3A_258 = vector.broadcast %lt3A_257 : i32 to vector<16xi32>
    %lt3A_259 = arith.cmpi slt, %rem3A_253, %lt3A_258 : vector<16xi32>
    %lt3A_260 = arith.constant 0 : i32
    %lt3A_261 = arith.cmpi slt, %select_n3A_251, %lt3A_260 : i32
    %ne3A_262 = vector.broadcast %lt3A_261 : i1 to vector<16xi1>
    %ne3A_263 = vector.broadcast %ne3A_262 : vector<16xi1> to vector<16xi1>
    %ne3A_264 = arith.xori %lt3A_259, %ne3A_263 : vector<16xi1>
    %and3A_265 = arith.andi %ne3A_264, %ne3A_256 : vector<16xi1>
    %add3A_266 = vector.broadcast %select_n3A_251 : i32 to vector<16xi32>
    %add3A_267 = arith.addi %rem3A_253, %add3A_266 : vector<16xi32>
    %select_n3A_268 = arith.select %and3A_265, %add3A_267, %rem3A_253 : vector<16xi1>, vector<16xi32>
    %add3A_269 = arith.constant 11 : i32
    %add3A_270 = vector.broadcast %add3A_269 : i32 to vector<16xi32>
    %add3A_271 = arith.addi %iota3A, %add3A_270 : vector<16xi32>
    %jit3A_272 = arith.constant 16 : i32
    %eq3A_273 = arith.constant 0 : i32
    %eq3A_274 = arith.cmpi eq, %jit3A_272, %eq3A_273 : i32
    %jit3A_275 = arith.constant 1 : i32
    %select_n3A_276 = arith.select %eq3A_274, %jit3A_275, %jit3A_272 : i32
    %rem3A_277 = vector.broadcast %select_n3A_276 : i32 to vector<16xi32>
    %rem3A_278 = arith.remsi %add3A_271, %rem3A_277 : vector<16xi32>
    %ne3A_279 = arith.constant 0 : i32
    %ne3A_280 = vector.broadcast %ne3A_279 : i32 to vector<16xi32>
    %ne3A_281 = arith.cmpi ne, %rem3A_278, %ne3A_280 : vector<16xi32>
    %lt3A_282 = arith.constant 0 : i32
    %lt3A_283 = vector.broadcast %lt3A_282 : i32 to vector<16xi32>
    %lt3A_284 = arith.cmpi slt, %rem3A_278, %lt3A_283 : vector<16xi32>
    %lt3A_285 = arith.constant 0 : i32
    %lt3A_286 = arith.cmpi slt, %select_n3A_276, %lt3A_285 : i32
    %ne3A_287 = vector.broadcast %lt3A_286 : i1 to vector<16xi1>
    %ne3A_288 = vector.broadcast %ne3A_287 : vector<16xi1> to vector<16xi1>
    %ne3A_289 = arith.xori %lt3A_284, %ne3A_288 : vector<16xi1>
    %and3A_290 = arith.andi %ne3A_289, %ne3A_281 : vector<16xi1>
    %add3A_291 = vector.broadcast %select_n3A_276 : i32 to vector<16xi32>
    %add3A_292 = arith.addi %rem3A_278, %add3A_291 : vector<16xi32>
    %select_n3A_293 = arith.select %and3A_290, %add3A_292, %rem3A_278 : vector<16xi1>, vector<16xi32>
    %add3A_294 = arith.constant 12 : i32
    %add3A_295 = vector.broadcast %add3A_294 : i32 to vector<16xi32>
    %add3A_296 = arith.addi %iota3A, %add3A_295 : vector<16xi32>
    %jit3A_297 = arith.constant 16 : i32
    %eq3A_298 = arith.constant 0 : i32
    %eq3A_299 = arith.cmpi eq, %jit3A_297, %eq3A_298 : i32
    %jit3A_300 = arith.constant 1 : i32
    %select_n3A_301 = arith.select %eq3A_299, %jit3A_300, %jit3A_297 : i32
    %rem3A_302 = vector.broadcast %select_n3A_301 : i32 to vector<16xi32>
    %rem3A_303 = arith.remsi %add3A_296, %rem3A_302 : vector<16xi32>
    %ne3A_304 = arith.constant 0 : i32
    %ne3A_305 = vector.broadcast %ne3A_304 : i32 to vector<16xi32>
    %ne3A_306 = arith.cmpi ne, %rem3A_303, %ne3A_305 : vector<16xi32>
    %lt3A_307 = arith.constant 0 : i32
    %lt3A_308 = vector.broadcast %lt3A_307 : i32 to vector<16xi32>
    %lt3A_309 = arith.cmpi slt, %rem3A_303, %lt3A_308 : vector<16xi32>
    %lt3A_310 = arith.constant 0 : i32
    %lt3A_311 = arith.cmpi slt, %select_n3A_301, %lt3A_310 : i32
    %ne3A_312 = vector.broadcast %lt3A_311 : i1 to vector<16xi1>
    %ne3A_313 = vector.broadcast %ne3A_312 : vector<16xi1> to vector<16xi1>
    %ne3A_314 = arith.xori %lt3A_309, %ne3A_313 : vector<16xi1>
    %and3A_315 = arith.andi %ne3A_314, %ne3A_306 : vector<16xi1>
    %add3A_316 = vector.broadcast %select_n3A_301 : i32 to vector<16xi32>
    %add3A_317 = arith.addi %rem3A_303, %add3A_316 : vector<16xi32>
    %select_n3A_318 = arith.select %and3A_315, %add3A_317, %rem3A_303 : vector<16xi1>, vector<16xi32>
    %add3A_319 = arith.constant 13 : i32
    %add3A_320 = vector.broadcast %add3A_319 : i32 to vector<16xi32>
    %add3A_321 = arith.addi %iota3A, %add3A_320 : vector<16xi32>
    %jit3A_322 = arith.constant 16 : i32
    %eq3A_323 = arith.constant 0 : i32
    %eq3A_324 = arith.cmpi eq, %jit3A_322, %eq3A_323 : i32
    %jit3A_325 = arith.constant 1 : i32
    %select_n3A_326 = arith.select %eq3A_324, %jit3A_325, %jit3A_322 : i32
    %rem3A_327 = vector.broadcast %select_n3A_326 : i32 to vector<16xi32>
    %rem3A_328 = arith.remsi %add3A_321, %rem3A_327 : vector<16xi32>
    %ne3A_329 = arith.constant 0 : i32
    %ne3A_330 = vector.broadcast %ne3A_329 : i32 to vector<16xi32>
    %ne3A_331 = arith.cmpi ne, %rem3A_328, %ne3A_330 : vector<16xi32>
    %lt3A_332 = arith.constant 0 : i32
    %lt3A_333 = vector.broadcast %lt3A_332 : i32 to vector<16xi32>
    %lt3A_334 = arith.cmpi slt, %rem3A_328, %lt3A_333 : vector<16xi32>
    %lt3A_335 = arith.constant 0 : i32
    %lt3A_336 = arith.cmpi slt, %select_n3A_326, %lt3A_335 : i32
    %ne3A_337 = vector.broadcast %lt3A_336 : i1 to vector<16xi1>
    %ne3A_338 = vector.broadcast %ne3A_337 : vector<16xi1> to vector<16xi1>
    %ne3A_339 = arith.xori %lt3A_334, %ne3A_338 : vector<16xi1>
    %and3A_340 = arith.andi %ne3A_339, %ne3A_331 : vector<16xi1>
    %add3A_341 = vector.broadcast %select_n3A_326 : i32 to vector<16xi32>
    %add3A_342 = arith.addi %rem3A_328, %add3A_341 : vector<16xi32>
    %select_n3A_343 = arith.select %and3A_340, %add3A_342, %rem3A_328 : vector<16xi1>, vector<16xi32>
    %add3A_344 = arith.constant 14 : i32
    %add3A_345 = vector.broadcast %add3A_344 : i32 to vector<16xi32>
    %add3A_346 = arith.addi %iota3A, %add3A_345 : vector<16xi32>
    %jit3A_347 = arith.constant 16 : i32
    %eq3A_348 = arith.constant 0 : i32
    %eq3A_349 = arith.cmpi eq, %jit3A_347, %eq3A_348 : i32
    %jit3A_350 = arith.constant 1 : i32
    %select_n3A_351 = arith.select %eq3A_349, %jit3A_350, %jit3A_347 : i32
    %rem3A_352 = vector.broadcast %select_n3A_351 : i32 to vector<16xi32>
    %rem3A_353 = arith.remsi %add3A_346, %rem3A_352 : vector<16xi32>
    %ne3A_354 = arith.constant 0 : i32
    %ne3A_355 = vector.broadcast %ne3A_354 : i32 to vector<16xi32>
    %ne3A_356 = arith.cmpi ne, %rem3A_353, %ne3A_355 : vector<16xi32>
    %lt3A_357 = arith.constant 0 : i32
    %lt3A_358 = vector.broadcast %lt3A_357 : i32 to vector<16xi32>
    %lt3A_359 = arith.cmpi slt, %rem3A_353, %lt3A_358 : vector<16xi32>
    %lt3A_360 = arith.constant 0 : i32
    %lt3A_361 = arith.cmpi slt, %select_n3A_351, %lt3A_360 : i32
    %ne3A_362 = vector.broadcast %lt3A_361 : i1 to vector<16xi1>
    %ne3A_363 = vector.broadcast %ne3A_362 : vector<16xi1> to vector<16xi1>
    %ne3A_364 = arith.xori %lt3A_359, %ne3A_363 : vector<16xi1>
    %and3A_365 = arith.andi %ne3A_364, %ne3A_356 : vector<16xi1>
    %add3A_366 = vector.broadcast %select_n3A_351 : i32 to vector<16xi32>
    %add3A_367 = arith.addi %rem3A_353, %add3A_366 : vector<16xi32>
    %select_n3A_368 = arith.select %and3A_365, %add3A_367, %rem3A_353 : vector<16xi1>, vector<16xi32>
    %add3A_369 = arith.constant 15 : i32
    %add3A_370 = vector.broadcast %add3A_369 : i32 to vector<16xi32>
    %add3A_371 = arith.addi %iota3A, %add3A_370 : vector<16xi32>
    %jit3A_372 = arith.constant 16 : i32
    %eq3A_373 = arith.constant 0 : i32
    %eq3A_374 = arith.cmpi eq, %jit3A_372, %eq3A_373 : i32
    %jit3A_375 = arith.constant 1 : i32
    %select_n3A_376 = arith.select %eq3A_374, %jit3A_375, %jit3A_372 : i32
    %rem3A_377 = vector.broadcast %select_n3A_376 : i32 to vector<16xi32>
    %rem3A_378 = arith.remsi %add3A_371, %rem3A_377 : vector<16xi32>
    %ne3A_379 = arith.constant 0 : i32
    %ne3A_380 = vector.broadcast %ne3A_379 : i32 to vector<16xi32>
    %ne3A_381 = arith.cmpi ne, %rem3A_378, %ne3A_380 : vector<16xi32>
    %lt3A_382 = arith.constant 0 : i32
    %lt3A_383 = vector.broadcast %lt3A_382 : i32 to vector<16xi32>
    %lt3A_384 = arith.cmpi slt, %rem3A_378, %lt3A_383 : vector<16xi32>
    %lt3A_385 = arith.constant 0 : i32
    %lt3A_386 = arith.cmpi slt, %select_n3A_376, %lt3A_385 : i32
    %ne3A_387 = vector.broadcast %lt3A_386 : i1 to vector<16xi1>
    %ne3A_388 = vector.broadcast %ne3A_387 : vector<16xi1> to vector<16xi1>
    %ne3A_389 = arith.xori %lt3A_384, %ne3A_388 : vector<16xi1>
    %and3A_390 = arith.andi %ne3A_389, %ne3A_381 : vector<16xi1>
    %add3A_391 = vector.broadcast %select_n3A_376 : i32 to vector<16xi32>
    %add3A_392 = arith.addi %rem3A_378, %add3A_391 : vector<16xi32>
    %select_n3A_393 = arith.select %and3A_390, %add3A_392, %rem3A_378 : vector<16xi1>, vector<16xi32>
    %jit3A_394 = arith.constant 2 : i32
    %div3A = vector.broadcast %jit3A_394 : i32 to vector<16xi32>
    %div3A_395 = arith.divsi %iota3A, %div3A : vector<16xi32>
    %sign3A = arith.constant 0 : i32
    %sign3A_396 = vector.broadcast %sign3A : i32 to vector<16xi32>
    %sign3A_397 = arith.cmpi sgt, %iota3A, %sign3A_396 : vector<16xi32>
    %sign3A_398 = arith.extui %sign3A_397 : vector<16xi1> to vector<16xi32>
    %sign3A_399 = arith.constant 0 : i32
    %sign3A_400 = vector.broadcast %sign3A_399 : i32 to vector<16xi32>
    %sign3A_401 = arith.cmpi slt, %iota3A, %sign3A_400 : vector<16xi32>
    %sign3A_402 = arith.extui %sign3A_401 : vector<16xi1> to vector<16xi32>
    %sign3A_403 = arith.subi %sign3A_398, %sign3A_402 : vector<16xi32>
    %sign3A_404 = arith.constant 0 : i32
    %sign3A_405 = arith.cmpi sgt, %jit3A_394, %sign3A_404 : i32
    %sign3A_406 = arith.extui %sign3A_405 : i1 to i32
    %sign3A_407 = arith.constant 0 : i32
    %sign3A_408 = arith.cmpi slt, %jit3A_394, %sign3A_407 : i32
    %sign3A_409 = arith.extui %sign3A_408 : i1 to i32
    %sign3A_410 = arith.subi %sign3A_406, %sign3A_409 : i32
    %ne3A_411 = vector.broadcast %sign3A_410 : i32 to vector<16xi32>
    %ne3A_412 = arith.cmpi ne, %sign3A_403, %ne3A_411 : vector<16xi32>
    %rem3A_413 = vector.broadcast %jit3A_394 : i32 to vector<16xi32>
    %rem3A_414 = arith.remsi %iota3A, %rem3A_413 : vector<16xi32>
    %ne3A_415 = arith.constant 0 : i32
    %ne3A_416 = vector.broadcast %ne3A_415 : i32 to vector<16xi32>
    %ne3A_417 = arith.cmpi ne, %rem3A_414, %ne3A_416 : vector<16xi32>
    %and3A_418 = arith.andi %ne3A_412, %ne3A_417 : vector<16xi1>
    %sub3A = arith.constant 1 : i32
    %sub3A_419 = vector.broadcast %sub3A : i32 to vector<16xi32>
    %sub3A_420 = arith.subi %div3A_395, %sub3A_419 : vector<16xi32>
    %select_n3A_421 = arith.select %and3A_418, %sub3A_420, %div3A_395 : vector<16xi1>, vector<16xi32>
    %jit3A_422 = arith.constant 2 : i32
    %eq3A_423 = arith.constant 0 : i32
    %eq3A_424 = arith.cmpi eq, %jit3A_422, %eq3A_423 : i32
    %jit3A_425 = arith.constant 1 : i32
    %select_n3A_426 = arith.select %eq3A_424, %jit3A_425, %jit3A_422 : i32
    %rem3A_427 = vector.broadcast %select_n3A_426 : i32 to vector<16xi32>
    %rem3A_428 = arith.remsi %iota3A, %rem3A_427 : vector<16xi32>
    %ne3A_429 = arith.constant 0 : i32
    %ne3A_430 = vector.broadcast %ne3A_429 : i32 to vector<16xi32>
    %ne3A_431 = arith.cmpi ne, %rem3A_428, %ne3A_430 : vector<16xi32>
    %lt3A_432 = arith.constant 0 : i32
    %lt3A_433 = vector.broadcast %lt3A_432 : i32 to vector<16xi32>
    %lt3A_434 = arith.cmpi slt, %rem3A_428, %lt3A_433 : vector<16xi32>
    %lt3A_435 = arith.constant 0 : i32
    %lt3A_436 = arith.cmpi slt, %select_n3A_426, %lt3A_435 : i32
    %ne3A_437 = vector.broadcast %lt3A_436 : i1 to vector<16xi1>
    %ne3A_438 = vector.broadcast %ne3A_437 : vector<16xi1> to vector<16xi1>
    %ne3A_439 = arith.xori %lt3A_434, %ne3A_438 : vector<16xi1>
    %and3A_440 = arith.andi %ne3A_439, %ne3A_431 : vector<16xi1>
    %add3A_441 = vector.broadcast %select_n3A_426 : i32 to vector<16xi32>
    %add3A_442 = arith.addi %rem3A_428, %add3A_441 : vector<16xi32>
    %select_n3A_443 = arith.select %and3A_440, %add3A_442, %rem3A_428 : vector<16xi1>, vector<16xi32>
    %mul3A_444 = arith.constant 64 : i32
    %mul3A_445 = vector.broadcast %mul3A_444 : i32 to vector<16xi32>
    %mul3A_446 = arith.muli %select_n3A_443, %mul3A_445 : vector<16xi32>
    %mul3A_447 = arith.constant 128 : i32
    %mul3A_448 = arith.muli %add3A, %mul3A_447 : i32
    %dma_start3A = arith.constant 0 : i32
    %dma_start3A_449 = tpu.memref_slice %arg2[%dma_start3A, %mul3A_448] : memref<64x1000001xf32, #tpu.memory_space<hbm>> -> memref<64x128xf32, #tpu.memory_space<hbm>>
    %dma_start3A_450 = arith.constant 0 : i32
    %dma_start3A_451 = tpu.memref_slice %arg2[%dma_start3A_450, %mul3A_448] : memref<64x1000001xf32, #tpu.memory_space<hbm>> -> memref<64x128xf32, #tpu.memory_space<hbm>>
    tpu.enqueue_dma source(%dma_start3A_451 : memref<64x128xf32, #tpu.memory_space<hbm>>) target(%arg5 : memref<64x128xf32, #tpu.memory_space<vmem>>) target_semaphore(%arg10 : memref<!tpu.dma_semaphore, #tpu.memory_space<semaphore_mem>>)
    %scan3A = arith.constant 0 : i32
    %scan3A_452 = arith.constant 0 : i32
    %scan3A_453 = arith.constant 123 : i32
    %scan3A_454 = arith.addi %scan3A_452, %scan3A_453 : i32
    %scan3A_455 = arith.constant 1 : i32
    scf.for %scan3A_471 = %scan3A_452 to %scan3A_454 step %scan3A_455  : i32 {
      %mul3A_472 = arith.constant 2 : i32
      %mul3A_473 = arith.muli %mul3A_472, %scan3A_471 : i32
      %add3A_474 = arith.constant 0 : i32
      %add3A_475 = arith.addi %mul3A_473, %add3A_474 : i32
      %mul3A_476 = arith.constant 32 : i32
      %mul3A_477 = arith.muli %mul3A_476, %add3A_475 : i32
      %add3A_478 = arith.addi %add3A, %mul3A_477 : i32
      %lt3A_479 = arith.constant 7812 : i32
      %lt3A_480 = arith.cmpi slt, %add3A_478, %lt3A_479 : i32
      %convert_element_type3A_481 = arith.extui %lt3A_480 : i1 to i32
      %cond3A_482 = arith.constant 0 : i32
      %cond3A_483 = arith.cmpi ne, %convert_element_type3A_481, %cond3A_482 : i32
      scf.if %cond3A_483 {
        %dma_wait3A_496 = arith.constant 0 : i32
        %dma_wait3A_497 = arith.constant 0 : i32
        %dma_wait3A_498 = tpu.memref_slice %arg2[%dma_wait3A_496, %dma_wait3A_497] : memref<64x1000001xf32, #tpu.memory_space<hbm>> -> memref<64x128xf32, #tpu.memory_space<hbm>>
        %dma_wait3A_499 = arith.constant 0 : i32
        %dma_wait3A_500 = arith.constant 0 : i32
        %dma_wait3A_501 = tpu.memref_slice %arg2[%dma_wait3A_499, %dma_wait3A_500] : memref<64x1000001xf32, #tpu.memory_space<hbm>> -> memref<64x128xf32, #tpu.memory_space<hbm>>
        tpu.wait_dma2 semaphore(%arg10 : memref<!tpu.dma_semaphore, #tpu.memory_space<semaphore_mem>>) src(%dma_wait3A_501 : memref<64x128xf32, #tpu.memory_space<hbm>>) dst(%arg5 : memref<64x128xf32, #tpu.memory_space<vmem>>)
        %add3A_502 = arith.constant 32 : i32
        %add3A_503 = arith.addi %add3A_478, %add3A_502 : i32
        %lt3A_504 = arith.constant 7812 : i32
        %lt3A_505 = arith.cmpi slt, %add3A_503, %lt3A_504 : i32
        %convert_element_type3A_506 = arith.extui %lt3A_505 : i1 to i32
        %cond3A_507 = arith.constant 0 : i32
        %cond3A_508 = arith.cmpi ne, %convert_element_type3A_506, %cond3A_507 : i32
        scf.if %cond3A_508 {
          %add3A_525 = arith.constant 32 : i32
          %add3A_526 = arith.addi %add3A_478, %add3A_525 : i32
          %mul3A_527 = arith.constant 128 : i32
          %mul3A_528 = arith.muli %add3A_526, %mul3A_527 : i32
          %dma_start3A_529 = arith.constant 0 : i32
          %dma_start3A_530 = tpu.memref_slice %arg2[%dma_start3A_529, %mul3A_528] : memref<64x1000001xf32, #tpu.memory_space<hbm>> -> memref<64x128xf32, #tpu.memory_space<hbm>>
          %dma_start3A_531 = arith.constant 0 : i32
          %dma_start3A_532 = tpu.memref_slice %arg2[%dma_start3A_531, %mul3A_528] : memref<64x1000001xf32, #tpu.memory_space<hbm>> -> memref<64x128xf32, #tpu.memory_space<hbm>>
          tpu.enqueue_dma source(%dma_start3A_532 : memref<64x128xf32, #tpu.memory_space<hbm>>) target(%arg6 : memref<64x128xf32, #tpu.memory_space<vmem>>) target_semaphore(%arg11 : memref<!tpu.dma_semaphore, #tpu.memory_space<semaphore_mem>>)
        } else {
        }
        %ge3A = arith.constant 2 : i32
        %ge3A_509 = arith.cmpi sge, %add3A_475, %ge3A : i32
        %convert_element_type3A_510 = arith.extui %ge3A_509 : i1 to i32
        %cond3A_511 = arith.constant 0 : i32
        %cond3A_512 = arith.cmpi ne, %convert_element_type3A_510, %cond3A_511 : i32
        scf.if %cond3A_512 {
          %dma_wait3A_525 = arith.constant 0 : i32
          %dma_wait3A_526 = arith.constant 0 : i32
          %dma_wait3A_527 = tpu.memref_slice %arg4[%dma_wait3A_525, %dma_wait3A_526] : memref<500008x128xf32, #tpu.memory_space<hbm>> -> memref<64x128xf32, #tpu.memory_space<hbm>>
          %dma_wait3A_528 = arith.constant 0 : i32
          %dma_wait3A_529 = arith.constant 0 : i32
          %dma_wait3A_530 = tpu.memref_slice %arg4[%dma_wait3A_528, %dma_wait3A_529] : memref<500008x128xf32, #tpu.memory_space<hbm>> -> memref<64x128xf32, #tpu.memory_space<hbm>>
          tpu.wait_dma2 semaphore(%arg12 : memref<!tpu.dma_semaphore, #tpu.memory_space<semaphore_mem>>) src(%arg7 : memref<64x128xf32, #tpu.memory_space<vmem>>) dst(%dma_wait3A_530 : memref<64x128xf32, #tpu.memory_space<hbm>>)
        } else {
        }
        %scan3A_513 = arith.constant 0 : i32
        %scan3A_514 = arith.constant 0 : i32
        %scan3A_515 = arith.constant 16 : i32
        %scan3A_516 = arith.addi %scan3A_514, %scan3A_515 : i32
        %scan3A_517 = arith.constant 1 : i32
        scf.for %scan3A_525 = %scan3A_514 to %scan3A_516 step %scan3A_517  : i32 {
          %jit3A_526 = arith.constant 2 : i32
          %div3A_527 = arith.divsi %scan3A_525, %jit3A_526 : i32
          %sign3A_528 = arith.constant 0 : i32
          %sign3A_529 = arith.cmpi sgt, %scan3A_525, %sign3A_528 : i32
          %sign3A_530 = arith.extui %sign3A_529 : i1 to i32
          %sign3A_531 = arith.constant 0 : i32
          %sign3A_532 = arith.cmpi slt, %scan3A_525, %sign3A_531 : i32
          %sign3A_533 = arith.extui %sign3A_532 : i1 to i32
          %sign3A_534 = arith.subi %sign3A_530, %sign3A_533 : i32
          %sign3A_535 = arith.constant 0 : i32
          %sign3A_536 = arith.cmpi sgt, %jit3A_526, %sign3A_535 : i32
          %sign3A_537 = arith.extui %sign3A_536 : i1 to i32
          %sign3A_538 = arith.constant 0 : i32
          %sign3A_539 = arith.cmpi slt, %jit3A_526, %sign3A_538 : i32
          %sign3A_540 = arith.extui %sign3A_539 : i1 to i32
          %sign3A_541 = arith.subi %sign3A_537, %sign3A_540 : i32
          %ne3A_542 = arith.cmpi ne, %sign3A_534, %sign3A_541 : i32
          %rem3A_543 = arith.remsi %scan3A_525, %jit3A_526 : i32
          %ne3A_544 = arith.constant 0 : i32
          %ne3A_545 = arith.cmpi ne, %rem3A_543, %ne3A_544 : i32
          %and3A_546 = arith.andi %ne3A_542, %ne3A_545 : i1
          %sub3A_547 = arith.constant 1 : i32
          %sub3A_548 = arith.subi %div3A_527, %sub3A_547 : i32
          %select_n3A_549 = arith.select %and3A_546, %sub3A_548, %div3A_527 : i32
          %mul3A_550 = arith.constant 16 : i32
          %mul3A_551 = arith.muli %select_n3A_549, %mul3A_550 : i32
          %jit3A_552 = arith.constant 2 : i32
          %eq3A_553 = arith.constant 0 : i32
          %eq3A_554 = arith.cmpi eq, %jit3A_552, %eq3A_553 : i32
          %jit3A_555 = arith.constant 1 : i32
          %select_n3A_556 = arith.select %eq3A_554, %jit3A_555, %jit3A_552 : i32
          %rem3A_557 = arith.remsi %scan3A_525, %select_n3A_556 : i32
          %ne3A_558 = arith.constant 0 : i32
          %ne3A_559 = arith.cmpi ne, %rem3A_557, %ne3A_558 : i32
          %lt3A_560 = arith.constant 0 : i32
          %lt3A_561 = arith.cmpi slt, %rem3A_557, %lt3A_560 : i32
          %lt3A_562 = arith.constant 0 : i32
          %lt3A_563 = arith.cmpi slt, %select_n3A_556, %lt3A_562 : i32
          %ne3A_564 = arith.xori %lt3A_561, %lt3A_563 : i1
          %and3A_565 = arith.andi %ne3A_564, %ne3A_559 : i1
          %add3A_566 = arith.addi %rem3A_557, %select_n3A_556 : i32
          %select_n3A_567 = arith.select %and3A_565, %add3A_566, %rem3A_557 : i32
          %mul3A_568 = arith.constant 32 : i32
          %mul3A_569 = arith.muli %select_n3A_567, %mul3A_568 : i32
          %add3A_570 = vector.broadcast %mul3A_551 : i32 to vector<16xi32>
          %add3A_571 = arith.addi %add3A_570, %iota3A : vector<16xi32>
          %jit3A_572 = arith.constant 2 : i32
          %div3A_573 = arith.divsi %mul3A_551, %jit3A_572 : i32
          %sign3A_574 = arith.constant 0 : i32
          %sign3A_575 = arith.cmpi sgt, %mul3A_551, %sign3A_574 : i32
          %sign3A_576 = arith.extui %sign3A_575 : i1 to i32
          %sign3A_577 = arith.constant 0 : i32
          %sign3A_578 = arith.cmpi slt, %mul3A_551, %sign3A_577 : i32
          %sign3A_579 = arith.extui %sign3A_578 : i1 to i32
          %sign3A_580 = arith.subi %sign3A_576, %sign3A_579 : i32
          %sign3A_581 = arith.constant 0 : i32
          %sign3A_582 = arith.cmpi sgt, %jit3A_572, %sign3A_581 : i32
          %sign3A_583 = arith.extui %sign3A_582 : i1 to i32
          %sign3A_584 = arith.constant 0 : i32
          %sign3A_585 = arith.cmpi slt, %jit3A_572, %sign3A_584 : i32
          %sign3A_586 = arith.extui %sign3A_585 : i1 to i32
          %sign3A_587 = arith.subi %sign3A_583, %sign3A_586 : i32
          %ne3A_588 = arith.cmpi ne, %sign3A_580, %sign3A_587 : i32
          %rem3A_589 = arith.remsi %mul3A_551, %jit3A_572 : i32
          %ne3A_590 = arith.constant 0 : i32
          %ne3A_591 = arith.cmpi ne, %rem3A_589, %ne3A_590 : i32
          %and3A_592 = arith.andi %ne3A_588, %ne3A_591 : i1
          %sub3A_593 = arith.constant 1 : i32
          %sub3A_594 = arith.subi %div3A_573, %sub3A_593 : i32
          %select_n3A_595 = arith.select %and3A_592, %sub3A_594, %div3A_573 : i32
          %add3A_596 = vector.broadcast %select_n3A_595 : i32 to vector<16xi32>
          %add3A_597 = arith.addi %add3A_596, %select_n3A_421 : vector<16xi32>
          %add3A_598 = vector.broadcast %mul3A_569 : i32 to vector<16xi32>
          %add3A_599 = arith.addi %add3A_598, %select_n3A_18 : vector<16xi32>
          %add3A_600 = arith.constant 16 : i32
          %add3A_601 = arith.addi %mul3A_569, %add3A_600 : i32
          %add3A_602 = vector.broadcast %add3A_601 : i32 to vector<16xi32>
          %add3A_603 = arith.addi %add3A_602, %select_n3A_18 : vector<16xi32>
          %gather3A = tpu.vector_load_idx %arg5[%add3A_599, %add3A_571] : memref<64x128xf32, #tpu.memory_space<vmem>>[vector<16xi32>, vector<16xi32>], vector<16xf32>,
          %gather3A_604 = tpu.vector_load_idx %arg5[%add3A_603, %add3A_571] : memref<64x128xf32, #tpu.memory_space<vmem>>[vector<16xi32>, vector<16xi32>], vector<16xf32>,
          %add3A_605 = arith.addi %add3A_599, %mul3A_446 : vector<16xi32>
          tpu.vector_store_idx %arg7[%add3A_597, %add3A_605], %gather3A : memref<64x128xf32, #tpu.memory_space<vmem>>[vector<16xi32>, vector<16xi32>], vector<16xf32>,
          %add3A_606 = arith.addi %add3A_603, %mul3A_446 : vector<16xi32>
          tpu.vector_store_idx %arg7[%add3A_597, %add3A_606], %gather3A_604 : memref<64x128xf32, #tpu.memory_space<vmem>>[vector<16xi32>, vector<16xi32>], vector<16xf32>,
          %add3A_607 = vector.broadcast %mul3A_569 : i32 to vector<16xi32>
          %add3A_608 = arith.addi %add3A_607, %select_n3A_43 : vector<16xi32>
          %add3A_609 = arith.constant 16 : i32
          %add3A_610 = arith.addi %mul3A_569, %add3A_609 : i32
          %add3A_611 = vector.broadcast %add3A_610 : i32 to vector<16xi32>
          %add3A_612 = arith.addi %add3A_611, %select_n3A_43 : vector<16xi32>
          %gather3A_613 = tpu.vector_load_idx %arg5[%add3A_608, %add3A_571] : memref<64x128xf32, #tpu.memory_space<vmem>>[vector<16xi32>, vector<16xi32>], vector<16xf32>,
          %gather3A_614 = tpu.vector_load_idx %arg5[%add3A_612, %add3A_571] : memref<64x128xf32, #tpu.memory_space<vmem>>[vector<16xi32>, vector<16xi32>], vector<16xf32>,
          %add3A_615 = arith.addi %add3A_608, %mul3A_446 : vector<16xi32>
          tpu.vector_store_idx %arg7[%add3A_597, %add3A_615], %gather3A_613 : memref<64x128xf32, #tpu.memory_space<vmem>>[vector<16xi32>, vector<16xi32>], vector<16xf32>,
          %add3A_616 = arith.addi %add3A_612, %mul3A_446 : vector<16xi32>
          tpu.vector_store_idx %arg7[%add3A_597, %add3A_616], %gather3A_614 : memref<64x128xf32, #tpu.memory_space<vmem>>[vector<16xi32>, vector<16xi32>], vector<16xf32>,
          %add3A_617 = vector.broadcast %mul3A_569 : i32 to vector<16xi32>
          %add3A_618 = arith.addi %add3A_617, %select_n3A_68 : vector<16xi32>
          %add3A_619 = arith.constant 16 : i32
          %add3A_620 = arith.addi %mul3A_569, %add3A_619 : i32
          %add3A_621 = vector.broadcast %add3A_620 : i32 to vector<16xi32>
          %add3A_622 = arith.addi %add3A_621, %select_n3A_68 : vector<16xi32>
          %gather3A_623 = tpu.vector_load_idx %arg5[%add3A_618, %add3A_571] : memref<64x128xf32, #tpu.memory_space<vmem>>[vector<16xi32>, vector<16xi32>], vector<16xf32>,
          %gather3A_624 = tpu.vector_load_idx %arg5[%add3A_622, %add3A_571] : memref<64x128xf32, #tpu.memory_space<vmem>>[vector<16xi32>, vector<16xi32>], vector<16xf32>,
          %add3A_625 = arith.addi %add3A_618, %mul3A_446 : vector<16xi32>
          tpu.vector_store_idx %arg7[%add3A_597, %add3A_625], %gather3A_623 : memref<64x128xf32, #tpu.memory_space<vmem>>[vector<16xi32>, vector<16xi32>], vector<16xf32>,
          %add3A_626 = arith.addi %add3A_622, %mul3A_446 : vector<16xi32>
          tpu.vector_store_idx %arg7[%add3A_597, %add3A_626], %gather3A_624 : memref<64x128xf32, #tpu.memory_space<vmem>>[vector<16xi32>, vector<16xi32>], vector<16xf32>,
          %add3A_627 = vector.broadcast %mul3A_569 : i32 to vector<16xi32>
          %add3A_628 = arith.addi %add3A_627, %select_n3A_93 : vector<16xi32>
          %add3A_629 = arith.constant 16 : i32
          %add3A_630 = arith.addi %mul3A_569, %add3A_629 : i32
          %add3A_631 = vector.broadcast %add3A_630 : i32 to vector<16xi32>
          %add3A_632 = arith.addi %add3A_631, %select_n3A_93 : vector<16xi32>
          %gather3A_633 = tpu.vector_load_idx %arg5[%add3A_628, %add3A_571] : memref<64x128xf32, #tpu.memory_space<vmem>>[vector<16xi32>, vector<16xi32>], vector<16xf32>,
          %gather3A_634 = tpu.vector_load_idx %arg5[%add3A_632, %add3A_571] : memref<64x128xf32, #tpu.memory_space<vmem>>[vector<16xi32>, vector<16xi32>], vector<16xf32>,
          %add3A_635 = arith.addi %add3A_628, %mul3A_446 : vector<16xi32>
          tpu.vector_store_idx %arg7[%add3A_597, %add3A_635], %gather3A_633 : memref<64x128xf32, #tpu.memory_space<vmem>>[vector<16xi32>, vector<16xi32>], vector<16xf32>,
          %add3A_636 = arith.addi %add3A_632, %mul3A_446 : vector<16xi32>
          tpu.vector_store_idx %arg7[%add3A_597, %add3A_636], %gather3A_634 : memref<64x128xf32, #tpu.memory_space<vmem>>[vector<16xi32>, vector<16xi32>], vector<16xf32>,
          %add3A_637 = vector.broadcast %mul3A_569 : i32 to vector<16xi32>
          %add3A_638 = arith.addi %add3A_637, %select_n3A_118 : vector<16xi32>
          %add3A_639 = arith.constant 16 : i32
          %add3A_640 = arith.addi %mul3A_569, %add3A_639 : i32
          %add3A_641 = vector.broadcast %add3A_640 : i32 to vector<16xi32>
          %add3A_642 = arith.addi %add3A_641, %select_n3A_118 : vector<16xi32>
          %gather3A_643 = tpu.vector_load_idx %arg5[%add3A_638, %add3A_571] : memref<64x128xf32, #tpu.memory_space<vmem>>[vector<16xi32>, vector<16xi32>], vector<16xf32>,
          %gather3A_644 = tpu.vector_load_idx %arg5[%add3A_642, %add3A_571] : memref<64x128xf32, #tpu.memory_space<vmem>>[vector<16xi32>, vector<16xi32>], vector<16xf32>,
          %add3A_645 = arith.addi %add3A_638, %mul3A_446 : vector<16xi32>
          tpu.vector_store_idx %arg7[%add3A_597, %add3A_645], %gather3A_643 : memref<64x128xf32, #tpu.memory_space<vmem>>[vector<16xi32>, vector<16xi32>], vector<16xf32>,
          %add3A_646 = arith.addi %add3A_642, %mul3A_446 : vector<16xi32>
          tpu.vector_store_idx %arg7[%add3A_597, %add3A_646], %gather3A_644 : memref<64x128xf32, #tpu.memory_space<vmem>>[vector<16xi32>, vector<16xi32>], vector<16xf32>,
          %add3A_647 = vector.broadcast %mul3A_569 : i32 to vector<16xi32>
          %add3A_648 = arith.addi %add3A_647, %select_n3A_143 : vector<16xi32>
          %add3A_649 = arith.constant 16 : i32
          %add3A_650 = arith.addi %mul3A_569, %add3A_649 : i32
          %add3A_651 = vector.broadcast %add3A_650 : i32 to vector<16xi32>
          %add3A_652 = arith.addi %add3A_651, %select_n3A_143 : vector<16xi32>
          %gather3A_653 = tpu.vector_load_idx %arg5[%add3A_648, %add3A_571] : memref<64x128xf32, #tpu.memory_space<vmem>>[vector<16xi32>, vector<16xi32>], vector<16xf32>,
          %gather3A_654 = tpu.vector_load_idx %arg5[%add3A_652, %add3A_571] : memref<64x128xf32, #tpu.memory_space<vmem>>[vector<16xi32>, vector<16xi32>], vector<16xf32>,
          %add3A_655 = arith.addi %add3A_648, %mul3A_446 : vector<16xi32>
          tpu.vector_store_idx %arg7[%add3A_597, %add3A_655], %gather3A_653 : memref<64x128xf32, #tpu.memory_space<vmem>>[vector<16xi32>, vector<16xi32>], vector<16xf32>,
          %add3A_656 = arith.addi %add3A_652, %mul3A_446 : vector<16xi32>
          tpu.vector_store_idx %arg7[%add3A_597, %add3A_656], %gather3A_654 : memref<64x128xf32, #tpu.memory_space<vmem>>[vector<16xi32>, vector<16xi32>], vector<16xf32>,
          %add3A_657 = vector.broadcast %mul3A_569 : i32 to vector<16xi32>
          %add3A_658 = arith.addi %add3A_657, %select_n3A_168 : vector<16xi32>
          %add3A_659 = arith.constant 16 : i32
          %add3A_660 = arith.addi %mul3A_569, %add3A_659 : i32
          %add3A_661 = vector.broadcast %add3A_660 : i32 to vector<16xi32>
          %add3A_662 = arith.addi %add3A_661, %select_n3A_168 : vector<16xi32>
          %gather3A_663 = tpu.vector_load_idx %arg5[%add3A_658, %add3A_571] : memref<64x128xf32, #tpu.memory_space<vmem>>[vector<16xi32>, vector<16xi32>], vector<16xf32>,
          %gather3A_664 = tpu.vector_load_idx %arg5[%add3A_662, %add3A_571] : memref<64x128xf32, #tpu.memory_space<vmem>>[vector<16xi32>, vector<16xi32>], vector<16xf32>,
          %add3A_665 = arith.addi %add3A_658, %mul3A_446 : vector<16xi32>
          tpu.vector_store_idx %arg7[%add3A_597, %add3A_665], %gather3A_663 : memref<64x128xf32, #tpu.memory_space<vmem>>[vector<16xi32>, vector<16xi32>], vector<16xf32>,
          %add3A_666 = arith.addi %add3A_662, %mul3A_446 : vector<16xi32>
          tpu.vector_store_idx %arg7[%add3A_597, %add3A_666], %gather3A_664 : memref<64x128xf32, #tpu.memory_space<vmem>>[vector<16xi32>, vector<16xi32>], vector<16xf32>,
          %add3A_667 = vector.broadcast %mul3A_569 : i32 to vector<16xi32>
          %add3A_668 = arith.addi %add3A_667, %select_n3A_193 : vector<16xi32>
          %add3A_669 = arith.constant 16 : i32
          %add3A_670 = arith.addi %mul3A_569, %add3A_669 : i32
          %add3A_671 = vector.broadcast %add3A_670 : i32 to vector<16xi32>
          %add3A_672 = arith.addi %add3A_671, %select_n3A_193 : vector<16xi32>
          %gather3A_673 = tpu.vector_load_idx %arg5[%add3A_668, %add3A_571] : memref<64x128xf32, #tpu.memory_space<vmem>>[vector<16xi32>, vector<16xi32>], vector<16xf32>,
          %gather3A_674 = tpu.vector_load_idx %arg5[%add3A_672, %add3A_571] : memref<64x128xf32, #tpu.memory_space<vmem>>[vector<16xi32>, vector<16xi32>], vector<16xf32>,
          %add3A_675 = arith.addi %add3A_668, %mul3A_446 : vector<16xi32>
          tpu.vector_store_idx %arg7[%add3A_597, %add3A_675], %gather3A_673 : memref<64x128xf32, #tpu.memory_space<vmem>>[vector<16xi32>, vector<16xi32>], vector<16xf32>,
          %add3A_676 = arith.addi %add3A_672, %mul3A_446 : vector<16xi32>
          tpu.vector_store_idx %arg7[%add3A_597, %add3A_676], %gather3A_674 : memref<64x128xf32, #tpu.memory_space<vmem>>[vector<16xi32>, vector<16xi32>], vector<16xf32>,
          %add3A_677 = vector.broadcast %mul3A_569 : i32 to vector<16xi32>
          %add3A_678 = arith.addi %add3A_677, %select_n3A_218 : vector<16xi32>
          %add3A_679 = arith.constant 16 : i32
          %add3A_680 = arith.addi %mul3A_569, %add3A_679 : i32
          %add3A_681 = vector.broadcast %add3A_680 : i32 to vector<16xi32>
          %add3A_682 = arith.addi %add3A_681, %select_n3A_218 : vector<16xi32>
          %gather3A_683 = tpu.vector_load_idx %arg5[%add3A_678, %add3A_571] : memref<64x128xf32, #tpu.memory_space<vmem>>[vector<16xi32>, vector<16xi32>], vector<16xf32>,
          %gather3A_684 = tpu.vector_load_idx %arg5[%add3A_682, %add3A_571] : memref<64x128xf32, #tpu.memory_space<vmem>>[vector<16xi32>, vector<16xi32>], vector<16xf32>,
          %add3A_685 = arith.addi %add3A_678, %mul3A_446 : vector<16xi32>
          tpu.vector_store_idx %arg7[%add3A_597, %add3A_685], %gather3A_683 : memref<64x128xf32, #tpu.memory_space<vmem>>[vector<16xi32>, vector<16xi32>], vector<16xf32>,
          %add3A_686 = arith.addi %add3A_682, %mul3A_446 : vector<16xi32>
          tpu.vector_store_idx %arg7[%add3A_597, %add3A_686], %gather3A_684 : memref<64x128xf32, #tpu.memory_space<vmem>>[vector<16xi32>, vector<16xi32>], vector<16xf32>,
          %add3A_687 = vector.broadcast %mul3A_569 : i32 to vector<16xi32>
          %add3A_688 = arith.addi %add3A_687, %select_n3A_243 : vector<16xi32>
          %add3A_689 = arith.constant 16 : i32
          %add3A_690 = arith.addi %mul3A_569, %add3A_689 : i32
          %add3A_691 = vector.broadcast %add3A_690 : i32 to vector<16xi32>
          %add3A_692 = arith.addi %add3A_691, %select_n3A_243 : vector<16xi32>
          %gather3A_693 = tpu.vector_load_idx %arg5[%add3A_688, %add3A_571] : memref<64x128xf32, #tpu.memory_space<vmem>>[vector<16xi32>, vector<16xi32>], vector<16xf32>,
          %gather3A_694 = tpu.vector_load_idx %arg5[%add3A_692, %add3A_571] : memref<64x128xf32, #tpu.memory_space<vmem>>[vector<16xi32>, vector<16xi32>], vector<16xf32>,
          %add3A_695 = arith.addi %add3A_688, %mul3A_446 : vector<16xi32>
          tpu.vector_store_idx %arg7[%add3A_597, %add3A_695], %gather3A_693 : memref<64x128xf32, #tpu.memory_space<vmem>>[vector<16xi32>, vector<16xi32>], vector<16xf32>,
          %add3A_696 = arith.addi %add3A_692, %mul3A_446 : vector<16xi32>
          tpu.vector_store_idx %arg7[%add3A_597, %add3A_696], %gather3A_694 : memref<64x128xf32, #tpu.memory_space<vmem>>[vector<16xi32>, vector<16xi32>], vector<16xf32>,
          %add3A_697 = vector.broadcast %mul3A_569 : i32 to vector<16xi32>
          %add3A_698 = arith.addi %add3A_697, %select_n3A_268 : vector<16xi32>
          %add3A_699 = arith.constant 16 : i32
          %add3A_700 = arith.addi %mul3A_569, %add3A_699 : i32
          %add3A_701 = vector.broadcast %add3A_700 : i32 to vector<16xi32>
          %add3A_702 = arith.addi %add3A_701, %select_n3A_268 : vector<16xi32>
          %gather3A_703 = tpu.vector_load_idx %arg5[%add3A_698, %add3A_571] : memref<64x128xf32, #tpu.memory_space<vmem>>[vector<16xi32>, vector<16xi32>], vector<16xf32>,
          %gather3A_704 = tpu.vector_load_idx %arg5[%add3A_702, %add3A_571] : memref<64x128xf32, #tpu.memory_space<vmem>>[vector<16xi32>, vector<16xi32>], vector<16xf32>,
          %add3A_705 = arith.addi %add3A_698, %mul3A_446 : vector<16xi32>
          tpu.vector_store_idx %arg7[%add3A_597, %add3A_705], %gather3A_703 : memref<64x128xf32, #tpu.memory_space<vmem>>[vector<16xi32>, vector<16xi32>], vector<16xf32>,
          %add3A_706 = arith.addi %add3A_702, %mul3A_446 : vector<16xi32>
          tpu.vector_store_idx %arg7[%add3A_597, %add3A_706], %gather3A_704 : memref<64x128xf32, #tpu.memory_space<vmem>>[vector<16xi32>, vector<16xi32>], vector<16xf32>,
          %add3A_707 = vector.broadcast %mul3A_569 : i32 to vector<16xi32>
          %add3A_708 = arith.addi %add3A_707, %select_n3A_293 : vector<16xi32>
          %add3A_709 = arith.constant 16 : i32
          %add3A_710 = arith.addi %mul3A_569, %add3A_709 : i32
          %add3A_711 = vector.broadcast %add3A_710 : i32 to vector<16xi32>
          %add3A_712 = arith.addi %add3A_711, %select_n3A_293 : vector<16xi32>
          %gather3A_713 = tpu.vector_load_idx %arg5[%add3A_708, %add3A_571] : memref<64x128xf32, #tpu.memory_space<vmem>>[vector<16xi32>, vector<16xi32>], vector<16xf32>,
          %gather3A_714 = tpu.vector_load_idx %arg5[%add3A_712, %add3A_571] : memref<64x128xf32, #tpu.memory_space<vmem>>[vector<16xi32>, vector<16xi32>], vector<16xf32>,
          %add3A_715 = arith.addi %add3A_708, %mul3A_446 : vector<16xi32>
          tpu.vector_store_idx %arg7[%add3A_597, %add3A_715], %gather3A_713 : memref<64x128xf32, #tpu.memory_space<vmem>>[vector<16xi32>, vector<16xi32>], vector<16xf32>,
          %add3A_716 = arith.addi %add3A_712, %mul3A_446 : vector<16xi32>
          tpu.vector_store_idx %arg7[%add3A_597, %add3A_716], %gather3A_714 : memref<64x128xf32, #tpu.memory_space<vmem>>[vector<16xi32>, vector<16xi32>], vector<16xf32>,
          %add3A_717 = vector.broadcast %mul3A_569 : i32 to vector<16xi32>
          %add3A_718 = arith.addi %add3A_717, %select_n3A_318 : vector<16xi32>
          %add3A_719 = arith.constant 16 : i32
          %add3A_720 = arith.addi %mul3A_569, %add3A_719 : i32
          %add3A_721 = vector.broadcast %add3A_720 : i32 to vector<16xi32>
          %add3A_722 = arith.addi %add3A_721, %select_n3A_318 : vector<16xi32>
          %gather3A_723 = tpu.vector_load_idx %arg5[%add3A_718, %add3A_571] : memref<64x128xf32, #tpu.memory_space<vmem>>[vector<16xi32>, vector<16xi32>], vector<16xf32>,
          %gather3A_724 = tpu.vector_load_idx %arg5[%add3A_722, %add3A_571] : memref<64x128xf32, #tpu.memory_space<vmem>>[vector<16xi32>, vector<16xi32>], vector<16xf32>,
          %add3A_725 = arith.addi %add3A_718, %mul3A_446 : vector<16xi32>
          tpu.vector_store_idx %arg7[%add3A_597, %add3A_725], %gather3A_723 : memref<64x128xf32, #tpu.memory_space<vmem>>[vector<16xi32>, vector<16xi32>], vector<16xf32>,
          %add3A_726 = arith.addi %add3A_722, %mul3A_446 : vector<16xi32>
          tpu.vector_store_idx %arg7[%add3A_597, %add3A_726], %gather3A_724 : memref<64x128xf32, #tpu.memory_space<vmem>>[vector<16xi32>, vector<16xi32>], vector<16xf32>,
          %add3A_727 = vector.broadcast %mul3A_569 : i32 to vector<16xi32>
          %add3A_728 = arith.addi %add3A_727, %select_n3A_343 : vector<16xi32>
          %add3A_729 = arith.constant 16 : i32
          %add3A_730 = arith.addi %mul3A_569, %add3A_729 : i32
          %add3A_731 = vector.broadcast %add3A_730 : i32 to vector<16xi32>
          %add3A_732 = arith.addi %add3A_731, %select_n3A_343 : vector<16xi32>
          %gather3A_733 = tpu.vector_load_idx %arg5[%add3A_728, %add3A_571] : memref<64x128xf32, #tpu.memory_space<vmem>>[vector<16xi32>, vector<16xi32>], vector<16xf32>,
          %gather3A_734 = tpu.vector_load_idx %arg5[%add3A_732, %add3A_571] : memref<64x128xf32, #tpu.memory_space<vmem>>[vector<16xi32>, vector<16xi32>], vector<16xf32>,
          %add3A_735 = arith.addi %add3A_728, %mul3A_446 : vector<16xi32>
          tpu.vector_store_idx %arg7[%add3A_597, %add3A_735], %gather3A_733 : memref<64x128xf32, #tpu.memory_space<vmem>>[vector<16xi32>, vector<16xi32>], vector<16xf32>,
          %add3A_736 = arith.addi %add3A_732, %mul3A_446 : vector<16xi32>
          tpu.vector_store_idx %arg7[%add3A_597, %add3A_736], %gather3A_734 : memref<64x128xf32, #tpu.memory_space<vmem>>[vector<16xi32>, vector<16xi32>], vector<16xf32>,
          %add3A_737 = vector.broadcast %mul3A_569 : i32 to vector<16xi32>
          %add3A_738 = arith.addi %add3A_737, %select_n3A_368 : vector<16xi32>
          %add3A_739 = arith.constant 16 : i32
          %add3A_740 = arith.addi %mul3A_569, %add3A_739 : i32
          %add3A_741 = vector.broadcast %add3A_740 : i32 to vector<16xi32>
          %add3A_742 = arith.addi %add3A_741, %select_n3A_368 : vector<16xi32>
          %gather3A_743 = tpu.vector_load_idx %arg5[%add3A_738, %add3A_571] : memref<64x128xf32, #tpu.memory_space<vmem>>[vector<16xi32>, vector<16xi32>], vector<16xf32>,
          %gather3A_744 = tpu.vector_load_idx %arg5[%add3A_742, %add3A_571] : memref<64x128xf32, #tpu.memory_space<vmem>>[vector<16xi32>, vector<16xi32>], vector<16xf32>,
          %add3A_745 = arith.addi %add3A_738, %mul3A_446 : vector<16xi32>
          tpu.vector_store_idx %arg7[%add3A_597, %add3A_745], %gather3A_743 : memref<64x128xf32, #tpu.memory_space<vmem>>[vector<16xi32>, vector<16xi32>], vector<16xf32>,
          %add3A_746 = arith.addi %add3A_742, %mul3A_446 : vector<16xi32>
          tpu.vector_store_idx %arg7[%add3A_597, %add3A_746], %gather3A_744 : memref<64x128xf32, #tpu.memory_space<vmem>>[vector<16xi32>, vector<16xi32>], vector<16xf32>,
          %add3A_747 = vector.broadcast %mul3A_569 : i32 to vector<16xi32>
          %add3A_748 = arith.addi %add3A_747, %select_n3A_393 : vector<16xi32>
          %add3A_749 = arith.constant 16 : i32
          %add3A_750 = arith.addi %mul3A_569, %add3A_749 : i32
          %add3A_751 = vector.broadcast %add3A_750 : i32 to vector<16xi32>
          %add3A_752 = arith.addi %add3A_751, %select_n3A_393 : vector<16xi32>
          %gather3A_753 = tpu.vector_load_idx %arg5[%add3A_748, %add3A_571] : memref<64x128xf32, #tpu.memory_space<vmem>>[vector<16xi32>, vector<16xi32>], vector<16xf32>,
          %gather3A_754 = tpu.vector_load_idx %arg5[%add3A_752, %add3A_571] : memref<64x128xf32, #tpu.memory_space<vmem>>[vector<16xi32>, vector<16xi32>], vector<16xf32>,
          %add3A_755 = arith.addi %add3A_748, %mul3A_446 : vector<16xi32>
          tpu.vector_store_idx %arg7[%add3A_597, %add3A_755], %gather3A_753 : memref<64x128xf32, #tpu.memory_space<vmem>>[vector<16xi32>, vector<16xi32>], vector<16xf32>,
          %add3A_756 = arith.addi %add3A_752, %mul3A_446 : vector<16xi32>
          tpu.vector_store_idx %arg7[%add3A_597, %add3A_756], %gather3A_754 : memref<64x128xf32, #tpu.memory_space<vmem>>[vector<16xi32>, vector<16xi32>], vector<16xf32>,
        }
        %scan3A_518 = arith.constant 16 : i32
        %mul3A_519 = arith.constant 64 : i32
        %mul3A_520 = arith.muli %add3A_478, %mul3A_519 : i32
        %dma_start3A_521 = arith.constant 0 : i32
        %dma_start3A_522 = tpu.memref_slice %arg4[%mul3A_520, %dma_start3A_521] : memref<500008x128xf32, #tpu.memory_space<hbm>> -> memref<64x128xf32, #tpu.memory_space<hbm>>
        %dma_start3A_523 = arith.constant 0 : i32
        %dma_start3A_524 = tpu.memref_slice %arg4[%mul3A_520, %dma_start3A_523] : memref<500008x128xf32, #tpu.memory_space<hbm>> -> memref<64x128xf32, #tpu.memory_space<hbm>>
        tpu.enqueue_dma source(%arg7 : memref<64x128xf32, #tpu.memory_space<vmem>>) target(%dma_start3A_524 : memref<64x128xf32, #tpu.memory_space<hbm>>) target_semaphore(%arg12 : memref<!tpu.dma_semaphore, #tpu.memory_space<semaphore_mem>>)
      } else {
      }
      %mul3A_484 = arith.constant 2 : i32
      %mul3A_485 = arith.muli %mul3A_484, %scan3A_471 : i32
      %add3A_486 = arith.constant 1 : i32
      %add3A_487 = arith.addi %mul3A_485, %add3A_486 : i32
      %mul3A_488 = arith.constant 32 : i32
      %mul3A_489 = arith.muli %mul3A_488, %add3A_487 : i32
      %add3A_490 = arith.addi %add3A, %mul3A_489 : i32
      %lt3A_491 = arith.constant 7812 : i32
      %lt3A_492 = arith.cmpi slt, %add3A_490, %lt3A_491 : i32
      %convert_element_type3A_493 = arith.extui %lt3A_492 : i1 to i32
      %cond3A_494 = arith.constant 0 : i32
      %cond3A_495 = arith.cmpi ne, %convert_element_type3A_493, %cond3A_494 : i32
      scf.if %cond3A_495 {
        %dma_wait3A_496 = arith.constant 0 : i32
        %dma_wait3A_497 = arith.constant 0 : i32
        %dma_wait3A_498 = tpu.memref_slice %arg2[%dma_wait3A_496, %dma_wait3A_497] : memref<64x1000001xf32, #tpu.memory_space<hbm>> -> memref<64x128xf32, #tpu.memory_space<hbm>>
        %dma_wait3A_499 = arith.constant 0 : i32
        %dma_wait3A_500 = arith.constant 0 : i32
        %dma_wait3A_501 = tpu.memref_slice %arg2[%dma_wait3A_499, %dma_wait3A_500] : memref<64x1000001xf32, #tpu.memory_space<hbm>> -> memref<64x128xf32, #tpu.memory_space<hbm>>
        tpu.wait_dma2 semaphore(%arg11 : memref<!tpu.dma_semaphore, #tpu.memory_space<semaphore_mem>>) src(%dma_wait3A_501 : memref<64x128xf32, #tpu.memory_space<hbm>>) dst(%arg6 : memref<64x128xf32, #tpu.memory_space<vmem>>)
        %add3A_502 = arith.constant 32 : i32
        %add3A_503 = arith.addi %add3A_490, %add3A_502 : i32
        %lt3A_504 = arith.constant 7812 : i32
        %lt3A_505 = arith.cmpi slt, %add3A_503, %lt3A_504 : i32
        %convert_element_type3A_506 = arith.extui %lt3A_505 : i1 to i32
        %cond3A_507 = arith.constant 0 : i32
        %cond3A_508 = arith.cmpi ne, %convert_element_type3A_506, %cond3A_507 : i32
        scf.if %cond3A_508 {
          %add3A_525 = arith.constant 32 : i32
          %add3A_526 = arith.addi %add3A_490, %add3A_525 : i32
          %mul3A_527 = arith.constant 128 : i32
          %mul3A_528 = arith.muli %add3A_526, %mul3A_527 : i32
          %dma_start3A_529 = arith.constant 0 : i32
          %dma_start3A_530 = tpu.memref_slice %arg2[%dma_start3A_529, %mul3A_528] : memref<64x1000001xf32, #tpu.memory_space<hbm>> -> memref<64x128xf32, #tpu.memory_space<hbm>>
          %dma_start3A_531 = arith.constant 0 : i32
          %dma_start3A_532 = tpu.memref_slice %arg2[%dma_start3A_531, %mul3A_528] : memref<64x1000001xf32, #tpu.memory_space<hbm>> -> memref<64x128xf32, #tpu.memory_space<hbm>>
          tpu.enqueue_dma source(%dma_start3A_532 : memref<64x128xf32, #tpu.memory_space<hbm>>) target(%arg5 : memref<64x128xf32, #tpu.memory_space<vmem>>) target_semaphore(%arg10 : memref<!tpu.dma_semaphore, #tpu.memory_space<semaphore_mem>>)
        } else {
        }
        %ge3A = arith.constant 2 : i32
        %ge3A_509 = arith.cmpi sge, %add3A_487, %ge3A : i32
        %convert_element_type3A_510 = arith.extui %ge3A_509 : i1 to i32
        %cond3A_511 = arith.constant 0 : i32
        %cond3A_512 = arith.cmpi ne, %convert_element_type3A_510, %cond3A_511 : i32
        scf.if %cond3A_512 {
          %dma_wait3A_525 = arith.constant 0 : i32
          %dma_wait3A_526 = arith.constant 0 : i32
          %dma_wait3A_527 = tpu.memref_slice %arg4[%dma_wait3A_525, %dma_wait3A_526] : memref<500008x128xf32, #tpu.memory_space<hbm>> -> memref<64x128xf32, #tpu.memory_space<hbm>>
          %dma_wait3A_528 = arith.constant 0 : i32
          %dma_wait3A_529 = arith.constant 0 : i32
          %dma_wait3A_530 = tpu.memref_slice %arg4[%dma_wait3A_528, %dma_wait3A_529] : memref<500008x128xf32, #tpu.memory_space<hbm>> -> memref<64x128xf32, #tpu.memory_space<hbm>>
          tpu.wait_dma2 semaphore(%arg13 : memref<!tpu.dma_semaphore, #tpu.memory_space<semaphore_mem>>) src(%arg8 : memref<64x128xf32, #tpu.memory_space<vmem>>) dst(%dma_wait3A_530 : memref<64x128xf32, #tpu.memory_space<hbm>>)
        } else {
        }
        %scan3A_513 = arith.constant 0 : i32
        %scan3A_514 = arith.constant 0 : i32
        %scan3A_515 = arith.constant 16 : i32
        %scan3A_516 = arith.addi %scan3A_514, %scan3A_515 : i32
        %scan3A_517 = arith.constant 1 : i32
        scf.for %scan3A_525 = %scan3A_514 to %scan3A_516 step %scan3A_517  : i32 {
          %jit3A_526 = arith.constant 2 : i32
          %div3A_527 = arith.divsi %scan3A_525, %jit3A_526 : i32
          %sign3A_528 = arith.constant 0 : i32
          %sign3A_529 = arith.cmpi sgt, %scan3A_525, %sign3A_528 : i32
          %sign3A_530 = arith.extui %sign3A_529 : i1 to i32
          %sign3A_531 = arith.constant 0 : i32
          %sign3A_532 = arith.cmpi slt, %scan3A_525, %sign3A_531 : i32
          %sign3A_533 = arith.extui %sign3A_532 : i1 to i32
          %sign3A_534 = arith.subi %sign3A_530, %sign3A_533 : i32
          %sign3A_535 = arith.constant 0 : i32
          %sign3A_536 = arith.cmpi sgt, %jit3A_526, %sign3A_535 : i32
          %sign3A_537 = arith.extui %sign3A_536 : i1 to i32
          %sign3A_538 = arith.constant 0 : i32
          %sign3A_539 = arith.cmpi slt, %jit3A_526, %sign3A_538 : i32
          %sign3A_540 = arith.extui %sign3A_539 : i1 to i32
          %sign3A_541 = arith.subi %sign3A_537, %sign3A_540 : i32
          %ne3A_542 = arith.cmpi ne, %sign3A_534, %sign3A_541 : i32
          %rem3A_543 = arith.remsi %scan3A_525, %jit3A_526 : i32
          %ne3A_544 = arith.constant 0 : i32
          %ne3A_545 = arith.cmpi ne, %rem3A_543, %ne3A_544 : i32
          %and3A_546 = arith.andi %ne3A_542, %ne3A_545 : i1
          %sub3A_547 = arith.constant 1 : i32
          %sub3A_548 = arith.subi %div3A_527, %sub3A_547 : i32
          %select_n3A_549 = arith.select %and3A_546, %sub3A_548, %div3A_527 : i32
          %mul3A_550 = arith.constant 16 : i32
          %mul3A_551 = arith.muli %select_n3A_549, %mul3A_550 : i32
          %jit3A_552 = arith.constant 2 : i32
          %eq3A_553 = arith.constant 0 : i32
          %eq3A_554 = arith.cmpi eq, %jit3A_552, %eq3A_553 : i32
          %jit3A_555 = arith.constant 1 : i32
          %select_n3A_556 = arith.select %eq3A_554, %jit3A_555, %jit3A_552 : i32
          %rem3A_557 = arith.remsi %scan3A_525, %select_n3A_556 : i32
          %ne3A_558 = arith.constant 0 : i32
          %ne3A_559 = arith.cmpi ne, %rem3A_557, %ne3A_558 : i32
          %lt3A_560 = arith.constant 0 : i32
          %lt3A_561 = arith.cmpi slt, %rem3A_557, %lt3A_560 : i32
          %lt3A_562 = arith.constant 0 : i32
          %lt3A_563 = arith.cmpi slt, %select_n3A_556, %lt3A_562 : i32
          %ne3A_564 = arith.xori %lt3A_561, %lt3A_563 : i1
          %and3A_565 = arith.andi %ne3A_564, %ne3A_559 : i1
          %add3A_566 = arith.addi %rem3A_557, %select_n3A_556 : i32
          %select_n3A_567 = arith.select %and3A_565, %add3A_566, %rem3A_557 : i32
          %mul3A_568 = arith.constant 32 : i32
          %mul3A_569 = arith.muli %select_n3A_567, %mul3A_568 : i32
          %add3A_570 = vector.broadcast %mul3A_551 : i32 to vector<16xi32>
          %add3A_571 = arith.addi %add3A_570, %iota3A : vector<16xi32>
          %jit3A_572 = arith.constant 2 : i32
          %div3A_573 = arith.divsi %mul3A_551, %jit3A_572 : i32
          %sign3A_574 = arith.constant 0 : i32
          %sign3A_575 = arith.cmpi sgt, %mul3A_551, %sign3A_574 : i32
          %sign3A_576 = arith.extui %sign3A_575 : i1 to i32
          %sign3A_577 = arith.constant 0 : i32
          %sign3A_578 = arith.cmpi slt, %mul3A_551, %sign3A_577 : i32
          %sign3A_579 = arith.extui %sign3A_578 : i1 to i32
          %sign3A_580 = arith.subi %sign3A_576, %sign3A_579 : i32
          %sign3A_581 = arith.constant 0 : i32
          %sign3A_582 = arith.cmpi sgt, %jit3A_572, %sign3A_581 : i32
          %sign3A_583 = arith.extui %sign3A_582 : i1 to i32
          %sign3A_584 = arith.constant 0 : i32
          %sign3A_585 = arith.cmpi slt, %jit3A_572, %sign3A_584 : i32
          %sign3A_586 = arith.extui %sign3A_585 : i1 to i32
          %sign3A_587 = arith.subi %sign3A_583, %sign3A_586 : i32
          %ne3A_588 = arith.cmpi ne, %sign3A_580, %sign3A_587 : i32
          %rem3A_589 = arith.remsi %mul3A_551, %jit3A_572 : i32
          %ne3A_590 = arith.constant 0 : i32
          %ne3A_591 = arith.cmpi ne, %rem3A_589, %ne3A_590 : i32
          %and3A_592 = arith.andi %ne3A_588, %ne3A_591 : i1
          %sub3A_593 = arith.constant 1 : i32
          %sub3A_594 = arith.subi %div3A_573, %sub3A_593 : i32
          %select_n3A_595 = arith.select %and3A_592, %sub3A_594, %div3A_573 : i32
          %add3A_596 = vector.broadcast %select_n3A_595 : i32 to vector<16xi32>
          %add3A_597 = arith.addi %add3A_596, %select_n3A_421 : vector<16xi32>
          %add3A_598 = vector.broadcast %mul3A_569 : i32 to vector<16xi32>
          %add3A_599 = arith.addi %add3A_598, %select_n3A_18 : vector<16xi32>
          %add3A_600 = arith.constant 16 : i32
          %add3A_601 = arith.addi %mul3A_569, %add3A_600 : i32
          %add3A_602 = vector.broadcast %add3A_601 : i32 to vector<16xi32>
          %add3A_603 = arith.addi %add3A_602, %select_n3A_18 : vector<16xi32>
          %gather3A = tpu.vector_load_idx %arg6[%add3A_599, %add3A_571] : memref<64x128xf32, #tpu.memory_space<vmem>>[vector<16xi32>, vector<16xi32>], vector<16xf32>,
          %gather3A_604 = tpu.vector_load_idx %arg6[%add3A_603, %add3A_571] : memref<64x128xf32, #tpu.memory_space<vmem>>[vector<16xi32>, vector<16xi32>], vector<16xf32>,
          %add3A_605 = arith.addi %add3A_599, %mul3A_446 : vector<16xi32>
          tpu.vector_store_idx %arg8[%add3A_597, %add3A_605], %gather3A : memref<64x128xf32, #tpu.memory_space<vmem>>[vector<16xi32>, vector<16xi32>], vector<16xf32>,
          %add3A_606 = arith.addi %add3A_603, %mul3A_446 : vector<16xi32>
          tpu.vector_store_idx %arg8[%add3A_597, %add3A_606], %gather3A_604 : memref<64x128xf32, #tpu.memory_space<vmem>>[vector<16xi32>, vector<16xi32>], vector<16xf32>,
          %add3A_607 = vector.broadcast %mul3A_569 : i32 to vector<16xi32>
          %add3A_608 = arith.addi %add3A_607, %select_n3A_43 : vector<16xi32>
          %add3A_609 = arith.constant 16 : i32
          %add3A_610 = arith.addi %mul3A_569, %add3A_609 : i32
          %add3A_611 = vector.broadcast %add3A_610 : i32 to vector<16xi32>
          %add3A_612 = arith.addi %add3A_611, %select_n3A_43 : vector<16xi32>
          %gather3A_613 = tpu.vector_load_idx %arg6[%add3A_608, %add3A_571] : memref<64x128xf32, #tpu.memory_space<vmem>>[vector<16xi32>, vector<16xi32>], vector<16xf32>,
          %gather3A_614 = tpu.vector_load_idx %arg6[%add3A_612, %add3A_571] : memref<64x128xf32, #tpu.memory_space<vmem>>[vector<16xi32>, vector<16xi32>], vector<16xf32>,
          %add3A_615 = arith.addi %add3A_608, %mul3A_446 : vector<16xi32>
          tpu.vector_store_idx %arg8[%add3A_597, %add3A_615], %gather3A_613 : memref<64x128xf32, #tpu.memory_space<vmem>>[vector<16xi32>, vector<16xi32>], vector<16xf32>,
          %add3A_616 = arith.addi %add3A_612, %mul3A_446 : vector<16xi32>
          tpu.vector_store_idx %arg8[%add3A_597, %add3A_616], %gather3A_614 : memref<64x128xf32, #tpu.memory_space<vmem>>[vector<16xi32>, vector<16xi32>], vector<16xf32>,
          %add3A_617 = vector.broadcast %mul3A_569 : i32 to vector<16xi32>
          %add3A_618 = arith.addi %add3A_617, %select_n3A_68 : vector<16xi32>
          %add3A_619 = arith.constant 16 : i32
          %add3A_620 = arith.addi %mul3A_569, %add3A_619 : i32
          %add3A_621 = vector.broadcast %add3A_620 : i32 to vector<16xi32>
          %add3A_622 = arith.addi %add3A_621, %select_n3A_68 : vector<16xi32>
          %gather3A_623 = tpu.vector_load_idx %arg6[%add3A_618, %add3A_571] : memref<64x128xf32, #tpu.memory_space<vmem>>[vector<16xi32>, vector<16xi32>], vector<16xf32>,
          %gather3A_624 = tpu.vector_load_idx %arg6[%add3A_622, %add3A_571] : memref<64x128xf32, #tpu.memory_space<vmem>>[vector<16xi32>, vector<16xi32>], vector<16xf32>,
          %add3A_625 = arith.addi %add3A_618, %mul3A_446 : vector<16xi32>
          tpu.vector_store_idx %arg8[%add3A_597, %add3A_625], %gather3A_623 : memref<64x128xf32, #tpu.memory_space<vmem>>[vector<16xi32>, vector<16xi32>], vector<16xf32>,
          %add3A_626 = arith.addi %add3A_622, %mul3A_446 : vector<16xi32>
          tpu.vector_store_idx %arg8[%add3A_597, %add3A_626], %gather3A_624 : memref<64x128xf32, #tpu.memory_space<vmem>>[vector<16xi32>, vector<16xi32>], vector<16xf32>,
          %add3A_627 = vector.broadcast %mul3A_569 : i32 to vector<16xi32>
          %add3A_628 = arith.addi %add3A_627, %select_n3A_93 : vector<16xi32>
          %add3A_629 = arith.constant 16 : i32
          %add3A_630 = arith.addi %mul3A_569, %add3A_629 : i32
          %add3A_631 = vector.broadcast %add3A_630 : i32 to vector<16xi32>
          %add3A_632 = arith.addi %add3A_631, %select_n3A_93 : vector<16xi32>
          %gather3A_633 = tpu.vector_load_idx %arg6[%add3A_628, %add3A_571] : memref<64x128xf32, #tpu.memory_space<vmem>>[vector<16xi32>, vector<16xi32>], vector<16xf32>,
          %gather3A_634 = tpu.vector_load_idx %arg6[%add3A_632, %add3A_571] : memref<64x128xf32, #tpu.memory_space<vmem>>[vector<16xi32>, vector<16xi32>], vector<16xf32>,
          %add3A_635 = arith.addi %add3A_628, %mul3A_446 : vector<16xi32>
          tpu.vector_store_idx %arg8[%add3A_597, %add3A_635], %gather3A_633 : memref<64x128xf32, #tpu.memory_space<vmem>>[vector<16xi32>, vector<16xi32>], vector<16xf32>,
          %add3A_636 = arith.addi %add3A_632, %mul3A_446 : vector<16xi32>
          tpu.vector_store_idx %arg8[%add3A_597, %add3A_636], %gather3A_634 : memref<64x128xf32, #tpu.memory_space<vmem>>[vector<16xi32>, vector<16xi32>], vector<16xf32>,
          %add3A_637 = vector.broadcast %mul3A_569 : i32 to vector<16xi32>
          %add3A_638 = arith.addi %add3A_637, %select_n3A_118 : vector<16xi32>
          %add3A_639 = arith.constant 16 : i32
          %add3A_640 = arith.addi %mul3A_569, %add3A_639 : i32
          %add3A_641 = vector.broadcast %add3A_640 : i32 to vector<16xi32>
          %add3A_642 = arith.addi %add3A_641, %select_n3A_118 : vector<16xi32>
          %gather3A_643 = tpu.vector_load_idx %arg6[%add3A_638, %add3A_571] : memref<64x128xf32, #tpu.memory_space<vmem>>[vector<16xi32>, vector<16xi32>], vector<16xf32>,
          %gather3A_644 = tpu.vector_load_idx %arg6[%add3A_642, %add3A_571] : memref<64x128xf32, #tpu.memory_space<vmem>>[vector<16xi32>, vector<16xi32>], vector<16xf32>,
          %add3A_645 = arith.addi %add3A_638, %mul3A_446 : vector<16xi32>
          tpu.vector_store_idx %arg8[%add3A_597, %add3A_645], %gather3A_643 : memref<64x128xf32, #tpu.memory_space<vmem>>[vector<16xi32>, vector<16xi32>], vector<16xf32>,
          %add3A_646 = arith.addi %add3A_642, %mul3A_446 : vector<16xi32>
          tpu.vector_store_idx %arg8[%add3A_597, %add3A_646], %gather3A_644 : memref<64x128xf32, #tpu.memory_space<vmem>>[vector<16xi32>, vector<16xi32>], vector<16xf32>,
          %add3A_647 = vector.broadcast %mul3A_569 : i32 to vector<16xi32>
          %add3A_648 = arith.addi %add3A_647, %select_n3A_143 : vector<16xi32>
          %add3A_649 = arith.constant 16 : i32
          %add3A_650 = arith.addi %mul3A_569, %add3A_649 : i32
          %add3A_651 = vector.broadcast %add3A_650 : i32 to vector<16xi32>
          %add3A_652 = arith.addi %add3A_651, %select_n3A_143 : vector<16xi32>
          %gather3A_653 = tpu.vector_load_idx %arg6[%add3A_648, %add3A_571] : memref<64x128xf32, #tpu.memory_space<vmem>>[vector<16xi32>, vector<16xi32>], vector<16xf32>,
          %gather3A_654 = tpu.vector_load_idx %arg6[%add3A_652, %add3A_571] : memref<64x128xf32, #tpu.memory_space<vmem>>[vector<16xi32>, vector<16xi32>], vector<16xf32>,
          %add3A_655 = arith.addi %add3A_648, %mul3A_446 : vector<16xi32>
          tpu.vector_store_idx %arg8[%add3A_597, %add3A_655], %gather3A_653 : memref<64x128xf32, #tpu.memory_space<vmem>>[vector<16xi32>, vector<16xi32>], vector<16xf32>,
          %add3A_656 = arith.addi %add3A_652, %mul3A_446 : vector<16xi32>
          tpu.vector_store_idx %arg8[%add3A_597, %add3A_656], %gather3A_654 : memref<64x128xf32, #tpu.memory_space<vmem>>[vector<16xi32>, vector<16xi32>], vector<16xf32>,
          %add3A_657 = vector.broadcast %mul3A_569 : i32 to vector<16xi32>
          %add3A_658 = arith.addi %add3A_657, %select_n3A_168 : vector<16xi32>
          %add3A_659 = arith.constant 16 : i32
          %add3A_660 = arith.addi %mul3A_569, %add3A_659 : i32
          %add3A_661 = vector.broadcast %add3A_660 : i32 to vector<16xi32>
          %add3A_662 = arith.addi %add3A_661, %select_n3A_168 : vector<16xi32>
          %gather3A_663 = tpu.vector_load_idx %arg6[%add3A_658, %add3A_571] : memref<64x128xf32, #tpu.memory_space<vmem>>[vector<16xi32>, vector<16xi32>], vector<16xf32>,
          %gather3A_664 = tpu.vector_load_idx %arg6[%add3A_662, %add3A_571] : memref<64x128xf32, #tpu.memory_space<vmem>>[vector<16xi32>, vector<16xi32>], vector<16xf32>,
          %add3A_665 = arith.addi %add3A_658, %mul3A_446 : vector<16xi32>
          tpu.vector_store_idx %arg8[%add3A_597, %add3A_665], %gather3A_663 : memref<64x128xf32, #tpu.memory_space<vmem>>[vector<16xi32>, vector<16xi32>], vector<16xf32>,
          %add3A_666 = arith.addi %add3A_662, %mul3A_446 : vector<16xi32>
          tpu.vector_store_idx %arg8[%add3A_597, %add3A_666], %gather3A_664 : memref<64x128xf32, #tpu.memory_space<vmem>>[vector<16xi32>, vector<16xi32>], vector<16xf32>,
          %add3A_667 = vector.broadcast %mul3A_569 : i32 to vector<16xi32>
          %add3A_668 = arith.addi %add3A_667, %select_n3A_193 : vector<16xi32>
          %add3A_669 = arith.constant 16 : i32
          %add3A_670 = arith.addi %mul3A_569, %add3A_669 : i32
          %add3A_671 = vector.broadcast %add3A_670 : i32 to vector<16xi32>
          %add3A_672 = arith.addi %add3A_671, %select_n3A_193 : vector<16xi32>
          %gather3A_673 = tpu.vector_load_idx %arg6[%add3A_668, %add3A_571] : memref<64x128xf32, #tpu.memory_space<vmem>>[vector<16xi32>, vector<16xi32>], vector<16xf32>,
          %gather3A_674 = tpu.vector_load_idx %arg6[%add3A_672, %add3A_571] : memref<64x128xf32, #tpu.memory_space<vmem>>[vector<16xi32>, vector<16xi32>], vector<16xf32>,
          %add3A_675 = arith.addi %add3A_668, %mul3A_446 : vector<16xi32>
          tpu.vector_store_idx %arg8[%add3A_597, %add3A_675], %gather3A_673 : memref<64x128xf32, #tpu.memory_space<vmem>>[vector<16xi32>, vector<16xi32>], vector<16xf32>,
          %add3A_676 = arith.addi %add3A_672, %mul3A_446 : vector<16xi32>
          tpu.vector_store_idx %arg8[%add3A_597, %add3A_676], %gather3A_674 : memref<64x128xf32, #tpu.memory_space<vmem>>[vector<16xi32>, vector<16xi32>], vector<16xf32>,
          %add3A_677 = vector.broadcast %mul3A_569 : i32 to vector<16xi32>
          %add3A_678 = arith.addi %add3A_677, %select_n3A_218 : vector<16xi32>
          %add3A_679 = arith.constant 16 : i32
          %add3A_680 = arith.addi %mul3A_569, %add3A_679 : i32
          %add3A_681 = vector.broadcast %add3A_680 : i32 to vector<16xi32>
          %add3A_682 = arith.addi %add3A_681, %select_n3A_218 : vector<16xi32>
          %gather3A_683 = tpu.vector_load_idx %arg6[%add3A_678, %add3A_571] : memref<64x128xf32, #tpu.memory_space<vmem>>[vector<16xi32>, vector<16xi32>], vector<16xf32>,
          %gather3A_684 = tpu.vector_load_idx %arg6[%add3A_682, %add3A_571] : memref<64x128xf32, #tpu.memory_space<vmem>>[vector<16xi32>, vector<16xi32>], vector<16xf32>,
          %add3A_685 = arith.addi %add3A_678, %mul3A_446 : vector<16xi32>
          tpu.vector_store_idx %arg8[%add3A_597, %add3A_685], %gather3A_683 : memref<64x128xf32, #tpu.memory_space<vmem>>[vector<16xi32>, vector<16xi32>], vector<16xf32>,
          %add3A_686 = arith.addi %add3A_682, %mul3A_446 : vector<16xi32>
          tpu.vector_store_idx %arg8[%add3A_597, %add3A_686], %gather3A_684 : memref<64x128xf32, #tpu.memory_space<vmem>>[vector<16xi32>, vector<16xi32>], vector<16xf32>,
          %add3A_687 = vector.broadcast %mul3A_569 : i32 to vector<16xi32>
          %add3A_688 = arith.addi %add3A_687, %select_n3A_243 : vector<16xi32>
          %add3A_689 = arith.constant 16 : i32
          %add3A_690 = arith.addi %mul3A_569, %add3A_689 : i32
          %add3A_691 = vector.broadcast %add3A_690 : i32 to vector<16xi32>
          %add3A_692 = arith.addi %add3A_691, %select_n3A_243 : vector<16xi32>
          %gather3A_693 = tpu.vector_load_idx %arg6[%add3A_688, %add3A_571] : memref<64x128xf32, #tpu.memory_space<vmem>>[vector<16xi32>, vector<16xi32>], vector<16xf32>,
          %gather3A_694 = tpu.vector_load_idx %arg6[%add3A_692, %add3A_571] : memref<64x128xf32, #tpu.memory_space<vmem>>[vector<16xi32>, vector<16xi32>], vector<16xf32>,
          %add3A_695 = arith.addi %add3A_688, %mul3A_446 : vector<16xi32>
          tpu.vector_store_idx %arg8[%add3A_597, %add3A_695], %gather3A_693 : memref<64x128xf32, #tpu.memory_space<vmem>>[vector<16xi32>, vector<16xi32>], vector<16xf32>,
          %add3A_696 = arith.addi %add3A_692, %mul3A_446 : vector<16xi32>
          tpu.vector_store_idx %arg8[%add3A_597, %add3A_696], %gather3A_694 : memref<64x128xf32, #tpu.memory_space<vmem>>[vector<16xi32>, vector<16xi32>], vector<16xf32>,
          %add3A_697 = vector.broadcast %mul3A_569 : i32 to vector<16xi32>
          %add3A_698 = arith.addi %add3A_697, %select_n3A_268 : vector<16xi32>
          %add3A_699 = arith.constant 16 : i32
          %add3A_700 = arith.addi %mul3A_569, %add3A_699 : i32
          %add3A_701 = vector.broadcast %add3A_700 : i32 to vector<16xi32>
          %add3A_702 = arith.addi %add3A_701, %select_n3A_268 : vector<16xi32>
          %gather3A_703 = tpu.vector_load_idx %arg6[%add3A_698, %add3A_571] : memref<64x128xf32, #tpu.memory_space<vmem>>[vector<16xi32>, vector<16xi32>], vector<16xf32>,
          %gather3A_704 = tpu.vector_load_idx %arg6[%add3A_702, %add3A_571] : memref<64x128xf32, #tpu.memory_space<vmem>>[vector<16xi32>, vector<16xi32>], vector<16xf32>,
          %add3A_705 = arith.addi %add3A_698, %mul3A_446 : vector<16xi32>
          tpu.vector_store_idx %arg8[%add3A_597, %add3A_705], %gather3A_703 : memref<64x128xf32, #tpu.memory_space<vmem>>[vector<16xi32>, vector<16xi32>], vector<16xf32>,
          %add3A_706 = arith.addi %add3A_702, %mul3A_446 : vector<16xi32>
          tpu.vector_store_idx %arg8[%add3A_597, %add3A_706], %gather3A_704 : memref<64x128xf32, #tpu.memory_space<vmem>>[vector<16xi32>, vector<16xi32>], vector<16xf32>,
          %add3A_707 = vector.broadcast %mul3A_569 : i32 to vector<16xi32>
          %add3A_708 = arith.addi %add3A_707, %select_n3A_293 : vector<16xi32>
          %add3A_709 = arith.constant 16 : i32
          %add3A_710 = arith.addi %mul3A_569, %add3A_709 : i32
          %add3A_711 = vector.broadcast %add3A_710 : i32 to vector<16xi32>
          %add3A_712 = arith.addi %add3A_711, %select_n3A_293 : vector<16xi32>
          %gather3A_713 = tpu.vector_load_idx %arg6[%add3A_708, %add3A_571] : memref<64x128xf32, #tpu.memory_space<vmem>>[vector<16xi32>, vector<16xi32>], vector<16xf32>,
          %gather3A_714 = tpu.vector_load_idx %arg6[%add3A_712, %add3A_571] : memref<64x128xf32, #tpu.memory_space<vmem>>[vector<16xi32>, vector<16xi32>], vector<16xf32>,
          %add3A_715 = arith.addi %add3A_708, %mul3A_446 : vector<16xi32>
          tpu.vector_store_idx %arg8[%add3A_597, %add3A_715], %gather3A_713 : memref<64x128xf32, #tpu.memory_space<vmem>>[vector<16xi32>, vector<16xi32>], vector<16xf32>,
          %add3A_716 = arith.addi %add3A_712, %mul3A_446 : vector<16xi32>
          tpu.vector_store_idx %arg8[%add3A_597, %add3A_716], %gather3A_714 : memref<64x128xf32, #tpu.memory_space<vmem>>[vector<16xi32>, vector<16xi32>], vector<16xf32>,
          %add3A_717 = vector.broadcast %mul3A_569 : i32 to vector<16xi32>
          %add3A_718 = arith.addi %add3A_717, %select_n3A_318 : vector<16xi32>
          %add3A_719 = arith.constant 16 : i32
          %add3A_720 = arith.addi %mul3A_569, %add3A_719 : i32
          %add3A_721 = vector.broadcast %add3A_720 : i32 to vector<16xi32>
          %add3A_722 = arith.addi %add3A_721, %select_n3A_318 : vector<16xi32>
          %gather3A_723 = tpu.vector_load_idx %arg6[%add3A_718, %add3A_571] : memref<64x128xf32, #tpu.memory_space<vmem>>[vector<16xi32>, vector<16xi32>], vector<16xf32>,
          %gather3A_724 = tpu.vector_load_idx %arg6[%add3A_722, %add3A_571] : memref<64x128xf32, #tpu.memory_space<vmem>>[vector<16xi32>, vector<16xi32>], vector<16xf32>,
          %add3A_725 = arith.addi %add3A_718, %mul3A_446 : vector<16xi32>
          tpu.vector_store_idx %arg8[%add3A_597, %add3A_725], %gather3A_723 : memref<64x128xf32, #tpu.memory_space<vmem>>[vector<16xi32>, vector<16xi32>], vector<16xf32>,
          %add3A_726 = arith.addi %add3A_722, %mul3A_446 : vector<16xi32>
          tpu.vector_store_idx %arg8[%add3A_597, %add3A_726], %gather3A_724 : memref<64x128xf32, #tpu.memory_space<vmem>>[vector<16xi32>, vector<16xi32>], vector<16xf32>,
          %add3A_727 = vector.broadcast %mul3A_569 : i32 to vector<16xi32>
          %add3A_728 = arith.addi %add3A_727, %select_n3A_343 : vector<16xi32>
          %add3A_729 = arith.constant 16 : i32
          %add3A_730 = arith.addi %mul3A_569, %add3A_729 : i32
          %add3A_731 = vector.broadcast %add3A_730 : i32 to vector<16xi32>
          %add3A_732 = arith.addi %add3A_731, %select_n3A_343 : vector<16xi32>
          %gather3A_733 = tpu.vector_load_idx %arg6[%add3A_728, %add3A_571] : memref<64x128xf32, #tpu.memory_space<vmem>>[vector<16xi32>, vector<16xi32>], vector<16xf32>,
          %gather3A_734 = tpu.vector_load_idx %arg6[%add3A_732, %add3A_571] : memref<64x128xf32, #tpu.memory_space<vmem>>[vector<16xi32>, vector<16xi32>], vector<16xf32>,
          %add3A_735 = arith.addi %add3A_728, %mul3A_446 : vector<16xi32>
          tpu.vector_store_idx %arg8[%add3A_597, %add3A_735], %gather3A_733 : memref<64x128xf32, #tpu.memory_space<vmem>>[vector<16xi32>, vector<16xi32>], vector<16xf32>,
          %add3A_736 = arith.addi %add3A_732, %mul3A_446 : vector<16xi32>
          tpu.vector_store_idx %arg8[%add3A_597, %add3A_736], %gather3A_734 : memref<64x128xf32, #tpu.memory_space<vmem>>[vector<16xi32>, vector<16xi32>], vector<16xf32>,
          %add3A_737 = vector.broadcast %mul3A_569 : i32 to vector<16xi32>
          %add3A_738 = arith.addi %add3A_737, %select_n3A_368 : vector<16xi32>
          %add3A_739 = arith.constant 16 : i32
          %add3A_740 = arith.addi %mul3A_569, %add3A_739 : i32
          %add3A_741 = vector.broadcast %add3A_740 : i32 to vector<16xi32>
          %add3A_742 = arith.addi %add3A_741, %select_n3A_368 : vector<16xi32>
          %gather3A_743 = tpu.vector_load_idx %arg6[%add3A_738, %add3A_571] : memref<64x128xf32, #tpu.memory_space<vmem>>[vector<16xi32>, vector<16xi32>], vector<16xf32>,
          %gather3A_744 = tpu.vector_load_idx %arg6[%add3A_742, %add3A_571] : memref<64x128xf32, #tpu.memory_space<vmem>>[vector<16xi32>, vector<16xi32>], vector<16xf32>,
          %add3A_745 = arith.addi %add3A_738, %mul3A_446 : vector<16xi32>
          tpu.vector_store_idx %arg8[%add3A_597, %add3A_745], %gather3A_743 : memref<64x128xf32, #tpu.memory_space<vmem>>[vector<16xi32>, vector<16xi32>], vector<16xf32>,
          %add3A_746 = arith.addi %add3A_742, %mul3A_446 : vector<16xi32>
          tpu.vector_store_idx %arg8[%add3A_597, %add3A_746], %gather3A_744 : memref<64x128xf32, #tpu.memory_space<vmem>>[vector<16xi32>, vector<16xi32>], vector<16xf32>,
          %add3A_747 = vector.broadcast %mul3A_569 : i32 to vector<16xi32>
          %add3A_748 = arith.addi %add3A_747, %select_n3A_393 : vector<16xi32>
          %add3A_749 = arith.constant 16 : i32
          %add3A_750 = arith.addi %mul3A_569, %add3A_749 : i32
          %add3A_751 = vector.broadcast %add3A_750 : i32 to vector<16xi32>
          %add3A_752 = arith.addi %add3A_751, %select_n3A_393 : vector<16xi32>
          %gather3A_753 = tpu.vector_load_idx %arg6[%add3A_748, %add3A_571] : memref<64x128xf32, #tpu.memory_space<vmem>>[vector<16xi32>, vector<16xi32>], vector<16xf32>,
          %gather3A_754 = tpu.vector_load_idx %arg6[%add3A_752, %add3A_571] : memref<64x128xf32, #tpu.memory_space<vmem>>[vector<16xi32>, vector<16xi32>], vector<16xf32>,
          %add3A_755 = arith.addi %add3A_748, %mul3A_446 : vector<16xi32>
          tpu.vector_store_idx %arg8[%add3A_597, %add3A_755], %gather3A_753 : memref<64x128xf32, #tpu.memory_space<vmem>>[vector<16xi32>, vector<16xi32>], vector<16xf32>,
          %add3A_756 = arith.addi %add3A_752, %mul3A_446 : vector<16xi32>
          tpu.vector_store_idx %arg8[%add3A_597, %add3A_756], %gather3A_754 : memref<64x128xf32, #tpu.memory_space<vmem>>[vector<16xi32>, vector<16xi32>], vector<16xf32>,
        }
        %scan3A_518 = arith.constant 16 : i32
        %mul3A_519 = arith.constant 64 : i32
        %mul3A_520 = arith.muli %add3A_490, %mul3A_519 : i32
        %dma_start3A_521 = arith.constant 0 : i32
        %dma_start3A_522 = tpu.memref_slice %arg4[%mul3A_520, %dma_start3A_521] : memref<500008x128xf32, #tpu.memory_space<hbm>> -> memref<64x128xf32, #tpu.memory_space<hbm>>
        %dma_start3A_523 = arith.constant 0 : i32
        %dma_start3A_524 = tpu.memref_slice %arg4[%mul3A_520, %dma_start3A_523] : memref<500008x128xf32, #tpu.memory_space<hbm>> -> memref<64x128xf32, #tpu.memory_space<hbm>>
        tpu.enqueue_dma source(%arg8 : memref<64x128xf32, #tpu.memory_space<vmem>>) target(%dma_start3A_524 : memref<64x128xf32, #tpu.memory_space<hbm>>) target_semaphore(%arg13 : memref<!tpu.dma_semaphore, #tpu.memory_space<semaphore_mem>>)
      } else {
      }
    }
    %scan3A_456 = arith.constant 123 : i32
    %dma_wait3A = arith.constant 0 : i32
    %dma_wait3A_457 = arith.constant 0 : i32
    %dma_wait3A_458 = tpu.memref_slice %arg4[%dma_wait3A, %dma_wait3A_457] : memref<500008x128xf32, #tpu.memory_space<hbm>> -> memref<64x128xf32, #tpu.memory_space<hbm>>
    %dma_wait3A_459 = arith.constant 0 : i32
    %dma_wait3A_460 = arith.constant 0 : i32
    %dma_wait3A_461 = tpu.memref_slice %arg4[%dma_wait3A_459, %dma_wait3A_460] : memref<500008x128xf32, #tpu.memory_space<hbm>> -> memref<64x128xf32, #tpu.memory_space<hbm>>
    tpu.wait_dma2 semaphore(%arg12 : memref<!tpu.dma_semaphore, #tpu.memory_space<semaphore_mem>>) src(%arg7 : memref<64x128xf32, #tpu.memory_space<vmem>>) dst(%dma_wait3A_461 : memref<64x128xf32, #tpu.memory_space<hbm>>)
    %dma_wait3A_462 = arith.constant 0 : i32
    %dma_wait3A_463 = arith.constant 0 : i32
    %dma_wait3A_464 = tpu.memref_slice %arg4[%dma_wait3A_462, %dma_wait3A_463] : memref<500008x128xf32, #tpu.memory_space<hbm>> -> memref<64x128xf32, #tpu.memory_space<hbm>>
    %dma_wait3A_465 = arith.constant 0 : i32
    %dma_wait3A_466 = arith.constant 0 : i32
    %dma_wait3A_467 = tpu.memref_slice %arg4[%dma_wait3A_465, %dma_wait3A_466] : memref<500008x128xf32, #tpu.memory_space<hbm>> -> memref<64x128xf32, #tpu.memory_space<hbm>>
    tpu.wait_dma2 semaphore(%arg13 : memref<!tpu.dma_semaphore, #tpu.memory_space<semaphore_mem>>) src(%arg8 : memref<64x128xf32, #tpu.memory_space<vmem>>) dst(%dma_wait3A_467 : memref<64x128xf32, #tpu.memory_space<hbm>>)
    %eq3A_468 = arith.constant 0 : i32
    %eq3A_469 = arith.cmpi eq, %add3A, %eq3A_468 : i32
    %convert_element_type3A = arith.extui %eq3A_469 : i1 to i32
    %cond3A = arith.constant 0 : i32
    %cond3A_470 = arith.cmpi ne, %convert_element_type3A, %cond3A : i32
    scf.if %cond3A_470 {
      "tpu.region"() ({
        %run_scoped3A = tpu.sem_alloc : memref<!tpu.dma_semaphore, #tpu.memory_space<semaphore_mem>>
        tpu.enqueue_dma source(%arg3 : memref<40x128xf32, #tpu.memory_space<hbm>>) target(%arg9 : memref<40x128xf32, #tpu.memory_space<vmem>>) target_semaphore(%run_scoped3A : memref<!tpu.dma_semaphore, #tpu.memory_space<semaphore_mem>>)
        tpu.wait_dma2 semaphore(%run_scoped3A : memref<!tpu.dma_semaphore, #tpu.memory_space<semaphore_mem>>) src(%arg3 : memref<40x128xf32, #tpu.memory_space<hbm>>) dst(%arg9 : memref<40x128xf32, #tpu.memory_space<vmem>>)
        tpu.yield
      }) : () -> ()
      "tpu.region"() ({
        %run_scoped3A = tpu.sem_alloc : memref<!tpu.dma_semaphore, #tpu.memory_space<semaphore_mem>>
        %dma_start3A_471 = arith.constant 499968 : i32
        %dma_start3A_472 = arith.constant 0 : i32
        %dma_start3A_473 = tpu.memref_slice %arg4[%dma_start3A_471, %dma_start3A_472] : memref<500008x128xf32, #tpu.memory_space<hbm>> -> memref<40x128xf32, #tpu.memory_space<hbm>>
        %dma_start3A_474 = arith.constant 499968 : i32
        %dma_start3A_475 = arith.constant 0 : i32
        %dma_start3A_476 = tpu.memref_slice %arg4[%dma_start3A_474, %dma_start3A_475] : memref<500008x128xf32, #tpu.memory_space<hbm>> -> memref<40x128xf32, #tpu.memory_space<hbm>>
        tpu.enqueue_dma source(%arg9 : memref<40x128xf32, #tpu.memory_space<vmem>>) target(%dma_start3A_476 : memref<40x128xf32, #tpu.memory_space<hbm>>) target_semaphore(%run_scoped3A : memref<!tpu.dma_semaphore, #tpu.memory_space<semaphore_mem>>)
        %dma_wait3A_477 = arith.constant 499968 : i32
        %dma_wait3A_478 = arith.constant 0 : i32
        %dma_wait3A_479 = tpu.memref_slice %arg4[%dma_wait3A_477, %dma_wait3A_478] : memref<500008x128xf32, #tpu.memory_space<hbm>> -> memref<40x128xf32, #tpu.memory_space<hbm>>
        %dma_wait3A_480 = arith.constant 499968 : i32
        %dma_wait3A_481 = arith.constant 0 : i32
        %dma_wait3A_482 = tpu.memref_slice %arg4[%dma_wait3A_480, %dma_wait3A_481] : memref<500008x128xf32, #tpu.memory_space<hbm>> -> memref<40x128xf32, #tpu.memory_space<hbm>>
        tpu.wait_dma2 semaphore(%run_scoped3A : memref<!tpu.dma_semaphore, #tpu.memory_space<semaphore_mem>>) src(%arg9 : memref<40x128xf32, #tpu.memory_space<vmem>>) dst(%dma_wait3A_482 : memref<40x128xf32, #tpu.memory_space<hbm>>)
        tpu.yield
      }) : () -> ()
    } else {
    }
    return
  }
}

#map = affine_map<(d0, d1) -> (0, 0)>
#map1 = affine_map<(d0, d1) -> (0, 0, 0)>
module attributes {stable_mosaic.version = 14 : i64} {
  func.func @k(%arg0: i32, %arg1: i32, %arg2: memref<10240x80xi32, #tpu.memory_space<hbm>>, %arg3: memref<1000016x64xf32, #tpu.memory_space<hbm>>, %arg4: memref<4096x200x128xf32, #tpu.memory_space<hbm>>, %arg5: memref<320x80xi32, #tpu.memory_space<vmem>>, %arg6: memref<800x64xf32, #tpu.memory_space<vmem>>, %arg7: memref<800x64xf32, #tpu.memory_space<vmem>>, %arg8: memref<!tpu.dma_semaphore, #tpu.memory_space<semaphore_mem>>, %arg9: memref<!tpu.dma_semaphore, #tpu.memory_space<semaphore_mem>>, %arg10: memref<!tpu.dma_semaphore, #tpu.memory_space<semaphore_mem>>, %arg11: memref<!tpu.dma_semaphore, #tpu.memory_space<semaphore_mem>>) attributes {dimension_semantics = [#tpu.dimension_semantics<core_parallel>, #tpu.dimension_semantics<subcore_parallel>], iteration_bounds = array<i64: 2, 16>, scalar_prefetch = 0 : i64, scratch_operands = 7 : i64, tpu.core_type = #tpu.core_type<sc_vector_subcore>, window_params = [{transform_indices = #map}, {transform_indices = #map}, {transform_indices = #map1}]} {
    %mul3A = arith.constant 2 : i32
    %mul3A_0 = arith.muli %arg1, %mul3A : i32
    %add3A = arith.addi %mul3A_0, %arg0 : i32
    %mul3A_1 = arith.constant 320 : i32
    %mul3A_2 = arith.muli %add3A, %mul3A_1 : i32
    "tpu.region"() ({
      %run_scoped3A = tpu.sem_alloc : memref<!tpu.dma_semaphore, #tpu.memory_space<semaphore_mem>>
      %dma_start3A_170 = arith.constant 0 : i32
      %dma_start3A_171 = tpu.memref_slice %arg2[%mul3A_2, %dma_start3A_170] : memref<10240x80xi32, #tpu.memory_space<hbm>> -> memref<320x80xi32, #tpu.memory_space<hbm>>
      %dma_start3A_172 = arith.constant 0 : i32
      %dma_start3A_173 = tpu.memref_slice %arg2[%mul3A_2, %dma_start3A_172] : memref<10240x80xi32, #tpu.memory_space<hbm>> -> memref<320x80xi32, #tpu.memory_space<hbm>>
      tpu.enqueue_dma source(%dma_start3A_173 : memref<320x80xi32, #tpu.memory_space<hbm>>) target(%arg5 : memref<320x80xi32, #tpu.memory_space<vmem>>) target_semaphore(%run_scoped3A : memref<!tpu.dma_semaphore, #tpu.memory_space<semaphore_mem>>)
      %dma_wait3A_174 = arith.constant 0 : i32
      %dma_wait3A_175 = tpu.memref_slice %arg2[%mul3A_2, %dma_wait3A_174] : memref<10240x80xi32, #tpu.memory_space<hbm>> -> memref<320x80xi32, #tpu.memory_space<hbm>>
      %dma_wait3A_176 = arith.constant 0 : i32
      %dma_wait3A_177 = tpu.memref_slice %arg2[%mul3A_2, %dma_wait3A_176] : memref<10240x80xi32, #tpu.memory_space<hbm>> -> memref<320x80xi32, #tpu.memory_space<hbm>>
      tpu.wait_dma2 semaphore(%run_scoped3A : memref<!tpu.dma_semaphore, #tpu.memory_space<semaphore_mem>>) src(%dma_wait3A_177 : memref<320x80xi32, #tpu.memory_space<hbm>>) dst(%arg5 : memref<320x80xi32, #tpu.memory_space<vmem>>)
      tpu.yield
    }) : () -> ()
    %mul3A_3 = arith.constant 32 : i32
    %mul3A_4 = arith.muli %add3A, %mul3A_3 : i32
    %mul3A_5 = arith.constant 4 : i32
    %mul3A_6 = arith.muli %mul3A_4, %mul3A_5 : i32
    %dma_start3A = arith.constant 0 : i32
    %dma_start3A_7 = arith.constant 0 : i32
    %dma_start3A_8 = arith.constant 0 : i32
    %dma_start3A_9 = tpu.memref_slice %arg6[%dma_start3A_7, %dma_start3A_8] : memref<800x64xf32, #tpu.memory_space<vmem>> -> memref<80x64xf32, #tpu.memory_space<vmem>>
    %dma_start3A_10 = arith.constant 0 : i32
    %dma_start3A_11 = tpu.memref_slice %arg5[%dma_start3A, %dma_start3A_10] : memref<320x80xi32, #tpu.memory_space<vmem>> -> memref<1x80xi32, #tpu.memory_space<vmem>>
    %dma_start3A_12 = tpu.memref_squeeze %dma_start3A_11 : memref<1x80xi32, #tpu.memory_space<vmem>> -> memref<80xi32, #tpu.memory_space<vmem>>
    %dma_start3A_13 = arith.constant 0 : i32
    %dma_start3A_14 = arith.constant 0 : i32
    %dma_start3A_15 = tpu.memref_slice %arg3[%dma_start3A_13, %dma_start3A_14] : memref<1000016x64xf32, #tpu.memory_space<hbm>> -> memref<1000016x64xf32, #tpu.memory_space<hbm>>
    tpu.enqueue_indirect_dma source(%dma_start3A_15 : memref<1000016x64xf32, #tpu.memory_space<hbm>>) target(%dma_start3A_9 : memref<80x64xf32, #tpu.memory_space<vmem>>) offsets(%dma_start3A_12 : memref<80xi32, #tpu.memory_space<vmem>>) semaphore(%arg8 : memref<!tpu.dma_semaphore, #tpu.memory_space<semaphore_mem>>)
    %dma_start3A_16 = arith.constant 1 : i32
    %dma_start3A_17 = arith.constant 80 : i32
    %dma_start3A_18 = arith.constant 0 : i32
    %dma_start3A_19 = tpu.memref_slice %arg6[%dma_start3A_17, %dma_start3A_18] : memref<800x64xf32, #tpu.memory_space<vmem>> -> memref<80x64xf32, #tpu.memory_space<vmem>>
    %dma_start3A_20 = arith.constant 0 : i32
    %dma_start3A_21 = tpu.memref_slice %arg5[%dma_start3A_16, %dma_start3A_20] : memref<320x80xi32, #tpu.memory_space<vmem>> -> memref<1x80xi32, #tpu.memory_space<vmem>>
    %dma_start3A_22 = tpu.memref_squeeze %dma_start3A_21 : memref<1x80xi32, #tpu.memory_space<vmem>> -> memref<80xi32, #tpu.memory_space<vmem>>
    %dma_start3A_23 = arith.constant 0 : i32
    %dma_start3A_24 = arith.constant 0 : i32
    %dma_start3A_25 = tpu.memref_slice %arg3[%dma_start3A_23, %dma_start3A_24] : memref<1000016x64xf32, #tpu.memory_space<hbm>> -> memref<1000016x64xf32, #tpu.memory_space<hbm>>
    tpu.enqueue_indirect_dma source(%dma_start3A_25 : memref<1000016x64xf32, #tpu.memory_space<hbm>>) target(%dma_start3A_19 : memref<80x64xf32, #tpu.memory_space<vmem>>) offsets(%dma_start3A_22 : memref<80xi32, #tpu.memory_space<vmem>>) semaphore(%arg8 : memref<!tpu.dma_semaphore, #tpu.memory_space<semaphore_mem>>)
    %dma_start3A_26 = arith.constant 2 : i32
    %dma_start3A_27 = arith.constant 160 : i32
    %dma_start3A_28 = arith.constant 0 : i32
    %dma_start3A_29 = tpu.memref_slice %arg6[%dma_start3A_27, %dma_start3A_28] : memref<800x64xf32, #tpu.memory_space<vmem>> -> memref<80x64xf32, #tpu.memory_space<vmem>>
    %dma_start3A_30 = arith.constant 0 : i32
    %dma_start3A_31 = tpu.memref_slice %arg5[%dma_start3A_26, %dma_start3A_30] : memref<320x80xi32, #tpu.memory_space<vmem>> -> memref<1x80xi32, #tpu.memory_space<vmem>>
    %dma_start3A_32 = tpu.memref_squeeze %dma_start3A_31 : memref<1x80xi32, #tpu.memory_space<vmem>> -> memref<80xi32, #tpu.memory_space<vmem>>
    %dma_start3A_33 = arith.constant 0 : i32
    %dma_start3A_34 = arith.constant 0 : i32
    %dma_start3A_35 = tpu.memref_slice %arg3[%dma_start3A_33, %dma_start3A_34] : memref<1000016x64xf32, #tpu.memory_space<hbm>> -> memref<1000016x64xf32, #tpu.memory_space<hbm>>
    tpu.enqueue_indirect_dma source(%dma_start3A_35 : memref<1000016x64xf32, #tpu.memory_space<hbm>>) target(%dma_start3A_29 : memref<80x64xf32, #tpu.memory_space<vmem>>) offsets(%dma_start3A_32 : memref<80xi32, #tpu.memory_space<vmem>>) semaphore(%arg8 : memref<!tpu.dma_semaphore, #tpu.memory_space<semaphore_mem>>)
    %dma_start3A_36 = arith.constant 3 : i32
    %dma_start3A_37 = arith.constant 240 : i32
    %dma_start3A_38 = arith.constant 0 : i32
    %dma_start3A_39 = tpu.memref_slice %arg6[%dma_start3A_37, %dma_start3A_38] : memref<800x64xf32, #tpu.memory_space<vmem>> -> memref<80x64xf32, #tpu.memory_space<vmem>>
    %dma_start3A_40 = arith.constant 0 : i32
    %dma_start3A_41 = tpu.memref_slice %arg5[%dma_start3A_36, %dma_start3A_40] : memref<320x80xi32, #tpu.memory_space<vmem>> -> memref<1x80xi32, #tpu.memory_space<vmem>>
    %dma_start3A_42 = tpu.memref_squeeze %dma_start3A_41 : memref<1x80xi32, #tpu.memory_space<vmem>> -> memref<80xi32, #tpu.memory_space<vmem>>
    %dma_start3A_43 = arith.constant 0 : i32
    %dma_start3A_44 = arith.constant 0 : i32
    %dma_start3A_45 = tpu.memref_slice %arg3[%dma_start3A_43, %dma_start3A_44] : memref<1000016x64xf32, #tpu.memory_space<hbm>> -> memref<1000016x64xf32, #tpu.memory_space<hbm>>
    tpu.enqueue_indirect_dma source(%dma_start3A_45 : memref<1000016x64xf32, #tpu.memory_space<hbm>>) target(%dma_start3A_39 : memref<80x64xf32, #tpu.memory_space<vmem>>) offsets(%dma_start3A_42 : memref<80xi32, #tpu.memory_space<vmem>>) semaphore(%arg8 : memref<!tpu.dma_semaphore, #tpu.memory_space<semaphore_mem>>)
    %dma_start3A_46 = arith.constant 4 : i32
    %dma_start3A_47 = arith.constant 320 : i32
    %dma_start3A_48 = arith.constant 0 : i32
    %dma_start3A_49 = tpu.memref_slice %arg6[%dma_start3A_47, %dma_start3A_48] : memref<800x64xf32, #tpu.memory_space<vmem>> -> memref<80x64xf32, #tpu.memory_space<vmem>>
    %dma_start3A_50 = arith.constant 0 : i32
    %dma_start3A_51 = tpu.memref_slice %arg5[%dma_start3A_46, %dma_start3A_50] : memref<320x80xi32, #tpu.memory_space<vmem>> -> memref<1x80xi32, #tpu.memory_space<vmem>>
    %dma_start3A_52 = tpu.memref_squeeze %dma_start3A_51 : memref<1x80xi32, #tpu.memory_space<vmem>> -> memref<80xi32, #tpu.memory_space<vmem>>
    %dma_start3A_53 = arith.constant 0 : i32
    %dma_start3A_54 = arith.constant 0 : i32
    %dma_start3A_55 = tpu.memref_slice %arg3[%dma_start3A_53, %dma_start3A_54] : memref<1000016x64xf32, #tpu.memory_space<hbm>> -> memref<1000016x64xf32, #tpu.memory_space<hbm>>
    tpu.enqueue_indirect_dma source(%dma_start3A_55 : memref<1000016x64xf32, #tpu.memory_space<hbm>>) target(%dma_start3A_49 : memref<80x64xf32, #tpu.memory_space<vmem>>) offsets(%dma_start3A_52 : memref<80xi32, #tpu.memory_space<vmem>>) semaphore(%arg8 : memref<!tpu.dma_semaphore, #tpu.memory_space<semaphore_mem>>)
    %dma_start3A_56 = arith.constant 5 : i32
    %dma_start3A_57 = arith.constant 400 : i32
    %dma_start3A_58 = arith.constant 0 : i32
    %dma_start3A_59 = tpu.memref_slice %arg6[%dma_start3A_57, %dma_start3A_58] : memref<800x64xf32, #tpu.memory_space<vmem>> -> memref<80x64xf32, #tpu.memory_space<vmem>>
    %dma_start3A_60 = arith.constant 0 : i32
    %dma_start3A_61 = tpu.memref_slice %arg5[%dma_start3A_56, %dma_start3A_60] : memref<320x80xi32, #tpu.memory_space<vmem>> -> memref<1x80xi32, #tpu.memory_space<vmem>>
    %dma_start3A_62 = tpu.memref_squeeze %dma_start3A_61 : memref<1x80xi32, #tpu.memory_space<vmem>> -> memref<80xi32, #tpu.memory_space<vmem>>
    %dma_start3A_63 = arith.constant 0 : i32
    %dma_start3A_64 = arith.constant 0 : i32
    %dma_start3A_65 = tpu.memref_slice %arg3[%dma_start3A_63, %dma_start3A_64] : memref<1000016x64xf32, #tpu.memory_space<hbm>> -> memref<1000016x64xf32, #tpu.memory_space<hbm>>
    tpu.enqueue_indirect_dma source(%dma_start3A_65 : memref<1000016x64xf32, #tpu.memory_space<hbm>>) target(%dma_start3A_59 : memref<80x64xf32, #tpu.memory_space<vmem>>) offsets(%dma_start3A_62 : memref<80xi32, #tpu.memory_space<vmem>>) semaphore(%arg8 : memref<!tpu.dma_semaphore, #tpu.memory_space<semaphore_mem>>)
    %dma_start3A_66 = arith.constant 6 : i32
    %dma_start3A_67 = arith.constant 480 : i32
    %dma_start3A_68 = arith.constant 0 : i32
    %dma_start3A_69 = tpu.memref_slice %arg6[%dma_start3A_67, %dma_start3A_68] : memref<800x64xf32, #tpu.memory_space<vmem>> -> memref<80x64xf32, #tpu.memory_space<vmem>>
    %dma_start3A_70 = arith.constant 0 : i32
    %dma_start3A_71 = tpu.memref_slice %arg5[%dma_start3A_66, %dma_start3A_70] : memref<320x80xi32, #tpu.memory_space<vmem>> -> memref<1x80xi32, #tpu.memory_space<vmem>>
    %dma_start3A_72 = tpu.memref_squeeze %dma_start3A_71 : memref<1x80xi32, #tpu.memory_space<vmem>> -> memref<80xi32, #tpu.memory_space<vmem>>
    %dma_start3A_73 = arith.constant 0 : i32
    %dma_start3A_74 = arith.constant 0 : i32
    %dma_start3A_75 = tpu.memref_slice %arg3[%dma_start3A_73, %dma_start3A_74] : memref<1000016x64xf32, #tpu.memory_space<hbm>> -> memref<1000016x64xf32, #tpu.memory_space<hbm>>
    tpu.enqueue_indirect_dma source(%dma_start3A_75 : memref<1000016x64xf32, #tpu.memory_space<hbm>>) target(%dma_start3A_69 : memref<80x64xf32, #tpu.memory_space<vmem>>) offsets(%dma_start3A_72 : memref<80xi32, #tpu.memory_space<vmem>>) semaphore(%arg8 : memref<!tpu.dma_semaphore, #tpu.memory_space<semaphore_mem>>)
    %dma_start3A_76 = arith.constant 7 : i32
    %dma_start3A_77 = arith.constant 560 : i32
    %dma_start3A_78 = arith.constant 0 : i32
    %dma_start3A_79 = tpu.memref_slice %arg6[%dma_start3A_77, %dma_start3A_78] : memref<800x64xf32, #tpu.memory_space<vmem>> -> memref<80x64xf32, #tpu.memory_space<vmem>>
    %dma_start3A_80 = arith.constant 0 : i32
    %dma_start3A_81 = tpu.memref_slice %arg5[%dma_start3A_76, %dma_start3A_80] : memref<320x80xi32, #tpu.memory_space<vmem>> -> memref<1x80xi32, #tpu.memory_space<vmem>>
    %dma_start3A_82 = tpu.memref_squeeze %dma_start3A_81 : memref<1x80xi32, #tpu.memory_space<vmem>> -> memref<80xi32, #tpu.memory_space<vmem>>
    %dma_start3A_83 = arith.constant 0 : i32
    %dma_start3A_84 = arith.constant 0 : i32
    %dma_start3A_85 = tpu.memref_slice %arg3[%dma_start3A_83, %dma_start3A_84] : memref<1000016x64xf32, #tpu.memory_space<hbm>> -> memref<1000016x64xf32, #tpu.memory_space<hbm>>
    tpu.enqueue_indirect_dma source(%dma_start3A_85 : memref<1000016x64xf32, #tpu.memory_space<hbm>>) target(%dma_start3A_79 : memref<80x64xf32, #tpu.memory_space<vmem>>) offsets(%dma_start3A_82 : memref<80xi32, #tpu.memory_space<vmem>>) semaphore(%arg8 : memref<!tpu.dma_semaphore, #tpu.memory_space<semaphore_mem>>)
    %dma_start3A_86 = arith.constant 8 : i32
    %dma_start3A_87 = arith.constant 640 : i32
    %dma_start3A_88 = arith.constant 0 : i32
    %dma_start3A_89 = tpu.memref_slice %arg6[%dma_start3A_87, %dma_start3A_88] : memref<800x64xf32, #tpu.memory_space<vmem>> -> memref<80x64xf32, #tpu.memory_space<vmem>>
    %dma_start3A_90 = arith.constant 0 : i32
    %dma_start3A_91 = tpu.memref_slice %arg5[%dma_start3A_86, %dma_start3A_90] : memref<320x80xi32, #tpu.memory_space<vmem>> -> memref<1x80xi32, #tpu.memory_space<vmem>>
    %dma_start3A_92 = tpu.memref_squeeze %dma_start3A_91 : memref<1x80xi32, #tpu.memory_space<vmem>> -> memref<80xi32, #tpu.memory_space<vmem>>
    %dma_start3A_93 = arith.constant 0 : i32
    %dma_start3A_94 = arith.constant 0 : i32
    %dma_start3A_95 = tpu.memref_slice %arg3[%dma_start3A_93, %dma_start3A_94] : memref<1000016x64xf32, #tpu.memory_space<hbm>> -> memref<1000016x64xf32, #tpu.memory_space<hbm>>
    tpu.enqueue_indirect_dma source(%dma_start3A_95 : memref<1000016x64xf32, #tpu.memory_space<hbm>>) target(%dma_start3A_89 : memref<80x64xf32, #tpu.memory_space<vmem>>) offsets(%dma_start3A_92 : memref<80xi32, #tpu.memory_space<vmem>>) semaphore(%arg8 : memref<!tpu.dma_semaphore, #tpu.memory_space<semaphore_mem>>)
    %dma_start3A_96 = arith.constant 9 : i32
    %dma_start3A_97 = arith.constant 720 : i32
    %dma_start3A_98 = arith.constant 0 : i32
    %dma_start3A_99 = tpu.memref_slice %arg6[%dma_start3A_97, %dma_start3A_98] : memref<800x64xf32, #tpu.memory_space<vmem>> -> memref<80x64xf32, #tpu.memory_space<vmem>>
    %dma_start3A_100 = arith.constant 0 : i32
    %dma_start3A_101 = tpu.memref_slice %arg5[%dma_start3A_96, %dma_start3A_100] : memref<320x80xi32, #tpu.memory_space<vmem>> -> memref<1x80xi32, #tpu.memory_space<vmem>>
    %dma_start3A_102 = tpu.memref_squeeze %dma_start3A_101 : memref<1x80xi32, #tpu.memory_space<vmem>> -> memref<80xi32, #tpu.memory_space<vmem>>
    %dma_start3A_103 = arith.constant 0 : i32
    %dma_start3A_104 = arith.constant 0 : i32
    %dma_start3A_105 = tpu.memref_slice %arg3[%dma_start3A_103, %dma_start3A_104] : memref<1000016x64xf32, #tpu.memory_space<hbm>> -> memref<1000016x64xf32, #tpu.memory_space<hbm>>
    tpu.enqueue_indirect_dma source(%dma_start3A_105 : memref<1000016x64xf32, #tpu.memory_space<hbm>>) target(%dma_start3A_99 : memref<80x64xf32, #tpu.memory_space<vmem>>) offsets(%dma_start3A_102 : memref<80xi32, #tpu.memory_space<vmem>>) semaphore(%arg8 : memref<!tpu.dma_semaphore, #tpu.memory_space<semaphore_mem>>)
    %scan3A = arith.constant 0 : i32
    %scan3A_106 = arith.constant 0 : i32
    %scan3A_107 = arith.constant 16 : i32
    %scan3A_108 = arith.addi %scan3A_106, %scan3A_107 : i32
    %scan3A_109 = arith.constant 1 : i32
    scf.for %scan3A_170 = %scan3A_106 to %scan3A_108 step %scan3A_109  : i32 {
      %mul3A_171 = arith.constant 2 : i32
      %mul3A_172 = arith.muli %mul3A_171, %scan3A_170 : i32
      %add3A_173 = arith.constant 0 : i32
      %add3A_174 = arith.addi %mul3A_172, %add3A_173 : i32
      %dma_wait3A_175 = arith.constant 0 : i32
      %dma_wait3A_176 = arith.constant 0 : i32
      %dma_wait3A_177 = tpu.memref_slice %arg3[%dma_wait3A_175, %dma_wait3A_176] : memref<1000016x64xf32, #tpu.memory_space<hbm>> -> memref<800x64xf32, #tpu.memory_space<hbm>>
      %dma_wait3A_178 = arith.constant 0 : i32
      %dma_wait3A_179 = arith.constant 0 : i32
      %dma_wait3A_180 = tpu.memref_slice %arg3[%dma_wait3A_178, %dma_wait3A_179] : memref<1000016x64xf32, #tpu.memory_space<hbm>> -> memref<800x64xf32, #tpu.memory_space<hbm>>
      tpu.wait_dma2 semaphore(%arg8 : memref<!tpu.dma_semaphore, #tpu.memory_space<semaphore_mem>>) src(%dma_wait3A_180 : memref<800x64xf32, #tpu.memory_space<hbm>>) dst(%arg6 : memref<800x64xf32, #tpu.memory_space<vmem>>)
      %mul3A_181 = arith.constant 4 : i32
      %mul3A_182 = arith.muli %add3A_174, %mul3A_181 : i32
      %add3A_183 = arith.addi %mul3A_6, %mul3A_182 : i32
      %add3A_184 = arith.constant 0 : i32
      %add3A_185 = arith.addi %add3A_183, %add3A_184 : i32
      %dma_start3A_186 = arith.constant 0 : i32
      %dma_start3A_187 = arith.constant 0 : i32
      %dma_start3A_188 = tpu.memref_slice %arg6[%dma_start3A_186, %dma_start3A_187] : memref<800x64xf32, #tpu.memory_space<vmem>> -> memref<200x64xf32, #tpu.memory_space<vmem>>
      %dma_start3A_189 = arith.constant 0 : i32
      %dma_start3A_190 = arith.constant 0 : i32
      %dma_start3A_191 = tpu.memref_slice %arg4[%add3A_185, %dma_start3A_189, %dma_start3A_190] : memref<4096x200x128xf32, #tpu.memory_space<hbm>> -> memref<1x200x64xf32, #tpu.memory_space<hbm>>
      %dma_start3A_192 = tpu.memref_squeeze %dma_start3A_191 : memref<1x200x64xf32, #tpu.memory_space<hbm>> -> memref<200x64xf32, #tpu.memory_space<hbm>>
      %dma_start3A_193 = arith.constant 0 : i32
      %dma_start3A_194 = arith.constant 0 : i32
      %dma_start3A_195 = tpu.memref_slice %arg4[%add3A_185, %dma_start3A_193, %dma_start3A_194] : memref<4096x200x128xf32, #tpu.memory_space<hbm>> -> memref<1x200x64xf32, #tpu.memory_space<hbm>>
      %dma_start3A_196 = tpu.memref_squeeze %dma_start3A_195 : memref<1x200x64xf32, #tpu.memory_space<hbm>> -> memref<200x64xf32, #tpu.memory_space<hbm>>
      %dma_start3A_197 = arith.constant 0 : i32
      %dma_start3A_198 = arith.constant 0 : i32
      %dma_start3A_199 = tpu.memref_slice %arg6[%dma_start3A_197, %dma_start3A_198] : memref<800x64xf32, #tpu.memory_space<vmem>> -> memref<200x64xf32, #tpu.memory_space<vmem>>
      tpu.enqueue_dma source(%dma_start3A_199 : memref<200x64xf32, #tpu.memory_space<vmem>>) target(%dma_start3A_196 : memref<200x64xf32, #tpu.memory_space<hbm>>) target_semaphore(%arg10 : memref<!tpu.dma_semaphore, #tpu.memory_space<semaphore_mem>>)
      %mul3A_200 = arith.constant 4 : i32
      %mul3A_201 = arith.muli %add3A_174, %mul3A_200 : i32
      %add3A_202 = arith.addi %mul3A_6, %mul3A_201 : i32
      %add3A_203 = arith.constant 1 : i32
      %add3A_204 = arith.addi %add3A_202, %add3A_203 : i32
      %dma_start3A_205 = arith.constant 200 : i32
      %dma_start3A_206 = arith.constant 0 : i32
      %dma_start3A_207 = tpu.memref_slice %arg6[%dma_start3A_205, %dma_start3A_206] : memref<800x64xf32, #tpu.memory_space<vmem>> -> memref<200x64xf32, #tpu.memory_space<vmem>>
      %dma_start3A_208 = arith.constant 0 : i32
      %dma_start3A_209 = arith.constant 0 : i32
      %dma_start3A_210 = tpu.memref_slice %arg4[%add3A_204, %dma_start3A_208, %dma_start3A_209] : memref<4096x200x128xf32, #tpu.memory_space<hbm>> -> memref<1x200x64xf32, #tpu.memory_space<hbm>>
      %dma_start3A_211 = tpu.memref_squeeze %dma_start3A_210 : memref<1x200x64xf32, #tpu.memory_space<hbm>> -> memref<200x64xf32, #tpu.memory_space<hbm>>
      %dma_start3A_212 = arith.constant 0 : i32
      %dma_start3A_213 = arith.constant 0 : i32
      %dma_start3A_214 = tpu.memref_slice %arg4[%add3A_204, %dma_start3A_212, %dma_start3A_213] : memref<4096x200x128xf32, #tpu.memory_space<hbm>> -> memref<1x200x64xf32, #tpu.memory_space<hbm>>
      %dma_start3A_215 = tpu.memref_squeeze %dma_start3A_214 : memref<1x200x64xf32, #tpu.memory_space<hbm>> -> memref<200x64xf32, #tpu.memory_space<hbm>>
      %dma_start3A_216 = arith.constant 200 : i32
      %dma_start3A_217 = arith.constant 0 : i32
      %dma_start3A_218 = tpu.memref_slice %arg6[%dma_start3A_216, %dma_start3A_217] : memref<800x64xf32, #tpu.memory_space<vmem>> -> memref<200x64xf32, #tpu.memory_space<vmem>>
      tpu.enqueue_dma source(%dma_start3A_218 : memref<200x64xf32, #tpu.memory_space<vmem>>) target(%dma_start3A_215 : memref<200x64xf32, #tpu.memory_space<hbm>>) target_semaphore(%arg10 : memref<!tpu.dma_semaphore, #tpu.memory_space<semaphore_mem>>)
      %mul3A_219 = arith.constant 4 : i32
      %mul3A_220 = arith.muli %add3A_174, %mul3A_219 : i32
      %add3A_221 = arith.addi %mul3A_6, %mul3A_220 : i32
      %add3A_222 = arith.constant 2 : i32
      %add3A_223 = arith.addi %add3A_221, %add3A_222 : i32
      %dma_start3A_224 = arith.constant 400 : i32
      %dma_start3A_225 = arith.constant 0 : i32
      %dma_start3A_226 = tpu.memref_slice %arg6[%dma_start3A_224, %dma_start3A_225] : memref<800x64xf32, #tpu.memory_space<vmem>> -> memref<200x64xf32, #tpu.memory_space<vmem>>
      %dma_start3A_227 = arith.constant 0 : i32
      %dma_start3A_228 = arith.constant 0 : i32
      %dma_start3A_229 = tpu.memref_slice %arg4[%add3A_223, %dma_start3A_227, %dma_start3A_228] : memref<4096x200x128xf32, #tpu.memory_space<hbm>> -> memref<1x200x64xf32, #tpu.memory_space<hbm>>
      %dma_start3A_230 = tpu.memref_squeeze %dma_start3A_229 : memref<1x200x64xf32, #tpu.memory_space<hbm>> -> memref<200x64xf32, #tpu.memory_space<hbm>>
      %dma_start3A_231 = arith.constant 0 : i32
      %dma_start3A_232 = arith.constant 0 : i32
      %dma_start3A_233 = tpu.memref_slice %arg4[%add3A_223, %dma_start3A_231, %dma_start3A_232] : memref<4096x200x128xf32, #tpu.memory_space<hbm>> -> memref<1x200x64xf32, #tpu.memory_space<hbm>>
      %dma_start3A_234 = tpu.memref_squeeze %dma_start3A_233 : memref<1x200x64xf32, #tpu.memory_space<hbm>> -> memref<200x64xf32, #tpu.memory_space<hbm>>
      %dma_start3A_235 = arith.constant 400 : i32
      %dma_start3A_236 = arith.constant 0 : i32
      %dma_start3A_237 = tpu.memref_slice %arg6[%dma_start3A_235, %dma_start3A_236] : memref<800x64xf32, #tpu.memory_space<vmem>> -> memref<200x64xf32, #tpu.memory_space<vmem>>
      tpu.enqueue_dma source(%dma_start3A_237 : memref<200x64xf32, #tpu.memory_space<vmem>>) target(%dma_start3A_234 : memref<200x64xf32, #tpu.memory_space<hbm>>) target_semaphore(%arg10 : memref<!tpu.dma_semaphore, #tpu.memory_space<semaphore_mem>>)
      %mul3A_238 = arith.constant 4 : i32
      %mul3A_239 = arith.muli %add3A_174, %mul3A_238 : i32
      %add3A_240 = arith.addi %mul3A_6, %mul3A_239 : i32
      %add3A_241 = arith.constant 3 : i32
      %add3A_242 = arith.addi %add3A_240, %add3A_241 : i32
      %dma_start3A_243 = arith.constant 600 : i32
      %dma_start3A_244 = arith.constant 0 : i32
      %dma_start3A_245 = tpu.memref_slice %arg6[%dma_start3A_243, %dma_start3A_244] : memref<800x64xf32, #tpu.memory_space<vmem>> -> memref<200x64xf32, #tpu.memory_space<vmem>>
      %dma_start3A_246 = arith.constant 0 : i32
      %dma_start3A_247 = arith.constant 0 : i32
      %dma_start3A_248 = tpu.memref_slice %arg4[%add3A_242, %dma_start3A_246, %dma_start3A_247] : memref<4096x200x128xf32, #tpu.memory_space<hbm>> -> memref<1x200x64xf32, #tpu.memory_space<hbm>>
      %dma_start3A_249 = tpu.memref_squeeze %dma_start3A_248 : memref<1x200x64xf32, #tpu.memory_space<hbm>> -> memref<200x64xf32, #tpu.memory_space<hbm>>
      %dma_start3A_250 = arith.constant 0 : i32
      %dma_start3A_251 = arith.constant 0 : i32
      %dma_start3A_252 = tpu.memref_slice %arg4[%add3A_242, %dma_start3A_250, %dma_start3A_251] : memref<4096x200x128xf32, #tpu.memory_space<hbm>> -> memref<1x200x64xf32, #tpu.memory_space<hbm>>
      %dma_start3A_253 = tpu.memref_squeeze %dma_start3A_252 : memref<1x200x64xf32, #tpu.memory_space<hbm>> -> memref<200x64xf32, #tpu.memory_space<hbm>>
      %dma_start3A_254 = arith.constant 600 : i32
      %dma_start3A_255 = arith.constant 0 : i32
      %dma_start3A_256 = tpu.memref_slice %arg6[%dma_start3A_254, %dma_start3A_255] : memref<800x64xf32, #tpu.memory_space<vmem>> -> memref<200x64xf32, #tpu.memory_space<vmem>>
      tpu.enqueue_dma source(%dma_start3A_256 : memref<200x64xf32, #tpu.memory_space<vmem>>) target(%dma_start3A_253 : memref<200x64xf32, #tpu.memory_space<hbm>>) target_semaphore(%arg10 : memref<!tpu.dma_semaphore, #tpu.memory_space<semaphore_mem>>)
      %ge3A = arith.constant 1 : i32
      %ge3A_257 = arith.cmpi sge, %add3A_174, %ge3A : i32
      %convert_element_type3A = arith.extui %ge3A_257 : i1 to i32
      %cond3A = arith.constant 0 : i32
      %cond3A_258 = arith.cmpi ne, %convert_element_type3A, %cond3A : i32
      scf.if %cond3A_258 {
        %dma_wait3A_363 = arith.constant 0 : i32
        %dma_wait3A_364 = arith.constant 0 : i32
        %dma_wait3A_365 = arith.constant 0 : i32
        %dma_wait3A_366 = tpu.memref_slice %arg7[%dma_wait3A_364, %dma_wait3A_365] : memref<800x64xf32, #tpu.memory_space<vmem>> -> memref<200x64xf32, #tpu.memory_space<vmem>>
        %dma_wait3A_367 = arith.constant 0 : i32
        %dma_wait3A_368 = arith.constant 0 : i32
        %dma_wait3A_369 = tpu.memref_slice %arg4[%dma_wait3A_363, %dma_wait3A_367, %dma_wait3A_368] : memref<4096x200x128xf32, #tpu.memory_space<hbm>> -> memref<1x200x64xf32, #tpu.memory_space<hbm>>
        %dma_wait3A_370 = tpu.memref_squeeze %dma_wait3A_369 : memref<1x200x64xf32, #tpu.memory_space<hbm>> -> memref<200x64xf32, #tpu.memory_space<hbm>>
        %dma_wait3A_371 = arith.constant 0 : i32
        %dma_wait3A_372 = arith.constant 0 : i32
        %dma_wait3A_373 = tpu.memref_slice %arg4[%dma_wait3A_363, %dma_wait3A_371, %dma_wait3A_372] : memref<4096x200x128xf32, #tpu.memory_space<hbm>> -> memref<1x200x64xf32, #tpu.memory_space<hbm>>
        %dma_wait3A_374 = tpu.memref_squeeze %dma_wait3A_373 : memref<1x200x64xf32, #tpu.memory_space<hbm>> -> memref<200x64xf32, #tpu.memory_space<hbm>>
        %dma_wait3A_375 = arith.constant 0 : i32
        %dma_wait3A_376 = arith.constant 0 : i32
        %dma_wait3A_377 = tpu.memref_slice %arg7[%dma_wait3A_375, %dma_wait3A_376] : memref<800x64xf32, #tpu.memory_space<vmem>> -> memref<200x64xf32, #tpu.memory_space<vmem>>
        tpu.wait_dma2 semaphore(%arg11 : memref<!tpu.dma_semaphore, #tpu.memory_space<semaphore_mem>>) src(%dma_wait3A_377 : memref<200x64xf32, #tpu.memory_space<vmem>>) dst(%dma_wait3A_374 : memref<200x64xf32, #tpu.memory_space<hbm>>)
        %dma_wait3A_378 = arith.constant 0 : i32
        %dma_wait3A_379 = arith.constant 200 : i32
        %dma_wait3A_380 = arith.constant 0 : i32
        %dma_wait3A_381 = tpu.memref_slice %arg7[%dma_wait3A_379, %dma_wait3A_380] : memref<800x64xf32, #tpu.memory_space<vmem>> -> memref<200x64xf32, #tpu.memory_space<vmem>>
        %dma_wait3A_382 = arith.constant 0 : i32
        %dma_wait3A_383 = arith.constant 0 : i32
        %dma_wait3A_384 = tpu.memref_slice %arg4[%dma_wait3A_378, %dma_wait3A_382, %dma_wait3A_383] : memref<4096x200x128xf32, #tpu.memory_space<hbm>> -> memref<1x200x64xf32, #tpu.memory_space<hbm>>
        %dma_wait3A_385 = tpu.memref_squeeze %dma_wait3A_384 : memref<1x200x64xf32, #tpu.memory_space<hbm>> -> memref<200x64xf32, #tpu.memory_space<hbm>>
        %dma_wait3A_386 = arith.constant 0 : i32
        %dma_wait3A_387 = arith.constant 0 : i32
        %dma_wait3A_388 = tpu.memref_slice %arg4[%dma_wait3A_378, %dma_wait3A_386, %dma_wait3A_387] : memref<4096x200x128xf32, #tpu.memory_space<hbm>> -> memref<1x200x64xf32, #tpu.memory_space<hbm>>
        %dma_wait3A_389 = tpu.memref_squeeze %dma_wait3A_388 : memref<1x200x64xf32, #tpu.memory_space<hbm>> -> memref<200x64xf32, #tpu.memory_space<hbm>>
        %dma_wait3A_390 = arith.constant 200 : i32
        %dma_wait3A_391 = arith.constant 0 : i32
        %dma_wait3A_392 = tpu.memref_slice %arg7[%dma_wait3A_390, %dma_wait3A_391] : memref<800x64xf32, #tpu.memory_space<vmem>> -> memref<200x64xf32, #tpu.memory_space<vmem>>
        tpu.wait_dma2 semaphore(%arg11 : memref<!tpu.dma_semaphore, #tpu.memory_space<semaphore_mem>>) src(%dma_wait3A_392 : memref<200x64xf32, #tpu.memory_space<vmem>>) dst(%dma_wait3A_389 : memref<200x64xf32, #tpu.memory_space<hbm>>)
        %dma_wait3A_393 = arith.constant 0 : i32
        %dma_wait3A_394 = arith.constant 400 : i32
        %dma_wait3A_395 = arith.constant 0 : i32
        %dma_wait3A_396 = tpu.memref_slice %arg7[%dma_wait3A_394, %dma_wait3A_395] : memref<800x64xf32, #tpu.memory_space<vmem>> -> memref<200x64xf32, #tpu.memory_space<vmem>>
        %dma_wait3A_397 = arith.constant 0 : i32
        %dma_wait3A_398 = arith.constant 0 : i32
        %dma_wait3A_399 = tpu.memref_slice %arg4[%dma_wait3A_393, %dma_wait3A_397, %dma_wait3A_398] : memref<4096x200x128xf32, #tpu.memory_space<hbm>> -> memref<1x200x64xf32, #tpu.memory_space<hbm>>
        %dma_wait3A_400 = tpu.memref_squeeze %dma_wait3A_399 : memref<1x200x64xf32, #tpu.memory_space<hbm>> -> memref<200x64xf32, #tpu.memory_space<hbm>>
        %dma_wait3A_401 = arith.constant 0 : i32
        %dma_wait3A_402 = arith.constant 0 : i32
        %dma_wait3A_403 = tpu.memref_slice %arg4[%dma_wait3A_393, %dma_wait3A_401, %dma_wait3A_402] : memref<4096x200x128xf32, #tpu.memory_space<hbm>> -> memref<1x200x64xf32, #tpu.memory_space<hbm>>
        %dma_wait3A_404 = tpu.memref_squeeze %dma_wait3A_403 : memref<1x200x64xf32, #tpu.memory_space<hbm>> -> memref<200x64xf32, #tpu.memory_space<hbm>>
        %dma_wait3A_405 = arith.constant 400 : i32
        %dma_wait3A_406 = arith.constant 0 : i32
        %dma_wait3A_407 = tpu.memref_slice %arg7[%dma_wait3A_405, %dma_wait3A_406] : memref<800x64xf32, #tpu.memory_space<vmem>> -> memref<200x64xf32, #tpu.memory_space<vmem>>
        tpu.wait_dma2 semaphore(%arg11 : memref<!tpu.dma_semaphore, #tpu.memory_space<semaphore_mem>>) src(%dma_wait3A_407 : memref<200x64xf32, #tpu.memory_space<vmem>>) dst(%dma_wait3A_404 : memref<200x64xf32, #tpu.memory_space<hbm>>)
        %dma_wait3A_408 = arith.constant 0 : i32
        %dma_wait3A_409 = arith.constant 600 : i32
        %dma_wait3A_410 = arith.constant 0 : i32
        %dma_wait3A_411 = tpu.memref_slice %arg7[%dma_wait3A_409, %dma_wait3A_410] : memref<800x64xf32, #tpu.memory_space<vmem>> -> memref<200x64xf32, #tpu.memory_space<vmem>>
        %dma_wait3A_412 = arith.constant 0 : i32
        %dma_wait3A_413 = arith.constant 0 : i32
        %dma_wait3A_414 = tpu.memref_slice %arg4[%dma_wait3A_408, %dma_wait3A_412, %dma_wait3A_413] : memref<4096x200x128xf32, #tpu.memory_space<hbm>> -> memref<1x200x64xf32, #tpu.memory_space<hbm>>
        %dma_wait3A_415 = tpu.memref_squeeze %dma_wait3A_414 : memref<1x200x64xf32, #tpu.memory_space<hbm>> -> memref<200x64xf32, #tpu.memory_space<hbm>>
        %dma_wait3A_416 = arith.constant 0 : i32
        %dma_wait3A_417 = arith.constant 0 : i32
        %dma_wait3A_418 = tpu.memref_slice %arg4[%dma_wait3A_408, %dma_wait3A_416, %dma_wait3A_417] : memref<4096x200x128xf32, #tpu.memory_space<hbm>> -> memref<1x200x64xf32, #tpu.memory_space<hbm>>
        %dma_wait3A_419 = tpu.memref_squeeze %dma_wait3A_418 : memref<1x200x64xf32, #tpu.memory_space<hbm>> -> memref<200x64xf32, #tpu.memory_space<hbm>>
        %dma_wait3A_420 = arith.constant 600 : i32
        %dma_wait3A_421 = arith.constant 0 : i32
        %dma_wait3A_422 = tpu.memref_slice %arg7[%dma_wait3A_420, %dma_wait3A_421] : memref<800x64xf32, #tpu.memory_space<vmem>> -> memref<200x64xf32, #tpu.memory_space<vmem>>
        tpu.wait_dma2 semaphore(%arg11 : memref<!tpu.dma_semaphore, #tpu.memory_space<semaphore_mem>>) src(%dma_wait3A_422 : memref<200x64xf32, #tpu.memory_space<vmem>>) dst(%dma_wait3A_419 : memref<200x64xf32, #tpu.memory_space<hbm>>)
      } else {
      }
      %add3A_259 = arith.constant 1 : i32
      %add3A_260 = arith.addi %add3A_174, %add3A_259 : i32
      %lt3A = arith.constant 32 : i32
      %lt3A_261 = arith.cmpi slt, %add3A_260, %lt3A : i32
      %convert_element_type3A_262 = arith.extui %lt3A_261 : i1 to i32
      %cond3A_263 = arith.constant 0 : i32
      %cond3A_264 = arith.cmpi ne, %convert_element_type3A_262, %cond3A_263 : i32
      scf.if %cond3A_264 {
        %add3A_363 = arith.constant 1 : i32
        %add3A_364 = arith.addi %add3A_174, %add3A_363 : i32
        %mul3A_365 = arith.constant 10 : i32
        %mul3A_366 = arith.muli %add3A_364, %mul3A_365 : i32
        %add3A_367 = arith.constant 0 : i32
        %add3A_368 = arith.addi %mul3A_366, %add3A_367 : i32
        %dma_start3A_369 = arith.constant 0 : i32
        %dma_start3A_370 = arith.constant 0 : i32
        %dma_start3A_371 = tpu.memref_slice %arg7[%dma_start3A_369, %dma_start3A_370] : memref<800x64xf32, #tpu.memory_space<vmem>> -> memref<80x64xf32, #tpu.memory_space<vmem>>
        %dma_start3A_372 = arith.constant 0 : i32
        %dma_start3A_373 = tpu.memref_slice %arg5[%add3A_368, %dma_start3A_372] : memref<320x80xi32, #tpu.memory_space<vmem>> -> memref<1x80xi32, #tpu.memory_space<vmem>>
        %dma_start3A_374 = tpu.memref_squeeze %dma_start3A_373 : memref<1x80xi32, #tpu.memory_space<vmem>> -> memref<80xi32, #tpu.memory_space<vmem>>
        %dma_start3A_375 = arith.constant 0 : i32
        %dma_start3A_376 = arith.constant 0 : i32
        %dma_start3A_377 = tpu.memref_slice %arg3[%dma_start3A_375, %dma_start3A_376] : memref<1000016x64xf32, #tpu.memory_space<hbm>> -> memref<1000016x64xf32, #tpu.memory_space<hbm>>
        tpu.enqueue_indirect_dma source(%dma_start3A_377 : memref<1000016x64xf32, #tpu.memory_space<hbm>>) target(%dma_start3A_371 : memref<80x64xf32, #tpu.memory_space<vmem>>) offsets(%dma_start3A_374 : memref<80xi32, #tpu.memory_space<vmem>>) semaphore(%arg9 : memref<!tpu.dma_semaphore, #tpu.memory_space<semaphore_mem>>)
        %mul3A_378 = arith.constant 10 : i32
        %mul3A_379 = arith.muli %add3A_364, %mul3A_378 : i32
        %add3A_380 = arith.constant 1 : i32
        %add3A_381 = arith.addi %mul3A_379, %add3A_380 : i32
        %dma_start3A_382 = arith.constant 80 : i32
        %dma_start3A_383 = arith.constant 0 : i32
        %dma_start3A_384 = tpu.memref_slice %arg7[%dma_start3A_382, %dma_start3A_383] : memref<800x64xf32, #tpu.memory_space<vmem>> -> memref<80x64xf32, #tpu.memory_space<vmem>>
        %dma_start3A_385 = arith.constant 0 : i32
        %dma_start3A_386 = tpu.memref_slice %arg5[%add3A_381, %dma_start3A_385] : memref<320x80xi32, #tpu.memory_space<vmem>> -> memref<1x80xi32, #tpu.memory_space<vmem>>
        %dma_start3A_387 = tpu.memref_squeeze %dma_start3A_386 : memref<1x80xi32, #tpu.memory_space<vmem>> -> memref<80xi32, #tpu.memory_space<vmem>>
        %dma_start3A_388 = arith.constant 0 : i32
        %dma_start3A_389 = arith.constant 0 : i32
        %dma_start3A_390 = tpu.memref_slice %arg3[%dma_start3A_388, %dma_start3A_389] : memref<1000016x64xf32, #tpu.memory_space<hbm>> -> memref<1000016x64xf32, #tpu.memory_space<hbm>>
        tpu.enqueue_indirect_dma source(%dma_start3A_390 : memref<1000016x64xf32, #tpu.memory_space<hbm>>) target(%dma_start3A_384 : memref<80x64xf32, #tpu.memory_space<vmem>>) offsets(%dma_start3A_387 : memref<80xi32, #tpu.memory_space<vmem>>) semaphore(%arg9 : memref<!tpu.dma_semaphore, #tpu.memory_space<semaphore_mem>>)
        %mul3A_391 = arith.constant 10 : i32
        %mul3A_392 = arith.muli %add3A_364, %mul3A_391 : i32
        %add3A_393 = arith.constant 2 : i32
        %add3A_394 = arith.addi %mul3A_392, %add3A_393 : i32
        %dma_start3A_395 = arith.constant 160 : i32
        %dma_start3A_396 = arith.constant 0 : i32
        %dma_start3A_397 = tpu.memref_slice %arg7[%dma_start3A_395, %dma_start3A_396] : memref<800x64xf32, #tpu.memory_space<vmem>> -> memref<80x64xf32, #tpu.memory_space<vmem>>
        %dma_start3A_398 = arith.constant 0 : i32
        %dma_start3A_399 = tpu.memref_slice %arg5[%add3A_394, %dma_start3A_398] : memref<320x80xi32, #tpu.memory_space<vmem>> -> memref<1x80xi32, #tpu.memory_space<vmem>>
        %dma_start3A_400 = tpu.memref_squeeze %dma_start3A_399 : memref<1x80xi32, #tpu.memory_space<vmem>> -> memref<80xi32, #tpu.memory_space<vmem>>
        %dma_start3A_401 = arith.constant 0 : i32
        %dma_start3A_402 = arith.constant 0 : i32
        %dma_start3A_403 = tpu.memref_slice %arg3[%dma_start3A_401, %dma_start3A_402] : memref<1000016x64xf32, #tpu.memory_space<hbm>> -> memref<1000016x64xf32, #tpu.memory_space<hbm>>
        tpu.enqueue_indirect_dma source(%dma_start3A_403 : memref<1000016x64xf32, #tpu.memory_space<hbm>>) target(%dma_start3A_397 : memref<80x64xf32, #tpu.memory_space<vmem>>) offsets(%dma_start3A_400 : memref<80xi32, #tpu.memory_space<vmem>>) semaphore(%arg9 : memref<!tpu.dma_semaphore, #tpu.memory_space<semaphore_mem>>)
        %mul3A_404 = arith.constant 10 : i32
        %mul3A_405 = arith.muli %add3A_364, %mul3A_404 : i32
        %add3A_406 = arith.constant 3 : i32
        %add3A_407 = arith.addi %mul3A_405, %add3A_406 : i32
        %dma_start3A_408 = arith.constant 240 : i32
        %dma_start3A_409 = arith.constant 0 : i32
        %dma_start3A_410 = tpu.memref_slice %arg7[%dma_start3A_408, %dma_start3A_409] : memref<800x64xf32, #tpu.memory_space<vmem>> -> memref<80x64xf32, #tpu.memory_space<vmem>>
        %dma_start3A_411 = arith.constant 0 : i32
        %dma_start3A_412 = tpu.memref_slice %arg5[%add3A_407, %dma_start3A_411] : memref<320x80xi32, #tpu.memory_space<vmem>> -> memref<1x80xi32, #tpu.memory_space<vmem>>
        %dma_start3A_413 = tpu.memref_squeeze %dma_start3A_412 : memref<1x80xi32, #tpu.memory_space<vmem>> -> memref<80xi32, #tpu.memory_space<vmem>>
        %dma_start3A_414 = arith.constant 0 : i32
        %dma_start3A_415 = arith.constant 0 : i32
        %dma_start3A_416 = tpu.memref_slice %arg3[%dma_start3A_414, %dma_start3A_415] : memref<1000016x64xf32, #tpu.memory_space<hbm>> -> memref<1000016x64xf32, #tpu.memory_space<hbm>>
        tpu.enqueue_indirect_dma source(%dma_start3A_416 : memref<1000016x64xf32, #tpu.memory_space<hbm>>) target(%dma_start3A_410 : memref<80x64xf32, #tpu.memory_space<vmem>>) offsets(%dma_start3A_413 : memref<80xi32, #tpu.memory_space<vmem>>) semaphore(%arg9 : memref<!tpu.dma_semaphore, #tpu.memory_space<semaphore_mem>>)
        %mul3A_417 = arith.constant 10 : i32
        %mul3A_418 = arith.muli %add3A_364, %mul3A_417 : i32
        %add3A_419 = arith.constant 4 : i32
        %add3A_420 = arith.addi %mul3A_418, %add3A_419 : i32
        %dma_start3A_421 = arith.constant 320 : i32
        %dma_start3A_422 = arith.constant 0 : i32
        %dma_start3A_423 = tpu.memref_slice %arg7[%dma_start3A_421, %dma_start3A_422] : memref<800x64xf32, #tpu.memory_space<vmem>> -> memref<80x64xf32, #tpu.memory_space<vmem>>
        %dma_start3A_424 = arith.constant 0 : i32
        %dma_start3A_425 = tpu.memref_slice %arg5[%add3A_420, %dma_start3A_424] : memref<320x80xi32, #tpu.memory_space<vmem>> -> memref<1x80xi32, #tpu.memory_space<vmem>>
        %dma_start3A_426 = tpu.memref_squeeze %dma_start3A_425 : memref<1x80xi32, #tpu.memory_space<vmem>> -> memref<80xi32, #tpu.memory_space<vmem>>
        %dma_start3A_427 = arith.constant 0 : i32
        %dma_start3A_428 = arith.constant 0 : i32
        %dma_start3A_429 = tpu.memref_slice %arg3[%dma_start3A_427, %dma_start3A_428] : memref<1000016x64xf32, #tpu.memory_space<hbm>> -> memref<1000016x64xf32, #tpu.memory_space<hbm>>
        tpu.enqueue_indirect_dma source(%dma_start3A_429 : memref<1000016x64xf32, #tpu.memory_space<hbm>>) target(%dma_start3A_423 : memref<80x64xf32, #tpu.memory_space<vmem>>) offsets(%dma_start3A_426 : memref<80xi32, #tpu.memory_space<vmem>>) semaphore(%arg9 : memref<!tpu.dma_semaphore, #tpu.memory_space<semaphore_mem>>)
        %mul3A_430 = arith.constant 10 : i32
        %mul3A_431 = arith.muli %add3A_364, %mul3A_430 : i32
        %add3A_432 = arith.constant 5 : i32
        %add3A_433 = arith.addi %mul3A_431, %add3A_432 : i32
        %dma_start3A_434 = arith.constant 400 : i32
        %dma_start3A_435 = arith.constant 0 : i32
        %dma_start3A_436 = tpu.memref_slice %arg7[%dma_start3A_434, %dma_start3A_435] : memref<800x64xf32, #tpu.memory_space<vmem>> -> memref<80x64xf32, #tpu.memory_space<vmem>>
        %dma_start3A_437 = arith.constant 0 : i32
        %dma_start3A_438 = tpu.memref_slice %arg5[%add3A_433, %dma_start3A_437] : memref<320x80xi32, #tpu.memory_space<vmem>> -> memref<1x80xi32, #tpu.memory_space<vmem>>
        %dma_start3A_439 = tpu.memref_squeeze %dma_start3A_438 : memref<1x80xi32, #tpu.memory_space<vmem>> -> memref<80xi32, #tpu.memory_space<vmem>>
        %dma_start3A_440 = arith.constant 0 : i32
        %dma_start3A_441 = arith.constant 0 : i32
        %dma_start3A_442 = tpu.memref_slice %arg3[%dma_start3A_440, %dma_start3A_441] : memref<1000016x64xf32, #tpu.memory_space<hbm>> -> memref<1000016x64xf32, #tpu.memory_space<hbm>>
        tpu.enqueue_indirect_dma source(%dma_start3A_442 : memref<1000016x64xf32, #tpu.memory_space<hbm>>) target(%dma_start3A_436 : memref<80x64xf32, #tpu.memory_space<vmem>>) offsets(%dma_start3A_439 : memref<80xi32, #tpu.memory_space<vmem>>) semaphore(%arg9 : memref<!tpu.dma_semaphore, #tpu.memory_space<semaphore_mem>>)
        %mul3A_443 = arith.constant 10 : i32
        %mul3A_444 = arith.muli %add3A_364, %mul3A_443 : i32
        %add3A_445 = arith.constant 6 : i32
        %add3A_446 = arith.addi %mul3A_444, %add3A_445 : i32
        %dma_start3A_447 = arith.constant 480 : i32
        %dma_start3A_448 = arith.constant 0 : i32
        %dma_start3A_449 = tpu.memref_slice %arg7[%dma_start3A_447, %dma_start3A_448] : memref<800x64xf32, #tpu.memory_space<vmem>> -> memref<80x64xf32, #tpu.memory_space<vmem>>
        %dma_start3A_450 = arith.constant 0 : i32
        %dma_start3A_451 = tpu.memref_slice %arg5[%add3A_446, %dma_start3A_450] : memref<320x80xi32, #tpu.memory_space<vmem>> -> memref<1x80xi32, #tpu.memory_space<vmem>>
        %dma_start3A_452 = tpu.memref_squeeze %dma_start3A_451 : memref<1x80xi32, #tpu.memory_space<vmem>> -> memref<80xi32, #tpu.memory_space<vmem>>
        %dma_start3A_453 = arith.constant 0 : i32
        %dma_start3A_454 = arith.constant 0 : i32
        %dma_start3A_455 = tpu.memref_slice %arg3[%dma_start3A_453, %dma_start3A_454] : memref<1000016x64xf32, #tpu.memory_space<hbm>> -> memref<1000016x64xf32, #tpu.memory_space<hbm>>
        tpu.enqueue_indirect_dma source(%dma_start3A_455 : memref<1000016x64xf32, #tpu.memory_space<hbm>>) target(%dma_start3A_449 : memref<80x64xf32, #tpu.memory_space<vmem>>) offsets(%dma_start3A_452 : memref<80xi32, #tpu.memory_space<vmem>>) semaphore(%arg9 : memref<!tpu.dma_semaphore, #tpu.memory_space<semaphore_mem>>)
        %mul3A_456 = arith.constant 10 : i32
        %mul3A_457 = arith.muli %add3A_364, %mul3A_456 : i32
        %add3A_458 = arith.constant 7 : i32
        %add3A_459 = arith.addi %mul3A_457, %add3A_458 : i32
        %dma_start3A_460 = arith.constant 560 : i32
        %dma_start3A_461 = arith.constant 0 : i32
        %dma_start3A_462 = tpu.memref_slice %arg7[%dma_start3A_460, %dma_start3A_461] : memref<800x64xf32, #tpu.memory_space<vmem>> -> memref<80x64xf32, #tpu.memory_space<vmem>>
        %dma_start3A_463 = arith.constant 0 : i32
        %dma_start3A_464 = tpu.memref_slice %arg5[%add3A_459, %dma_start3A_463] : memref<320x80xi32, #tpu.memory_space<vmem>> -> memref<1x80xi32, #tpu.memory_space<vmem>>
        %dma_start3A_465 = tpu.memref_squeeze %dma_start3A_464 : memref<1x80xi32, #tpu.memory_space<vmem>> -> memref<80xi32, #tpu.memory_space<vmem>>
        %dma_start3A_466 = arith.constant 0 : i32
        %dma_start3A_467 = arith.constant 0 : i32
        %dma_start3A_468 = tpu.memref_slice %arg3[%dma_start3A_466, %dma_start3A_467] : memref<1000016x64xf32, #tpu.memory_space<hbm>> -> memref<1000016x64xf32, #tpu.memory_space<hbm>>
        tpu.enqueue_indirect_dma source(%dma_start3A_468 : memref<1000016x64xf32, #tpu.memory_space<hbm>>) target(%dma_start3A_462 : memref<80x64xf32, #tpu.memory_space<vmem>>) offsets(%dma_start3A_465 : memref<80xi32, #tpu.memory_space<vmem>>) semaphore(%arg9 : memref<!tpu.dma_semaphore, #tpu.memory_space<semaphore_mem>>)
        %mul3A_469 = arith.constant 10 : i32
        %mul3A_470 = arith.muli %add3A_364, %mul3A_469 : i32
        %add3A_471 = arith.constant 8 : i32
        %add3A_472 = arith.addi %mul3A_470, %add3A_471 : i32
        %dma_start3A_473 = arith.constant 640 : i32
        %dma_start3A_474 = arith.constant 0 : i32
        %dma_start3A_475 = tpu.memref_slice %arg7[%dma_start3A_473, %dma_start3A_474] : memref<800x64xf32, #tpu.memory_space<vmem>> -> memref<80x64xf32, #tpu.memory_space<vmem>>
        %dma_start3A_476 = arith.constant 0 : i32
        %dma_start3A_477 = tpu.memref_slice %arg5[%add3A_472, %dma_start3A_476] : memref<320x80xi32, #tpu.memory_space<vmem>> -> memref<1x80xi32, #tpu.memory_space<vmem>>
        %dma_start3A_478 = tpu.memref_squeeze %dma_start3A_477 : memref<1x80xi32, #tpu.memory_space<vmem>> -> memref<80xi32, #tpu.memory_space<vmem>>
        %dma_start3A_479 = arith.constant 0 : i32
        %dma_start3A_480 = arith.constant 0 : i32
        %dma_start3A_481 = tpu.memref_slice %arg3[%dma_start3A_479, %dma_start3A_480] : memref<1000016x64xf32, #tpu.memory_space<hbm>> -> memref<1000016x64xf32, #tpu.memory_space<hbm>>
        tpu.enqueue_indirect_dma source(%dma_start3A_481 : memref<1000016x64xf32, #tpu.memory_space<hbm>>) target(%dma_start3A_475 : memref<80x64xf32, #tpu.memory_space<vmem>>) offsets(%dma_start3A_478 : memref<80xi32, #tpu.memory_space<vmem>>) semaphore(%arg9 : memref<!tpu.dma_semaphore, #tpu.memory_space<semaphore_mem>>)
        %mul3A_482 = arith.constant 10 : i32
        %mul3A_483 = arith.muli %add3A_364, %mul3A_482 : i32
        %add3A_484 = arith.constant 9 : i32
        %add3A_485 = arith.addi %mul3A_483, %add3A_484 : i32
        %dma_start3A_486 = arith.constant 720 : i32
        %dma_start3A_487 = arith.constant 0 : i32
        %dma_start3A_488 = tpu.memref_slice %arg7[%dma_start3A_486, %dma_start3A_487] : memref<800x64xf32, #tpu.memory_space<vmem>> -> memref<80x64xf32, #tpu.memory_space<vmem>>
        %dma_start3A_489 = arith.constant 0 : i32
        %dma_start3A_490 = tpu.memref_slice %arg5[%add3A_485, %dma_start3A_489] : memref<320x80xi32, #tpu.memory_space<vmem>> -> memref<1x80xi32, #tpu.memory_space<vmem>>
        %dma_start3A_491 = tpu.memref_squeeze %dma_start3A_490 : memref<1x80xi32, #tpu.memory_space<vmem>> -> memref<80xi32, #tpu.memory_space<vmem>>
        %dma_start3A_492 = arith.constant 0 : i32
        %dma_start3A_493 = arith.constant 0 : i32
        %dma_start3A_494 = tpu.memref_slice %arg3[%dma_start3A_492, %dma_start3A_493] : memref<1000016x64xf32, #tpu.memory_space<hbm>> -> memref<1000016x64xf32, #tpu.memory_space<hbm>>
        tpu.enqueue_indirect_dma source(%dma_start3A_494 : memref<1000016x64xf32, #tpu.memory_space<hbm>>) target(%dma_start3A_488 : memref<80x64xf32, #tpu.memory_space<vmem>>) offsets(%dma_start3A_491 : memref<80xi32, #tpu.memory_space<vmem>>) semaphore(%arg9 : memref<!tpu.dma_semaphore, #tpu.memory_space<semaphore_mem>>)
      } else {
      }
      %mul3A_265 = arith.constant 2 : i32
      %mul3A_266 = arith.muli %mul3A_265, %scan3A_170 : i32
      %add3A_267 = arith.constant 1 : i32
      %add3A_268 = arith.addi %mul3A_266, %add3A_267 : i32
      %dma_wait3A_269 = arith.constant 0 : i32
      %dma_wait3A_270 = arith.constant 0 : i32
      %dma_wait3A_271 = tpu.memref_slice %arg3[%dma_wait3A_269, %dma_wait3A_270] : memref<1000016x64xf32, #tpu.memory_space<hbm>> -> memref<800x64xf32, #tpu.memory_space<hbm>>
      %dma_wait3A_272 = arith.constant 0 : i32
      %dma_wait3A_273 = arith.constant 0 : i32
      %dma_wait3A_274 = tpu.memref_slice %arg3[%dma_wait3A_272, %dma_wait3A_273] : memref<1000016x64xf32, #tpu.memory_space<hbm>> -> memref<800x64xf32, #tpu.memory_space<hbm>>
      tpu.wait_dma2 semaphore(%arg9 : memref<!tpu.dma_semaphore, #tpu.memory_space<semaphore_mem>>) src(%dma_wait3A_274 : memref<800x64xf32, #tpu.memory_space<hbm>>) dst(%arg7 : memref<800x64xf32, #tpu.memory_space<vmem>>)
      %mul3A_275 = arith.constant 4 : i32
      %mul3A_276 = arith.muli %add3A_268, %mul3A_275 : i32
      %add3A_277 = arith.addi %mul3A_6, %mul3A_276 : i32
      %add3A_278 = arith.constant 0 : i32
      %add3A_279 = arith.addi %add3A_277, %add3A_278 : i32
      %dma_start3A_280 = arith.constant 0 : i32
      %dma_start3A_281 = arith.constant 0 : i32
      %dma_start3A_282 = tpu.memref_slice %arg7[%dma_start3A_280, %dma_start3A_281] : memref<800x64xf32, #tpu.memory_space<vmem>> -> memref<200x64xf32, #tpu.memory_space<vmem>>
      %dma_start3A_283 = arith.constant 0 : i32
      %dma_start3A_284 = arith.constant 0 : i32
      %dma_start3A_285 = tpu.memref_slice %arg4[%add3A_279, %dma_start3A_283, %dma_start3A_284] : memref<4096x200x128xf32, #tpu.memory_space<hbm>> -> memref<1x200x64xf32, #tpu.memory_space<hbm>>
      %dma_start3A_286 = tpu.memref_squeeze %dma_start3A_285 : memref<1x200x64xf32, #tpu.memory_space<hbm>> -> memref<200x64xf32, #tpu.memory_space<hbm>>
      %dma_start3A_287 = arith.constant 0 : i32
      %dma_start3A_288 = arith.constant 0 : i32
      %dma_start3A_289 = tpu.memref_slice %arg4[%add3A_279, %dma_start3A_287, %dma_start3A_288] : memref<4096x200x128xf32, #tpu.memory_space<hbm>> -> memref<1x200x64xf32, #tpu.memory_space<hbm>>
      %dma_start3A_290 = tpu.memref_squeeze %dma_start3A_289 : memref<1x200x64xf32, #tpu.memory_space<hbm>> -> memref<200x64xf32, #tpu.memory_space<hbm>>
      %dma_start3A_291 = arith.constant 0 : i32
      %dma_start3A_292 = arith.constant 0 : i32
      %dma_start3A_293 = tpu.memref_slice %arg7[%dma_start3A_291, %dma_start3A_292] : memref<800x64xf32, #tpu.memory_space<vmem>> -> memref<200x64xf32, #tpu.memory_space<vmem>>
      tpu.enqueue_dma source(%dma_start3A_293 : memref<200x64xf32, #tpu.memory_space<vmem>>) target(%dma_start3A_290 : memref<200x64xf32, #tpu.memory_space<hbm>>) target_semaphore(%arg11 : memref<!tpu.dma_semaphore, #tpu.memory_space<semaphore_mem>>)
      %mul3A_294 = arith.constant 4 : i32
      %mul3A_295 = arith.muli %add3A_268, %mul3A_294 : i32
      %add3A_296 = arith.addi %mul3A_6, %mul3A_295 : i32
      %add3A_297 = arith.constant 1 : i32
      %add3A_298 = arith.addi %add3A_296, %add3A_297 : i32
      %dma_start3A_299 = arith.constant 200 : i32
      %dma_start3A_300 = arith.constant 0 : i32
      %dma_start3A_301 = tpu.memref_slice %arg7[%dma_start3A_299, %dma_start3A_300] : memref<800x64xf32, #tpu.memory_space<vmem>> -> memref<200x64xf32, #tpu.memory_space<vmem>>
      %dma_start3A_302 = arith.constant 0 : i32
      %dma_start3A_303 = arith.constant 0 : i32
      %dma_start3A_304 = tpu.memref_slice %arg4[%add3A_298, %dma_start3A_302, %dma_start3A_303] : memref<4096x200x128xf32, #tpu.memory_space<hbm>> -> memref<1x200x64xf32, #tpu.memory_space<hbm>>
      %dma_start3A_305 = tpu.memref_squeeze %dma_start3A_304 : memref<1x200x64xf32, #tpu.memory_space<hbm>> -> memref<200x64xf32, #tpu.memory_space<hbm>>
      %dma_start3A_306 = arith.constant 0 : i32
      %dma_start3A_307 = arith.constant 0 : i32
      %dma_start3A_308 = tpu.memref_slice %arg4[%add3A_298, %dma_start3A_306, %dma_start3A_307] : memref<4096x200x128xf32, #tpu.memory_space<hbm>> -> memref<1x200x64xf32, #tpu.memory_space<hbm>>
      %dma_start3A_309 = tpu.memref_squeeze %dma_start3A_308 : memref<1x200x64xf32, #tpu.memory_space<hbm>> -> memref<200x64xf32, #tpu.memory_space<hbm>>
      %dma_start3A_310 = arith.constant 200 : i32
      %dma_start3A_311 = arith.constant 0 : i32
      %dma_start3A_312 = tpu.memref_slice %arg7[%dma_start3A_310, %dma_start3A_311] : memref<800x64xf32, #tpu.memory_space<vmem>> -> memref<200x64xf32, #tpu.memory_space<vmem>>
      tpu.enqueue_dma source(%dma_start3A_312 : memref<200x64xf32, #tpu.memory_space<vmem>>) target(%dma_start3A_309 : memref<200x64xf32, #tpu.memory_space<hbm>>) target_semaphore(%arg11 : memref<!tpu.dma_semaphore, #tpu.memory_space<semaphore_mem>>)
      %mul3A_313 = arith.constant 4 : i32
      %mul3A_314 = arith.muli %add3A_268, %mul3A_313 : i32
      %add3A_315 = arith.addi %mul3A_6, %mul3A_314 : i32
      %add3A_316 = arith.constant 2 : i32
      %add3A_317 = arith.addi %add3A_315, %add3A_316 : i32
      %dma_start3A_318 = arith.constant 400 : i32
      %dma_start3A_319 = arith.constant 0 : i32
      %dma_start3A_320 = tpu.memref_slice %arg7[%dma_start3A_318, %dma_start3A_319] : memref<800x64xf32, #tpu.memory_space<vmem>> -> memref<200x64xf32, #tpu.memory_space<vmem>>
      %dma_start3A_321 = arith.constant 0 : i32
      %dma_start3A_322 = arith.constant 0 : i32
      %dma_start3A_323 = tpu.memref_slice %arg4[%add3A_317, %dma_start3A_321, %dma_start3A_322] : memref<4096x200x128xf32, #tpu.memory_space<hbm>> -> memref<1x200x64xf32, #tpu.memory_space<hbm>>
      %dma_start3A_324 = tpu.memref_squeeze %dma_start3A_323 : memref<1x200x64xf32, #tpu.memory_space<hbm>> -> memref<200x64xf32, #tpu.memory_space<hbm>>
      %dma_start3A_325 = arith.constant 0 : i32
      %dma_start3A_326 = arith.constant 0 : i32
      %dma_start3A_327 = tpu.memref_slice %arg4[%add3A_317, %dma_start3A_325, %dma_start3A_326] : memref<4096x200x128xf32, #tpu.memory_space<hbm>> -> memref<1x200x64xf32, #tpu.memory_space<hbm>>
      %dma_start3A_328 = tpu.memref_squeeze %dma_start3A_327 : memref<1x200x64xf32, #tpu.memory_space<hbm>> -> memref<200x64xf32, #tpu.memory_space<hbm>>
      %dma_start3A_329 = arith.constant 400 : i32
      %dma_start3A_330 = arith.constant 0 : i32
      %dma_start3A_331 = tpu.memref_slice %arg7[%dma_start3A_329, %dma_start3A_330] : memref<800x64xf32, #tpu.memory_space<vmem>> -> memref<200x64xf32, #tpu.memory_space<vmem>>
      tpu.enqueue_dma source(%dma_start3A_331 : memref<200x64xf32, #tpu.memory_space<vmem>>) target(%dma_start3A_328 : memref<200x64xf32, #tpu.memory_space<hbm>>) target_semaphore(%arg11 : memref<!tpu.dma_semaphore, #tpu.memory_space<semaphore_mem>>)
      %mul3A_332 = arith.constant 4 : i32
      %mul3A_333 = arith.muli %add3A_268, %mul3A_332 : i32
      %add3A_334 = arith.addi %mul3A_6, %mul3A_333 : i32
      %add3A_335 = arith.constant 3 : i32
      %add3A_336 = arith.addi %add3A_334, %add3A_335 : i32
      %dma_start3A_337 = arith.constant 600 : i32
      %dma_start3A_338 = arith.constant 0 : i32
      %dma_start3A_339 = tpu.memref_slice %arg7[%dma_start3A_337, %dma_start3A_338] : memref<800x64xf32, #tpu.memory_space<vmem>> -> memref<200x64xf32, #tpu.memory_space<vmem>>
      %dma_start3A_340 = arith.constant 0 : i32
      %dma_start3A_341 = arith.constant 0 : i32
      %dma_start3A_342 = tpu.memref_slice %arg4[%add3A_336, %dma_start3A_340, %dma_start3A_341] : memref<4096x200x128xf32, #tpu.memory_space<hbm>> -> memref<1x200x64xf32, #tpu.memory_space<hbm>>
      %dma_start3A_343 = tpu.memref_squeeze %dma_start3A_342 : memref<1x200x64xf32, #tpu.memory_space<hbm>> -> memref<200x64xf32, #tpu.memory_space<hbm>>
      %dma_start3A_344 = arith.constant 0 : i32
      %dma_start3A_345 = arith.constant 0 : i32
      %dma_start3A_346 = tpu.memref_slice %arg4[%add3A_336, %dma_start3A_344, %dma_start3A_345] : memref<4096x200x128xf32, #tpu.memory_space<hbm>> -> memref<1x200x64xf32, #tpu.memory_space<hbm>>
      %dma_start3A_347 = tpu.memref_squeeze %dma_start3A_346 : memref<1x200x64xf32, #tpu.memory_space<hbm>> -> memref<200x64xf32, #tpu.memory_space<hbm>>
      %dma_start3A_348 = arith.constant 600 : i32
      %dma_start3A_349 = arith.constant 0 : i32
      %dma_start3A_350 = tpu.memref_slice %arg7[%dma_start3A_348, %dma_start3A_349] : memref<800x64xf32, #tpu.memory_space<vmem>> -> memref<200x64xf32, #tpu.memory_space<vmem>>
      tpu.enqueue_dma source(%dma_start3A_350 : memref<200x64xf32, #tpu.memory_space<vmem>>) target(%dma_start3A_347 : memref<200x64xf32, #tpu.memory_space<hbm>>) target_semaphore(%arg11 : memref<!tpu.dma_semaphore, #tpu.memory_space<semaphore_mem>>)
      %ge3A_351 = arith.constant 1 : i32
      %ge3A_352 = arith.cmpi sge, %add3A_268, %ge3A_351 : i32
      %convert_element_type3A_353 = arith.extui %ge3A_352 : i1 to i32
      %cond3A_354 = arith.constant 0 : i32
      %cond3A_355 = arith.cmpi ne, %convert_element_type3A_353, %cond3A_354 : i32
      scf.if %cond3A_355 {
        %dma_wait3A_363 = arith.constant 0 : i32
        %dma_wait3A_364 = arith.constant 0 : i32
        %dma_wait3A_365 = arith.constant 0 : i32
        %dma_wait3A_366 = tpu.memref_slice %arg6[%dma_wait3A_364, %dma_wait3A_365] : memref<800x64xf32, #tpu.memory_space<vmem>> -> memref<200x64xf32, #tpu.memory_space<vmem>>
        %dma_wait3A_367 = arith.constant 0 : i32
        %dma_wait3A_368 = arith.constant 0 : i32
        %dma_wait3A_369 = tpu.memref_slice %arg4[%dma_wait3A_363, %dma_wait3A_367, %dma_wait3A_368] : memref<4096x200x128xf32, #tpu.memory_space<hbm>> -> memref<1x200x64xf32, #tpu.memory_space<hbm>>
        %dma_wait3A_370 = tpu.memref_squeeze %dma_wait3A_369 : memref<1x200x64xf32, #tpu.memory_space<hbm>> -> memref<200x64xf32, #tpu.memory_space<hbm>>
        %dma_wait3A_371 = arith.constant 0 : i32
        %dma_wait3A_372 = arith.constant 0 : i32
        %dma_wait3A_373 = tpu.memref_slice %arg4[%dma_wait3A_363, %dma_wait3A_371, %dma_wait3A_372] : memref<4096x200x128xf32, #tpu.memory_space<hbm>> -> memref<1x200x64xf32, #tpu.memory_space<hbm>>
        %dma_wait3A_374 = tpu.memref_squeeze %dma_wait3A_373 : memref<1x200x64xf32, #tpu.memory_space<hbm>> -> memref<200x64xf32, #tpu.memory_space<hbm>>
        %dma_wait3A_375 = arith.constant 0 : i32
        %dma_wait3A_376 = arith.constant 0 : i32
        %dma_wait3A_377 = tpu.memref_slice %arg6[%dma_wait3A_375, %dma_wait3A_376] : memref<800x64xf32, #tpu.memory_space<vmem>> -> memref<200x64xf32, #tpu.memory_space<vmem>>
        tpu.wait_dma2 semaphore(%arg10 : memref<!tpu.dma_semaphore, #tpu.memory_space<semaphore_mem>>) src(%dma_wait3A_377 : memref<200x64xf32, #tpu.memory_space<vmem>>) dst(%dma_wait3A_374 : memref<200x64xf32, #tpu.memory_space<hbm>>)
        %dma_wait3A_378 = arith.constant 0 : i32
        %dma_wait3A_379 = arith.constant 200 : i32
        %dma_wait3A_380 = arith.constant 0 : i32
        %dma_wait3A_381 = tpu.memref_slice %arg6[%dma_wait3A_379, %dma_wait3A_380] : memref<800x64xf32, #tpu.memory_space<vmem>> -> memref<200x64xf32, #tpu.memory_space<vmem>>
        %dma_wait3A_382 = arith.constant 0 : i32
        %dma_wait3A_383 = arith.constant 0 : i32
        %dma_wait3A_384 = tpu.memref_slice %arg4[%dma_wait3A_378, %dma_wait3A_382, %dma_wait3A_383] : memref<4096x200x128xf32, #tpu.memory_space<hbm>> -> memref<1x200x64xf32, #tpu.memory_space<hbm>>
        %dma_wait3A_385 = tpu.memref_squeeze %dma_wait3A_384 : memref<1x200x64xf32, #tpu.memory_space<hbm>> -> memref<200x64xf32, #tpu.memory_space<hbm>>
        %dma_wait3A_386 = arith.constant 0 : i32
        %dma_wait3A_387 = arith.constant 0 : i32
        %dma_wait3A_388 = tpu.memref_slice %arg4[%dma_wait3A_378, %dma_wait3A_386, %dma_wait3A_387] : memref<4096x200x128xf32, #tpu.memory_space<hbm>> -> memref<1x200x64xf32, #tpu.memory_space<hbm>>
        %dma_wait3A_389 = tpu.memref_squeeze %dma_wait3A_388 : memref<1x200x64xf32, #tpu.memory_space<hbm>> -> memref<200x64xf32, #tpu.memory_space<hbm>>
        %dma_wait3A_390 = arith.constant 200 : i32
        %dma_wait3A_391 = arith.constant 0 : i32
        %dma_wait3A_392 = tpu.memref_slice %arg6[%dma_wait3A_390, %dma_wait3A_391] : memref<800x64xf32, #tpu.memory_space<vmem>> -> memref<200x64xf32, #tpu.memory_space<vmem>>
        tpu.wait_dma2 semaphore(%arg10 : memref<!tpu.dma_semaphore, #tpu.memory_space<semaphore_mem>>) src(%dma_wait3A_392 : memref<200x64xf32, #tpu.memory_space<vmem>>) dst(%dma_wait3A_389 : memref<200x64xf32, #tpu.memory_space<hbm>>)
        %dma_wait3A_393 = arith.constant 0 : i32
        %dma_wait3A_394 = arith.constant 400 : i32
        %dma_wait3A_395 = arith.constant 0 : i32
        %dma_wait3A_396 = tpu.memref_slice %arg6[%dma_wait3A_394, %dma_wait3A_395] : memref<800x64xf32, #tpu.memory_space<vmem>> -> memref<200x64xf32, #tpu.memory_space<vmem>>
        %dma_wait3A_397 = arith.constant 0 : i32
        %dma_wait3A_398 = arith.constant 0 : i32
        %dma_wait3A_399 = tpu.memref_slice %arg4[%dma_wait3A_393, %dma_wait3A_397, %dma_wait3A_398] : memref<4096x200x128xf32, #tpu.memory_space<hbm>> -> memref<1x200x64xf32, #tpu.memory_space<hbm>>
        %dma_wait3A_400 = tpu.memref_squeeze %dma_wait3A_399 : memref<1x200x64xf32, #tpu.memory_space<hbm>> -> memref<200x64xf32, #tpu.memory_space<hbm>>
        %dma_wait3A_401 = arith.constant 0 : i32
        %dma_wait3A_402 = arith.constant 0 : i32
        %dma_wait3A_403 = tpu.memref_slice %arg4[%dma_wait3A_393, %dma_wait3A_401, %dma_wait3A_402] : memref<4096x200x128xf32, #tpu.memory_space<hbm>> -> memref<1x200x64xf32, #tpu.memory_space<hbm>>
        %dma_wait3A_404 = tpu.memref_squeeze %dma_wait3A_403 : memref<1x200x64xf32, #tpu.memory_space<hbm>> -> memref<200x64xf32, #tpu.memory_space<hbm>>
        %dma_wait3A_405 = arith.constant 400 : i32
        %dma_wait3A_406 = arith.constant 0 : i32
        %dma_wait3A_407 = tpu.memref_slice %arg6[%dma_wait3A_405, %dma_wait3A_406] : memref<800x64xf32, #tpu.memory_space<vmem>> -> memref<200x64xf32, #tpu.memory_space<vmem>>
        tpu.wait_dma2 semaphore(%arg10 : memref<!tpu.dma_semaphore, #tpu.memory_space<semaphore_mem>>) src(%dma_wait3A_407 : memref<200x64xf32, #tpu.memory_space<vmem>>) dst(%dma_wait3A_404 : memref<200x64xf32, #tpu.memory_space<hbm>>)
        %dma_wait3A_408 = arith.constant 0 : i32
        %dma_wait3A_409 = arith.constant 600 : i32
        %dma_wait3A_410 = arith.constant 0 : i32
        %dma_wait3A_411 = tpu.memref_slice %arg6[%dma_wait3A_409, %dma_wait3A_410] : memref<800x64xf32, #tpu.memory_space<vmem>> -> memref<200x64xf32, #tpu.memory_space<vmem>>
        %dma_wait3A_412 = arith.constant 0 : i32
        %dma_wait3A_413 = arith.constant 0 : i32
        %dma_wait3A_414 = tpu.memref_slice %arg4[%dma_wait3A_408, %dma_wait3A_412, %dma_wait3A_413] : memref<4096x200x128xf32, #tpu.memory_space<hbm>> -> memref<1x200x64xf32, #tpu.memory_space<hbm>>
        %dma_wait3A_415 = tpu.memref_squeeze %dma_wait3A_414 : memref<1x200x64xf32, #tpu.memory_space<hbm>> -> memref<200x64xf32, #tpu.memory_space<hbm>>
        %dma_wait3A_416 = arith.constant 0 : i32
        %dma_wait3A_417 = arith.constant 0 : i32
        %dma_wait3A_418 = tpu.memref_slice %arg4[%dma_wait3A_408, %dma_wait3A_416, %dma_wait3A_417] : memref<4096x200x128xf32, #tpu.memory_space<hbm>> -> memref<1x200x64xf32, #tpu.memory_space<hbm>>
        %dma_wait3A_419 = tpu.memref_squeeze %dma_wait3A_418 : memref<1x200x64xf32, #tpu.memory_space<hbm>> -> memref<200x64xf32, #tpu.memory_space<hbm>>
        %dma_wait3A_420 = arith.constant 600 : i32
        %dma_wait3A_421 = arith.constant 0 : i32
        %dma_wait3A_422 = tpu.memref_slice %arg6[%dma_wait3A_420, %dma_wait3A_421] : memref<800x64xf32, #tpu.memory_space<vmem>> -> memref<200x64xf32, #tpu.memory_space<vmem>>
        tpu.wait_dma2 semaphore(%arg10 : memref<!tpu.dma_semaphore, #tpu.memory_space<semaphore_mem>>) src(%dma_wait3A_422 : memref<200x64xf32, #tpu.memory_space<vmem>>) dst(%dma_wait3A_419 : memref<200x64xf32, #tpu.memory_space<hbm>>)
      } else {
      }
      %add3A_356 = arith.constant 1 : i32
      %add3A_357 = arith.addi %add3A_268, %add3A_356 : i32
      %lt3A_358 = arith.constant 32 : i32
      %lt3A_359 = arith.cmpi slt, %add3A_357, %lt3A_358 : i32
      %convert_element_type3A_360 = arith.extui %lt3A_359 : i1 to i32
      %cond3A_361 = arith.constant 0 : i32
      %cond3A_362 = arith.cmpi ne, %convert_element_type3A_360, %cond3A_361 : i32
      scf.if %cond3A_362 {
        %add3A_363 = arith.constant 1 : i32
        %add3A_364 = arith.addi %add3A_268, %add3A_363 : i32
        %mul3A_365 = arith.constant 10 : i32
        %mul3A_366 = arith.muli %add3A_364, %mul3A_365 : i32
        %add3A_367 = arith.constant 0 : i32
        %add3A_368 = arith.addi %mul3A_366, %add3A_367 : i32
        %dma_start3A_369 = arith.constant 0 : i32
        %dma_start3A_370 = arith.constant 0 : i32
        %dma_start3A_371 = tpu.memref_slice %arg6[%dma_start3A_369, %dma_start3A_370] : memref<800x64xf32, #tpu.memory_space<vmem>> -> memref<80x64xf32, #tpu.memory_space<vmem>>
        %dma_start3A_372 = arith.constant 0 : i32
        %dma_start3A_373 = tpu.memref_slice %arg5[%add3A_368, %dma_start3A_372] : memref<320x80xi32, #tpu.memory_space<vmem>> -> memref<1x80xi32, #tpu.memory_space<vmem>>
        %dma_start3A_374 = tpu.memref_squeeze %dma_start3A_373 : memref<1x80xi32, #tpu.memory_space<vmem>> -> memref<80xi32, #tpu.memory_space<vmem>>
        %dma_start3A_375 = arith.constant 0 : i32
        %dma_start3A_376 = arith.constant 0 : i32
        %dma_start3A_377 = tpu.memref_slice %arg3[%dma_start3A_375, %dma_start3A_376] : memref<1000016x64xf32, #tpu.memory_space<hbm>> -> memref<1000016x64xf32, #tpu.memory_space<hbm>>
        tpu.enqueue_indirect_dma source(%dma_start3A_377 : memref<1000016x64xf32, #tpu.memory_space<hbm>>) target(%dma_start3A_371 : memref<80x64xf32, #tpu.memory_space<vmem>>) offsets(%dma_start3A_374 : memref<80xi32, #tpu.memory_space<vmem>>) semaphore(%arg8 : memref<!tpu.dma_semaphore, #tpu.memory_space<semaphore_mem>>)
        %mul3A_378 = arith.constant 10 : i32
        %mul3A_379 = arith.muli %add3A_364, %mul3A_378 : i32
        %add3A_380 = arith.constant 1 : i32
        %add3A_381 = arith.addi %mul3A_379, %add3A_380 : i32
        %dma_start3A_382 = arith.constant 80 : i32
        %dma_start3A_383 = arith.constant 0 : i32
        %dma_start3A_384 = tpu.memref_slice %arg6[%dma_start3A_382, %dma_start3A_383] : memref<800x64xf32, #tpu.memory_space<vmem>> -> memref<80x64xf32, #tpu.memory_space<vmem>>
        %dma_start3A_385 = arith.constant 0 : i32
        %dma_start3A_386 = tpu.memref_slice %arg5[%add3A_381, %dma_start3A_385] : memref<320x80xi32, #tpu.memory_space<vmem>> -> memref<1x80xi32, #tpu.memory_space<vmem>>
        %dma_start3A_387 = tpu.memref_squeeze %dma_start3A_386 : memref<1x80xi32, #tpu.memory_space<vmem>> -> memref<80xi32, #tpu.memory_space<vmem>>
        %dma_start3A_388 = arith.constant 0 : i32
        %dma_start3A_389 = arith.constant 0 : i32
        %dma_start3A_390 = tpu.memref_slice %arg3[%dma_start3A_388, %dma_start3A_389] : memref<1000016x64xf32, #tpu.memory_space<hbm>> -> memref<1000016x64xf32, #tpu.memory_space<hbm>>
        tpu.enqueue_indirect_dma source(%dma_start3A_390 : memref<1000016x64xf32, #tpu.memory_space<hbm>>) target(%dma_start3A_384 : memref<80x64xf32, #tpu.memory_space<vmem>>) offsets(%dma_start3A_387 : memref<80xi32, #tpu.memory_space<vmem>>) semaphore(%arg8 : memref<!tpu.dma_semaphore, #tpu.memory_space<semaphore_mem>>)
        %mul3A_391 = arith.constant 10 : i32
        %mul3A_392 = arith.muli %add3A_364, %mul3A_391 : i32
        %add3A_393 = arith.constant 2 : i32
        %add3A_394 = arith.addi %mul3A_392, %add3A_393 : i32
        %dma_start3A_395 = arith.constant 160 : i32
        %dma_start3A_396 = arith.constant 0 : i32
        %dma_start3A_397 = tpu.memref_slice %arg6[%dma_start3A_395, %dma_start3A_396] : memref<800x64xf32, #tpu.memory_space<vmem>> -> memref<80x64xf32, #tpu.memory_space<vmem>>
        %dma_start3A_398 = arith.constant 0 : i32
        %dma_start3A_399 = tpu.memref_slice %arg5[%add3A_394, %dma_start3A_398] : memref<320x80xi32, #tpu.memory_space<vmem>> -> memref<1x80xi32, #tpu.memory_space<vmem>>
        %dma_start3A_400 = tpu.memref_squeeze %dma_start3A_399 : memref<1x80xi32, #tpu.memory_space<vmem>> -> memref<80xi32, #tpu.memory_space<vmem>>
        %dma_start3A_401 = arith.constant 0 : i32
        %dma_start3A_402 = arith.constant 0 : i32
        %dma_start3A_403 = tpu.memref_slice %arg3[%dma_start3A_401, %dma_start3A_402] : memref<1000016x64xf32, #tpu.memory_space<hbm>> -> memref<1000016x64xf32, #tpu.memory_space<hbm>>
        tpu.enqueue_indirect_dma source(%dma_start3A_403 : memref<1000016x64xf32, #tpu.memory_space<hbm>>) target(%dma_start3A_397 : memref<80x64xf32, #tpu.memory_space<vmem>>) offsets(%dma_start3A_400 : memref<80xi32, #tpu.memory_space<vmem>>) semaphore(%arg8 : memref<!tpu.dma_semaphore, #tpu.memory_space<semaphore_mem>>)
        %mul3A_404 = arith.constant 10 : i32
        %mul3A_405 = arith.muli %add3A_364, %mul3A_404 : i32
        %add3A_406 = arith.constant 3 : i32
        %add3A_407 = arith.addi %mul3A_405, %add3A_406 : i32
        %dma_start3A_408 = arith.constant 240 : i32
        %dma_start3A_409 = arith.constant 0 : i32
        %dma_start3A_410 = tpu.memref_slice %arg6[%dma_start3A_408, %dma_start3A_409] : memref<800x64xf32, #tpu.memory_space<vmem>> -> memref<80x64xf32, #tpu.memory_space<vmem>>
        %dma_start3A_411 = arith.constant 0 : i32
        %dma_start3A_412 = tpu.memref_slice %arg5[%add3A_407, %dma_start3A_411] : memref<320x80xi32, #tpu.memory_space<vmem>> -> memref<1x80xi32, #tpu.memory_space<vmem>>
        %dma_start3A_413 = tpu.memref_squeeze %dma_start3A_412 : memref<1x80xi32, #tpu.memory_space<vmem>> -> memref<80xi32, #tpu.memory_space<vmem>>
        %dma_start3A_414 = arith.constant 0 : i32
        %dma_start3A_415 = arith.constant 0 : i32
        %dma_start3A_416 = tpu.memref_slice %arg3[%dma_start3A_414, %dma_start3A_415] : memref<1000016x64xf32, #tpu.memory_space<hbm>> -> memref<1000016x64xf32, #tpu.memory_space<hbm>>
        tpu.enqueue_indirect_dma source(%dma_start3A_416 : memref<1000016x64xf32, #tpu.memory_space<hbm>>) target(%dma_start3A_410 : memref<80x64xf32, #tpu.memory_space<vmem>>) offsets(%dma_start3A_413 : memref<80xi32, #tpu.memory_space<vmem>>) semaphore(%arg8 : memref<!tpu.dma_semaphore, #tpu.memory_space<semaphore_mem>>)
        %mul3A_417 = arith.constant 10 : i32
        %mul3A_418 = arith.muli %add3A_364, %mul3A_417 : i32
        %add3A_419 = arith.constant 4 : i32
        %add3A_420 = arith.addi %mul3A_418, %add3A_419 : i32
        %dma_start3A_421 = arith.constant 320 : i32
        %dma_start3A_422 = arith.constant 0 : i32
        %dma_start3A_423 = tpu.memref_slice %arg6[%dma_start3A_421, %dma_start3A_422] : memref<800x64xf32, #tpu.memory_space<vmem>> -> memref<80x64xf32, #tpu.memory_space<vmem>>
        %dma_start3A_424 = arith.constant 0 : i32
        %dma_start3A_425 = tpu.memref_slice %arg5[%add3A_420, %dma_start3A_424] : memref<320x80xi32, #tpu.memory_space<vmem>> -> memref<1x80xi32, #tpu.memory_space<vmem>>
        %dma_start3A_426 = tpu.memref_squeeze %dma_start3A_425 : memref<1x80xi32, #tpu.memory_space<vmem>> -> memref<80xi32, #tpu.memory_space<vmem>>
        %dma_start3A_427 = arith.constant 0 : i32
        %dma_start3A_428 = arith.constant 0 : i32
        %dma_start3A_429 = tpu.memref_slice %arg3[%dma_start3A_427, %dma_start3A_428] : memref<1000016x64xf32, #tpu.memory_space<hbm>> -> memref<1000016x64xf32, #tpu.memory_space<hbm>>
        tpu.enqueue_indirect_dma source(%dma_start3A_429 : memref<1000016x64xf32, #tpu.memory_space<hbm>>) target(%dma_start3A_423 : memref<80x64xf32, #tpu.memory_space<vmem>>) offsets(%dma_start3A_426 : memref<80xi32, #tpu.memory_space<vmem>>) semaphore(%arg8 : memref<!tpu.dma_semaphore, #tpu.memory_space<semaphore_mem>>)
        %mul3A_430 = arith.constant 10 : i32
        %mul3A_431 = arith.muli %add3A_364, %mul3A_430 : i32
        %add3A_432 = arith.constant 5 : i32
        %add3A_433 = arith.addi %mul3A_431, %add3A_432 : i32
        %dma_start3A_434 = arith.constant 400 : i32
        %dma_start3A_435 = arith.constant 0 : i32
        %dma_start3A_436 = tpu.memref_slice %arg6[%dma_start3A_434, %dma_start3A_435] : memref<800x64xf32, #tpu.memory_space<vmem>> -> memref<80x64xf32, #tpu.memory_space<vmem>>
        %dma_start3A_437 = arith.constant 0 : i32
        %dma_start3A_438 = tpu.memref_slice %arg5[%add3A_433, %dma_start3A_437] : memref<320x80xi32, #tpu.memory_space<vmem>> -> memref<1x80xi32, #tpu.memory_space<vmem>>
        %dma_start3A_439 = tpu.memref_squeeze %dma_start3A_438 : memref<1x80xi32, #tpu.memory_space<vmem>> -> memref<80xi32, #tpu.memory_space<vmem>>
        %dma_start3A_440 = arith.constant 0 : i32
        %dma_start3A_441 = arith.constant 0 : i32
        %dma_start3A_442 = tpu.memref_slice %arg3[%dma_start3A_440, %dma_start3A_441] : memref<1000016x64xf32, #tpu.memory_space<hbm>> -> memref<1000016x64xf32, #tpu.memory_space<hbm>>
        tpu.enqueue_indirect_dma source(%dma_start3A_442 : memref<1000016x64xf32, #tpu.memory_space<hbm>>) target(%dma_start3A_436 : memref<80x64xf32, #tpu.memory_space<vmem>>) offsets(%dma_start3A_439 : memref<80xi32, #tpu.memory_space<vmem>>) semaphore(%arg8 : memref<!tpu.dma_semaphore, #tpu.memory_space<semaphore_mem>>)
        %mul3A_443 = arith.constant 10 : i32
        %mul3A_444 = arith.muli %add3A_364, %mul3A_443 : i32
        %add3A_445 = arith.constant 6 : i32
        %add3A_446 = arith.addi %mul3A_444, %add3A_445 : i32
        %dma_start3A_447 = arith.constant 480 : i32
        %dma_start3A_448 = arith.constant 0 : i32
        %dma_start3A_449 = tpu.memref_slice %arg6[%dma_start3A_447, %dma_start3A_448] : memref<800x64xf32, #tpu.memory_space<vmem>> -> memref<80x64xf32, #tpu.memory_space<vmem>>
        %dma_start3A_450 = arith.constant 0 : i32
        %dma_start3A_451 = tpu.memref_slice %arg5[%add3A_446, %dma_start3A_450] : memref<320x80xi32, #tpu.memory_space<vmem>> -> memref<1x80xi32, #tpu.memory_space<vmem>>
        %dma_start3A_452 = tpu.memref_squeeze %dma_start3A_451 : memref<1x80xi32, #tpu.memory_space<vmem>> -> memref<80xi32, #tpu.memory_space<vmem>>
        %dma_start3A_453 = arith.constant 0 : i32
        %dma_start3A_454 = arith.constant 0 : i32
        %dma_start3A_455 = tpu.memref_slice %arg3[%dma_start3A_453, %dma_start3A_454] : memref<1000016x64xf32, #tpu.memory_space<hbm>> -> memref<1000016x64xf32, #tpu.memory_space<hbm>>
        tpu.enqueue_indirect_dma source(%dma_start3A_455 : memref<1000016x64xf32, #tpu.memory_space<hbm>>) target(%dma_start3A_449 : memref<80x64xf32, #tpu.memory_space<vmem>>) offsets(%dma_start3A_452 : memref<80xi32, #tpu.memory_space<vmem>>) semaphore(%arg8 : memref<!tpu.dma_semaphore, #tpu.memory_space<semaphore_mem>>)
        %mul3A_456 = arith.constant 10 : i32
        %mul3A_457 = arith.muli %add3A_364, %mul3A_456 : i32
        %add3A_458 = arith.constant 7 : i32
        %add3A_459 = arith.addi %mul3A_457, %add3A_458 : i32
        %dma_start3A_460 = arith.constant 560 : i32
        %dma_start3A_461 = arith.constant 0 : i32
        %dma_start3A_462 = tpu.memref_slice %arg6[%dma_start3A_460, %dma_start3A_461] : memref<800x64xf32, #tpu.memory_space<vmem>> -> memref<80x64xf32, #tpu.memory_space<vmem>>
        %dma_start3A_463 = arith.constant 0 : i32
        %dma_start3A_464 = tpu.memref_slice %arg5[%add3A_459, %dma_start3A_463] : memref<320x80xi32, #tpu.memory_space<vmem>> -> memref<1x80xi32, #tpu.memory_space<vmem>>
        %dma_start3A_465 = tpu.memref_squeeze %dma_start3A_464 : memref<1x80xi32, #tpu.memory_space<vmem>> -> memref<80xi32, #tpu.memory_space<vmem>>
        %dma_start3A_466 = arith.constant 0 : i32
        %dma_start3A_467 = arith.constant 0 : i32
        %dma_start3A_468 = tpu.memref_slice %arg3[%dma_start3A_466, %dma_start3A_467] : memref<1000016x64xf32, #tpu.memory_space<hbm>> -> memref<1000016x64xf32, #tpu.memory_space<hbm>>
        tpu.enqueue_indirect_dma source(%dma_start3A_468 : memref<1000016x64xf32, #tpu.memory_space<hbm>>) target(%dma_start3A_462 : memref<80x64xf32, #tpu.memory_space<vmem>>) offsets(%dma_start3A_465 : memref<80xi32, #tpu.memory_space<vmem>>) semaphore(%arg8 : memref<!tpu.dma_semaphore, #tpu.memory_space<semaphore_mem>>)
        %mul3A_469 = arith.constant 10 : i32
        %mul3A_470 = arith.muli %add3A_364, %mul3A_469 : i32
        %add3A_471 = arith.constant 8 : i32
        %add3A_472 = arith.addi %mul3A_470, %add3A_471 : i32
        %dma_start3A_473 = arith.constant 640 : i32
        %dma_start3A_474 = arith.constant 0 : i32
        %dma_start3A_475 = tpu.memref_slice %arg6[%dma_start3A_473, %dma_start3A_474] : memref<800x64xf32, #tpu.memory_space<vmem>> -> memref<80x64xf32, #tpu.memory_space<vmem>>
        %dma_start3A_476 = arith.constant 0 : i32
        %dma_start3A_477 = tpu.memref_slice %arg5[%add3A_472, %dma_start3A_476] : memref<320x80xi32, #tpu.memory_space<vmem>> -> memref<1x80xi32, #tpu.memory_space<vmem>>
        %dma_start3A_478 = tpu.memref_squeeze %dma_start3A_477 : memref<1x80xi32, #tpu.memory_space<vmem>> -> memref<80xi32, #tpu.memory_space<vmem>>
        %dma_start3A_479 = arith.constant 0 : i32
        %dma_start3A_480 = arith.constant 0 : i32
        %dma_start3A_481 = tpu.memref_slice %arg3[%dma_start3A_479, %dma_start3A_480] : memref<1000016x64xf32, #tpu.memory_space<hbm>> -> memref<1000016x64xf32, #tpu.memory_space<hbm>>
        tpu.enqueue_indirect_dma source(%dma_start3A_481 : memref<1000016x64xf32, #tpu.memory_space<hbm>>) target(%dma_start3A_475 : memref<80x64xf32, #tpu.memory_space<vmem>>) offsets(%dma_start3A_478 : memref<80xi32, #tpu.memory_space<vmem>>) semaphore(%arg8 : memref<!tpu.dma_semaphore, #tpu.memory_space<semaphore_mem>>)
        %mul3A_482 = arith.constant 10 : i32
        %mul3A_483 = arith.muli %add3A_364, %mul3A_482 : i32
        %add3A_484 = arith.constant 9 : i32
        %add3A_485 = arith.addi %mul3A_483, %add3A_484 : i32
        %dma_start3A_486 = arith.constant 720 : i32
        %dma_start3A_487 = arith.constant 0 : i32
        %dma_start3A_488 = tpu.memref_slice %arg6[%dma_start3A_486, %dma_start3A_487] : memref<800x64xf32, #tpu.memory_space<vmem>> -> memref<80x64xf32, #tpu.memory_space<vmem>>
        %dma_start3A_489 = arith.constant 0 : i32
        %dma_start3A_490 = tpu.memref_slice %arg5[%add3A_485, %dma_start3A_489] : memref<320x80xi32, #tpu.memory_space<vmem>> -> memref<1x80xi32, #tpu.memory_space<vmem>>
        %dma_start3A_491 = tpu.memref_squeeze %dma_start3A_490 : memref<1x80xi32, #tpu.memory_space<vmem>> -> memref<80xi32, #tpu.memory_space<vmem>>
        %dma_start3A_492 = arith.constant 0 : i32
        %dma_start3A_493 = arith.constant 0 : i32
        %dma_start3A_494 = tpu.memref_slice %arg3[%dma_start3A_492, %dma_start3A_493] : memref<1000016x64xf32, #tpu.memory_space<hbm>> -> memref<1000016x64xf32, #tpu.memory_space<hbm>>
        tpu.enqueue_indirect_dma source(%dma_start3A_494 : memref<1000016x64xf32, #tpu.memory_space<hbm>>) target(%dma_start3A_488 : memref<80x64xf32, #tpu.memory_space<vmem>>) offsets(%dma_start3A_491 : memref<80xi32, #tpu.memory_space<vmem>>) semaphore(%arg8 : memref<!tpu.dma_semaphore, #tpu.memory_space<semaphore_mem>>)
      } else {
      }
    }
    %scan3A_110 = arith.constant 16 : i32
    %dma_wait3A = arith.constant 0 : i32
    %dma_wait3A_111 = arith.constant 0 : i32
    %dma_wait3A_112 = arith.constant 0 : i32
    %dma_wait3A_113 = tpu.memref_slice %arg7[%dma_wait3A_111, %dma_wait3A_112] : memref<800x64xf32, #tpu.memory_space<vmem>> -> memref<200x64xf32, #tpu.memory_space<vmem>>
    %dma_wait3A_114 = arith.constant 0 : i32
    %dma_wait3A_115 = arith.constant 0 : i32
    %dma_wait3A_116 = tpu.memref_slice %arg4[%dma_wait3A, %dma_wait3A_114, %dma_wait3A_115] : memref<4096x200x128xf32, #tpu.memory_space<hbm>> -> memref<1x200x64xf32, #tpu.memory_space<hbm>>
    %dma_wait3A_117 = tpu.memref_squeeze %dma_wait3A_116 : memref<1x200x64xf32, #tpu.memory_space<hbm>> -> memref<200x64xf32, #tpu.memory_space<hbm>>
    %dma_wait3A_118 = arith.constant 0 : i32
    %dma_wait3A_119 = arith.constant 0 : i32
    %dma_wait3A_120 = tpu.memref_slice %arg4[%dma_wait3A, %dma_wait3A_118, %dma_wait3A_119] : memref<4096x200x128xf32, #tpu.memory_space<hbm>> -> memref<1x200x64xf32, #tpu.memory_space<hbm>>
    %dma_wait3A_121 = tpu.memref_squeeze %dma_wait3A_120 : memref<1x200x64xf32, #tpu.memory_space<hbm>> -> memref<200x64xf32, #tpu.memory_space<hbm>>
    %dma_wait3A_122 = arith.constant 0 : i32
    %dma_wait3A_123 = arith.constant 0 : i32
    %dma_wait3A_124 = tpu.memref_slice %arg7[%dma_wait3A_122, %dma_wait3A_123] : memref<800x64xf32, #tpu.memory_space<vmem>> -> memref<200x64xf32, #tpu.memory_space<vmem>>
    tpu.wait_dma2 semaphore(%arg11 : memref<!tpu.dma_semaphore, #tpu.memory_space<semaphore_mem>>) src(%dma_wait3A_124 : memref<200x64xf32, #tpu.memory_space<vmem>>) dst(%dma_wait3A_121 : memref<200x64xf32, #tpu.memory_space<hbm>>)
    %dma_wait3A_125 = arith.constant 0 : i32
    %dma_wait3A_126 = arith.constant 200 : i32
    %dma_wait3A_127 = arith.constant 0 : i32
    %dma_wait3A_128 = tpu.memref_slice %arg7[%dma_wait3A_126, %dma_wait3A_127] : memref<800x64xf32, #tpu.memory_space<vmem>> -> memref<200x64xf32, #tpu.memory_space<vmem>>
    %dma_wait3A_129 = arith.constant 0 : i32
    %dma_wait3A_130 = arith.constant 0 : i32
    %dma_wait3A_131 = tpu.memref_slice %arg4[%dma_wait3A_125, %dma_wait3A_129, %dma_wait3A_130] : memref<4096x200x128xf32, #tpu.memory_space<hbm>> -> memref<1x200x64xf32, #tpu.memory_space<hbm>>
    %dma_wait3A_132 = tpu.memref_squeeze %dma_wait3A_131 : memref<1x200x64xf32, #tpu.memory_space<hbm>> -> memref<200x64xf32, #tpu.memory_space<hbm>>
    %dma_wait3A_133 = arith.constant 0 : i32
    %dma_wait3A_134 = arith.constant 0 : i32
    %dma_wait3A_135 = tpu.memref_slice %arg4[%dma_wait3A_125, %dma_wait3A_133, %dma_wait3A_134] : memref<4096x200x128xf32, #tpu.memory_space<hbm>> -> memref<1x200x64xf32, #tpu.memory_space<hbm>>
    %dma_wait3A_136 = tpu.memref_squeeze %dma_wait3A_135 : memref<1x200x64xf32, #tpu.memory_space<hbm>> -> memref<200x64xf32, #tpu.memory_space<hbm>>
    %dma_wait3A_137 = arith.constant 200 : i32
    %dma_wait3A_138 = arith.constant 0 : i32
    %dma_wait3A_139 = tpu.memref_slice %arg7[%dma_wait3A_137, %dma_wait3A_138] : memref<800x64xf32, #tpu.memory_space<vmem>> -> memref<200x64xf32, #tpu.memory_space<vmem>>
    tpu.wait_dma2 semaphore(%arg11 : memref<!tpu.dma_semaphore, #tpu.memory_space<semaphore_mem>>) src(%dma_wait3A_139 : memref<200x64xf32, #tpu.memory_space<vmem>>) dst(%dma_wait3A_136 : memref<200x64xf32, #tpu.memory_space<hbm>>)
    %dma_wait3A_140 = arith.constant 0 : i32
    %dma_wait3A_141 = arith.constant 400 : i32
    %dma_wait3A_142 = arith.constant 0 : i32
    %dma_wait3A_143 = tpu.memref_slice %arg7[%dma_wait3A_141, %dma_wait3A_142] : memref<800x64xf32, #tpu.memory_space<vmem>> -> memref<200x64xf32, #tpu.memory_space<vmem>>
    %dma_wait3A_144 = arith.constant 0 : i32
    %dma_wait3A_145 = arith.constant 0 : i32
    %dma_wait3A_146 = tpu.memref_slice %arg4[%dma_wait3A_140, %dma_wait3A_144, %dma_wait3A_145] : memref<4096x200x128xf32, #tpu.memory_space<hbm>> -> memref<1x200x64xf32, #tpu.memory_space<hbm>>
    %dma_wait3A_147 = tpu.memref_squeeze %dma_wait3A_146 : memref<1x200x64xf32, #tpu.memory_space<hbm>> -> memref<200x64xf32, #tpu.memory_space<hbm>>
    %dma_wait3A_148 = arith.constant 0 : i32
    %dma_wait3A_149 = arith.constant 0 : i32
    %dma_wait3A_150 = tpu.memref_slice %arg4[%dma_wait3A_140, %dma_wait3A_148, %dma_wait3A_149] : memref<4096x200x128xf32, #tpu.memory_space<hbm>> -> memref<1x200x64xf32, #tpu.memory_space<hbm>>
    %dma_wait3A_151 = tpu.memref_squeeze %dma_wait3A_150 : memref<1x200x64xf32, #tpu.memory_space<hbm>> -> memref<200x64xf32, #tpu.memory_space<hbm>>
    %dma_wait3A_152 = arith.constant 400 : i32
    %dma_wait3A_153 = arith.constant 0 : i32
    %dma_wait3A_154 = tpu.memref_slice %arg7[%dma_wait3A_152, %dma_wait3A_153] : memref<800x64xf32, #tpu.memory_space<vmem>> -> memref<200x64xf32, #tpu.memory_space<vmem>>
    tpu.wait_dma2 semaphore(%arg11 : memref<!tpu.dma_semaphore, #tpu.memory_space<semaphore_mem>>) src(%dma_wait3A_154 : memref<200x64xf32, #tpu.memory_space<vmem>>) dst(%dma_wait3A_151 : memref<200x64xf32, #tpu.memory_space<hbm>>)
    %dma_wait3A_155 = arith.constant 0 : i32
    %dma_wait3A_156 = arith.constant 600 : i32
    %dma_wait3A_157 = arith.constant 0 : i32
    %dma_wait3A_158 = tpu.memref_slice %arg7[%dma_wait3A_156, %dma_wait3A_157] : memref<800x64xf32, #tpu.memory_space<vmem>> -> memref<200x64xf32, #tpu.memory_space<vmem>>
    %dma_wait3A_159 = arith.constant 0 : i32
    %dma_wait3A_160 = arith.constant 0 : i32
    %dma_wait3A_161 = tpu.memref_slice %arg4[%dma_wait3A_155, %dma_wait3A_159, %dma_wait3A_160] : memref<4096x200x128xf32, #tpu.memory_space<hbm>> -> memref<1x200x64xf32, #tpu.memory_space<hbm>>
    %dma_wait3A_162 = tpu.memref_squeeze %dma_wait3A_161 : memref<1x200x64xf32, #tpu.memory_space<hbm>> -> memref<200x64xf32, #tpu.memory_space<hbm>>
    %dma_wait3A_163 = arith.constant 0 : i32
    %dma_wait3A_164 = arith.constant 0 : i32
    %dma_wait3A_165 = tpu.memref_slice %arg4[%dma_wait3A_155, %dma_wait3A_163, %dma_wait3A_164] : memref<4096x200x128xf32, #tpu.memory_space<hbm>> -> memref<1x200x64xf32, #tpu.memory_space<hbm>>
    %dma_wait3A_166 = tpu.memref_squeeze %dma_wait3A_165 : memref<1x200x64xf32, #tpu.memory_space<hbm>> -> memref<200x64xf32, #tpu.memory_space<hbm>>
    %dma_wait3A_167 = arith.constant 600 : i32
    %dma_wait3A_168 = arith.constant 0 : i32
    %dma_wait3A_169 = tpu.memref_slice %arg7[%dma_wait3A_167, %dma_wait3A_168] : memref<800x64xf32, #tpu.memory_space<vmem>> -> memref<200x64xf32, #tpu.memory_space<vmem>>
    tpu.wait_dma2 semaphore(%arg11 : memref<!tpu.dma_semaphore, #tpu.memory_space<semaphore_mem>>) src(%dma_wait3A_169 : memref<200x64xf32, #tpu.memory_space<vmem>>) dst(%dma_wait3A_166 : memref<200x64xf32, #tpu.memory_space<hbm>>)
    return
  }
}

</mosaic_0001>

<sc_bundles>
// kernel: kernel.4.cloned.1.call-start
scs
__scs_entry_jumppad:
0x0: {  	(pc) =	sbr.rel $0x88, $3  }
0x1: {  	(tag) =	ssettag $0x0;
	lr =	simm.s32 $0x1  }
0x2: {  	[smem:$0x3F9F] =	sst lr;
	_ =	strace $0xD0000000  }
0x3: {  	_ = 	snop  }
0x4: {  	_ = 	snop  }
0x5: {  	_ = 	snop  }
0x6: {  	_ = 	snop  }
0x7: {  	_ = 	snop  }
__scs_overlays_trampoline_lowered:
0x8: {  	[smem:$0x3FAE] =	sst s0  }
0x9: {  	[smem:$0x3FAF] =	sst s1  }
0xa: {  	[smem:$0x3FB0] =	sst s2  }
0xb: {  	[smem:$0x3FB1] =	sst s3  }
0xc: {  	[smem:$0x3FB2] =	sst s4  }
0xd: {  	[smem:$0x3FB3] =	sst s5  }
0xe: {  	[smem:$0x3FB4] =	sst s6  }
0xf: {  	[smem:$0x3FB5] =	sst s7  }
0x10: {  	[smem:$0x3FB6] =	sst s8  }
0x11: {  	[smem:$0x3FB7] =	sst s9;
	s0 =	simm.s32 @!p0 $0x0  }
0x12: {  	s1 =	sld [smem:$0x3F9D];
	s0 =	simm.s32 @p0 $0x1  }
0x13: {  	[smem:$0x3FB8] =	sst s0;
	s0 =	simm.s32 @!p1 $0x0  }
0x14: {  	s2 =	sld [smem:$0x3F9C];
	s0 =	simm.s32 @p1 $0x1  }
0x15: {  	[smem:$0x3FB9] =	sst s0;
	s0 =	simm.s32 @!p2 $0x0  }
0x16: {  	s3 =	sld [smem:$0x3FDB];
	s0 =	simm.s32 @p2 $0x1  }
0x17: {  	s4 =	simm.s32 $0x1BF5;
	[smem:$0x3FBB] =	sst s0  }
0x18: {  	s0 =	sld [smem:$0x3F9E];
	_ =	swait.ge [sflag:s4], $0x0  }
0x19: {  	s7 =	sld [smem:$0x3F9F]  }
0x1a: {  	s8 =	sadd.s32 $0xFFFFE003, lr  }
0x1b: {  	s9 =	sadd.s32 $0xFFFFFEF7, lr;
	s5 =	simm.s32 $0xFFFFFFFF;
	p2 =	slt.u32 s8, $0xFFFFF086  }
0x1c: {  	p1 =	slt.u32 s9, $0xF7A;
	s5 =	simm.s32 @!p2 $0x0  }
0x1d: {  	s5 =	simm.s32 @p1 $0x1;
	p0 =	seq.s32 s7, s2  }
0x1e: {  	s7 =	smul.u32 @!p0 $0xF7A, s2;
	p2 =	seq.s32 @!p0 s5, $0x0  }
0x1f: {  	s9 =	smul.u32 $0xF7A, s1;
	s8 =	simm.s32 @!p0 $0x1BF5;
	p2 =	por !p2, p0  }
0x20: {  	[sflag:s8] =	ssyncset.s32 @!p0 $0xFFFFF086;
	s6 =	sadd.s32 @!p0 s3, s7;
	s7 =	simm.s32 @!p0 $0x108  }
0x21: {  	s3 =	sadd.s32 s3, s9;
	s6 =	sadd.s32 @!p0 $0x88, s6;
	s7 =	simm.s32 @p2 $0x1082  }
0x22: {  	[simem:s7], [sflag:s8] =	dma.local @!p0 [hbm:s6], $0xF7A  }
0x23: {  	s9 =	sor.u32 $0xD0000000, s2;
	s6 =	simm.s32 $0x108;
	_ =	swait.ge @!p0 [sflag:s8], $0x0  }
0x24: {  	s3 =	sadd.s32 $0x88, s3;
	s6 =	simm.s32 @!p1 $0x1082;
	[sflag:s4] =	ssyncset.s32 $0xFFFFF086  }
0x25: {  	[simem:s6], [sflag:s4] =	dma.local [hbm:s3], $0xF7A  }
0x26: {  	[smem:$0x3F9F] =	sst s1;
	(tag) =	ssettag s2;
	_ =	strace s9  }
0x27: {  	s1 =	sld [smem:$0x3FAF]  }
0x28: {  	s2 =	sld [smem:$0x3FB0]  }
0x29: {  	s4 =	sld [smem:$0x3FB2]  }
0x2a: {  	p0 =	seq.s32 s5, $0x0;
	s5 =	sld [smem:$0x3FB3]  }
0x2b: {  	s6 =	sld [smem:$0x3FB4]  }
0x2c: {  	s7 =	sld [smem:$0x3FB5]  }
0x2d: {  	s3 =	simm.s32 $0x108;
	s8 =	sld [smem:$0x3FB6]  }
0x2e: {  	s3 =	simm.s32 @!p0 $0x1082;
	s9 =	sld [smem:$0x3FB7]  }
0x2f: {  	lr =	sadd.s32 s0, s3;
	s0 =	sld [smem:$0x3FAE]  }
0x30: {  	s3 =	sld [smem:$0x3FB1]  }
0x31: {  	[smem:$0x3FBA] =	sst s10  }
0x32: {  	s10 =	sld [smem:$0x3FB8];
	_ =	sdelay $0x3  }
0x33: {  	p0 =	seq.s32 s10, $0x1;
	s10 =	sld [smem:$0x3FBA];
	_ =	sdelay $0x3  }
0x34: {  	[smem:$0x3FBA] =	sst s10  }
0x35: {  	s10 =	sld [smem:$0x3FB9];
	_ =	sdelay $0x3  }
0x36: {  	p1 =	seq.s32 s10, $0x1;
	s10 =	sld [smem:$0x3FBA];
	_ =	sdelay $0x3  }
0x37: {  	[smem:$0x3FBA] =	sst s10  }
0x38: {  	s10 =	sld [smem:$0x3FBB]  }
0x39: {  	_ = 	snop;
	(pc) =	sbr.ind lr, $3  }
0x3a: {  	_ = 	snop  }
0x3b: {  	_ = 	snop  }
0x3c: {  	p2 =	seq.s32 s10, $0x1;
	s10 =	sld [smem:$0x3FBA]  }
0x3d: {  	_ =	shalt  }
0x3e: {  	_ =	shalt  }
0x3f: {  	_ =	shalt  }
0x40: {  	_ =	shalt  }
0x41: {  	_ =	shalt  }
0x42: {  	_ =	shalt  }
0x43: {  	_ =	shalt  }
0x44: {  	_ =	shalt  }
0x45: {  	_ =	shalt  }
0x46: {  	_ =	shalt  }
0x47: {  	_ =	shalt  }
0x48: {  	_ =	shalt  }
0x49: {  	_ =	shalt  }
0x4a: {  	_ =	shalt  }
0x4b: {  	_ =	shalt  }
0x4c: {  	_ =	shalt  }
0x4d: {  	_ =	shalt  }
0x4e: {  	_ =	shalt  }
0x4f: {  	_ =	shalt  }
0x50: {  	_ =	shalt  }
0x51: {  	_ =	shalt  }
0x52: {  	_ =	shalt  }
0x53: {  	_ =	shalt  }
0x54: {  	_ =	shalt  }
0x55: {  	_ =	shalt  }
0x56: {  	_ =	shalt  }
0x57: {  	_ =	shalt  }
0x58: {  	_ =	shalt  }
0x59: {  	_ =	shalt  }
0x5a: {  	_ =	shalt  }
0x5b: {  	_ =	shalt  }
0x5c: {  	_ =	shalt  }
0x5d: {  	_ =	shalt  }
0x5e: {  	_ =	shalt  }
0x5f: {  	_ =	shalt  }
0x60: {  	_ =	shalt  }
0x61: {  	_ =	shalt  }
0x62: {  	_ =	shalt  }
0x63: {  	_ =	shalt  }
0x64: {  	_ =	shalt  }
0x65: {  	_ =	shalt  }
0x66: {  	_ =	shalt  }
0x67: {  	_ =	shalt  }
0x68: {  	_ =	shalt  }
0x69: {  	_ =	shalt  }
0x6a: {  	_ =	shalt  }
0x6b: {  	_ =	shalt  }
0x6c: {  	_ =	shalt  }
0x6d: {  	_ =	shalt  }
0x6e: {  	_ =	shalt  }
0x6f: {  	_ =	shalt  }
0x70: {  	_ =	shalt  }
0x71: {  	_ =	shalt  }
0x72: {  	_ =	shalt  }
0x73: {  	_ =	shalt  }
0x74: {  	_ =	shalt  }
0x75: {  	_ =	shalt  }
0x76: {  	_ =	shalt  }
0x77: {  	_ =	shalt  }
0x78: {  	_ =	shalt  }
0x79: {  	_ =	shalt  }
0x7a: {  	_ =	shalt  }
0x7b: {  	_ =	shalt  }
0x7c: {  	_ =	shalt  }
0x7d: {  	_ =	shalt  }
0x7e: {  	_ =	shalt  }
0x7f: {  	_ =	shalt  }
0x80: {  	_ =	shalt  }
0x81: {  	_ =	shalt  }
0x82: {  	_ =	shalt  }
0x83: {  	_ =	shalt  }
0x84: {  	_ =	shalt  }
0x85: {  	_ =	shalt  }
0x86: {  	_ =	shalt  }
0x87: {  	_ =	shalt  }
.Lfunc_end0:
.L_simem_size_0:
called_computation.1_lowered:
.L_overlay_start_0:
0x88: {  	s2 =	sld [smem:$0x3FD9]  }
0x89: {  	s3 =	sld [smem:$0x3FFE];
	_ =	sdelay $0x1  }
0x8a: {  	s1 =	srdreg.scid  }
0x8b: {  	s0 =	sand.u32 $0x1, s1  }
0x8c: {  	s17 =	sshll.u32 s0, $0xA;
	s2 =	sadd.s32 s3, s2  }
0x8d: {  	s2 =	sadd.s32 s2, s17  }
0x8e: {  	[smem:$0x3FC6] =	sst s2  }
0x8f: {  	_ = 	snop  }
0x90: {  	s2 =	sld [smem:$0x3FC8];
	(tm) =	ssettm $0x1  }
0x91: {  	s18 =	sld [smem:$0x3FFB];
	_ =	sdelay $0x3  }
0x92: {  	_ =	strace s18  }
0x93: {  	s3 =	sld [smem:$0x3FFC];
	_ =	sdelay $0x3  }
0x94: {  	_ =	strace s3  }
0x95: {  	s3 =	sld [smem:$0x3FFD];
	_ =	sdelay $0x3  }
0x96: {  	_ =	strace s3  }
0x97: {  	_ =	strace $0x8FFFFFFF  }
0x98: {  	s19 =	sld [smem:$0x3FDB];
	_ =	sdelay $0x1  }
0x99: {  	s4 =	simm.s32 $_scs_section_size  }
0x9a: {  	s5 =	simm.s32 $_size__tile_overlayer_lowered;
	s6 =	simm.s32 $_tile_overlayer_lowered  }
0x9b: {  	s22 =	simm.s32 $0x1BFF;
	s21 =	sshll.u32 s6, $0x1;
	s3 =	sadd.s32 s4, s19  }
0x9c: {  	s7 =	simm.s32 $0x0;
	s20 =	sshll.u32 s5, $0x1;
	s5 =	sadd.s32 s21, s3  }
0x9d: {  	[timem:s7], [sflag:s22] =	dma.local [hbm:s5], s20  }
0x9e: {  	_ =	swait.ge [sflag:s22], s20  }
0x9f: {  	s4 =	ssub.s32 $0x0, s20;
	[sflag:s22] =	ssyncset.done $0x0  }
0xa0: {  	[sflag:s22] =	ssyncadd.s32 s4;
	_ =	sdelay $0x1  }
0xa1: {  	s23 =	simm.s32 $0x1B8B  }
0xa2: {  	_ =	swait.ge [sflag:s23], $0x1  }
0xa3: {  	[sflag:s23] =	ssyncset.done $0x0  }
0xa4: {  	s25 =	simm.s32 $0x1B8E;
	s24 =	sld [smem:$0x3FFE];
	[sflag:s23] =	ssyncadd.s32 $0xFFFFFFFF  }
0xa5: {  	s26 =	simm.s32 $execute0_lowered;
	[smem:$0x3FD2] =	sst s25  }
0xa6: {  	s5 =	sshll.u32 s26, $0x1;
	_ =	strace $0x80000046;
	[dreg:$0x1] =	wrdreg $0xFFFFFFFF  }
0xa7: {  	s28 =	simm.s32 $_size_execute0_lowered;
	s3 =	sadd.s32 s3, s5;
	[dreg:$0x0] =	wrdreg $0x0  }
0xa8: {  	s5 =	sshll.u32 s28, $0x1;
	[dreg:$0x2] =	wrdreg s3  }
0xa9: {  	[dreg:$0x3] =	wrdreg s5  }
0xaa: {  	[dreg:$0x4] =	wrdreg $0xC0  }
0xab: {  	_ =	task [dreg:s7], $0x5FFFF  }
0xac: {  	[dreg:$0x1] =	wrdreg $0xFFFFFFFF  }
0xad: {  	[dreg:$0x0] =	wrdreg $0x60  }
0xae: {  	[dreg:$0x2] =	wrdreg s2  }
0xaf: {  	[dreg:$0x3] =	wrdreg s24  }
0xb0: {  	[dreg:$0x4] =	wrdreg $0x9  }
0xb1: {  	_ =	task.clear_ibuf [dreg:s7], $0x5FFFF;
	_ =	strace $0x90000046  }
0xb2: {  	s29 =	simm.s32 $0x9;
	_ =	strace $0x80000048  }
0xb3: {  	_ =	swait.ge [sflag:s29], $0x1  }
0xb4: {  	[sflag:s29] =	ssyncadd.s32 $0xFFFFFFFF  }
0xb5: {  	_ =	strace $0x90000048  }
0xb6: {  	_ =	sfence  }
0xb7: {  	s30 =	sld [smem:$0x0];
	_ =	sdelay $0x2  }
0xb8: {  	s31 =	sshll.u32 s1, $0xD;
	s1 =	sshrl.u32 s1, $0x2  }
0xb9: {  	s3 =	sand.u32 $0x4000, s31;
	s1 =	sadd.s32 s1, s30  }
0xba: {  	s0 =	sor.u32 s3, s0;
	s1 =	sshll.u32 s1, $0x11  }
0xbb: {  	s0 =	sor.u32 s1, s0  }
0xbc: {  	s0 =	sadd.s32 $0x8F2B, s0  }
0xbd: {  	[sflag:s0] =	ssyncadd.remote.s32 $0x1  }
0xbe: {  	_ =	sfence.sel $0xFFFF  }
0xbf: {  	[dreg:$0x0] =	wrdreg $0xFFFFFFFF;
	(pc) =	sbr.abs _section_cstart, $3  }
0xc0: {  	[dreg:$0x1] =	wrdreg $0xFFFFFFFF  }
0xc1: {  	_ =	task.clear_ibuf [dreg:s7], $0x2FFFF;
	_ =	strace $0x9FFFFFFF  }
0xc2: {  	(tm) =	ssettm $0x7FFFFFFF  }
0xc3: {  	_ =	shalt  }
tec
execute0_lowered:
.L_overlay_start_1:
0x0: {  	(tag) =	ssettag $0x1  }
0x1: {  	v0 =	vimm.s32 $0x700  }
0x2: {  	vm11 =	vcmask $0x300;
	vm9 =	vcmask $0x704;
	vm8 =	vcmask $0xB08  }
0x3: {  	vm7 =	vcmask $0xF0C;
	vm5 =	vcmask $0x1310;
	vm6 =	vcmask $0x1714  }
0x4: {  	vm1 =	vcmask $0x1B18;
	v2 =	vimm.s32 $0x680;
	vm2 =	vcmask $0x1F1C  }
0x5: {  	vm3 =	vcmask $0x2320;
	vm4 =	vcmask $0x2724;
	v3 =	vimm.s32 $0x600  }
0x6: {  	vm10 =	vcmask $0x2B28;
	vm12 =	vcmask $0x2F2C;
	vm13 =	vcmask $0x3330  }
0x7: {  	vm14 =	vcmask $0x3734;
	vm0 =	vcmask $0x3B38;
	v4 =	vimm.s32 $0x580  }
0x8: {  	v5 =	vimm.s32 $0x500;
	v6 =	vimm.s32 $0x480;
	v52 =	vlaneseq.u32  }
0x9: {  	v7 =	vimm.s32 $0x400;
	v8 =	vimm.s32 $0x380;
	v9 =	vimm.s32 $0x300  }
0xa: {  	v10 =	vimm.s32 $0x280;
	v11 =	vimm.s32 $0x200;
	v12 =	vimm.s32 $0x180  }
0xb: {  	v13 =	vimm.s32 $0x100;
	v14 =	vimm.s32 $0x80;
	v15 =	vimm.s32 $0x0  }
0xc: {  	v16 =	vimm.s32 $0x4B0A4908;
	v17 =	vimm.s32 $0x4F0E4D0C;
	vm15 =	vcmask $0x1F10  }
0xd: {  	v0 =	vsel vm11, $0x780, v0;
	v2 =	vsel vm11, $0x700, v2;
	v3 =	vsel vm11, $0x680, v3  }
0xe: {  	v4 =	vsel vm11, $0x600, v4;
	v5 =	vsel vm11, $0x580, v5;
	v6 =	vsel vm11, $0x500, v6  }
0xf: {  	v7 =	vsel vm11, $0x480, v7;
	v8 =	vsel vm11, $0x400, v8;
	v9 =	vsel vm11, $0x380, v9  }
0x10: {  	v10 =	vsel vm11, $0x300, v10;
	v11 =	vsel vm11, $0x280, v11;
	v12 =	vsel vm11, $0x200, v12  }
0x11: {  	v13 =	vsel vm11, $0x180, v13;
	v14 =	vsel vm11, $0x100, v14;
	v15 =	vsel vm11, $0x80, v15  }
0x12: {  	v19 =	vunpack.c.0.s8.s32 v16;
	v20 =	vunpack.c.0.s8.s32 v17;
	v16 =	vimm.s32 $0x4C0B4A09  }
0x13: {  	v17 =	vimm.s32 $0x4E0D4C0B;
	v63 =	vshrl.u32 v52, $0x1;
	v0 =	vsel vm9, $0x0, v0  }
0x14: {  	v2 =	vsel vm9, $0x780, v2;
	v3 =	vsel vm9, $0x700, v3;
	v4 =	vsel vm9, $0x680, v4  }
0x15: {  	v5 =	vsel vm9, $0x600, v5;
	v6 =	vsel vm9, $0x580, v6;
	v7 =	vsel vm9, $0x500, v7  }
0x16: {  	v8 =	vsel vm9, $0x480, v8;
	v9 =	vsel vm9, $0x400, v9;
	v10 =	vsel vm9, $0x380, v10  }
0x17: {  	v11 =	vsel vm9, $0x300, v11;
	v12 =	vsel vm9, $0x280, v12;
	v13 =	vsel vm9, $0x200, v13  }
0x18: {  	v14 =	vsel vm9, $0x180, v14;
	v15 =	vsel vm9, $0x100, v15;
	v23 =	vunpack.c.0.s8.s32 v16  }
0x19: {  	v16 =	vimm.s32 $0x48074605;
	v36 =	vunpack.c.0.s8.s32 v17;
	v17 =	vimm.s32 $0x4A094807  }
0x1a: {  	v0 =	vsel vm8, $0x80, v0;
	v2 =	vsel vm8, $0x0, v2;
	v3 =	vsel vm8, $0x780, v3  }
0x1b: {  	v4 =	vsel vm8, $0x700, v4;
	v5 =	vsel vm8, $0x680, v5;
	v6 =	vsel vm8, $0x600, v6  }
0x1c: {  	v7 =	vsel vm8, $0x580, v7;
	v8 =	vsel vm8, $0x500, v8;
	v9 =	vsel vm8, $0x480, v9  }
0x1d: {  	v10 =	vsel vm8, $0x400, v10;
	v11 =	vsel vm8, $0x380, v11;
	v12 =	vsel vm8, $0x300, v12  }
0x1e: {  	v13 =	vsel vm8, $0x280, v13;
	v14 =	vsel vm8, $0x200, v14;
	v15 =	vsel vm8, $0x180, v15  }
0x1f: {  	v29 =	vsel vm15, v20, v19;
	v27 =	vunpack.c.0.s8.s32 v16;
	v16 =	vimm.s32 $0x41004F0E  }
0x20: {  	v39 =	vunpack.c.0.s8.s32 v17;
	v1 =	vsel vm7, $0x100, v0;
	v2 =	vsel vm7, $0x80, v2  }
0x21: {  	v3 =	vsel vm7, $0x0, v3;
	v4 =	vsel vm7, $0x780, v4;
	v5 =	vsel vm7, $0x700, v5  }
0x22: {  	v6 =	vsel vm7, $0x680, v6;
	v7 =	vsel vm7, $0x600, v7;
	v8 =	vsel vm7, $0x580, v8  }
0x23: {  	v9 =	vsel vm7, $0x500, v9;
	v10 =	vsel vm7, $0x480, v10;
	v11 =	vsel vm7, $0x400, v11  }
0x24: {  	v12 =	vsel vm7, $0x380, v12;
	v13 =	vsel vm7, $0x300, v13;
	v14 =	vsel vm7, $0x280, v14  }
0x25: {  	v15 =	vsel vm7, $0x200, v15;
	v33 =	vunpack.c.0.s8.s32 v16;
	v16 =	vimm.s32 $0x49084706  }
0x26: {  	v1 =	vsel vm5, $0x180, v1;
	v2 =	vsel vm5, $0x100, v2;
	v3 =	vsel vm5, $0x80, v3  }
0x27: {  	v4 =	vsel vm5, $0x0, v4;
	v5 =	vsel vm5, $0x780, v5;
	v6 =	vsel vm5, $0x700, v6  }
0x28: {  	v7 =	vsel vm5, $0x680, v7;
	v8 =	vsel vm5, $0x600, v8;
	v9 =	vsel vm5, $0x580, v9  }
0x29: {  	v10 =	vsel vm5, $0x500, v10;
	v11 =	vsel vm5, $0x480, v11;
	v12 =	vsel vm5, $0x400, v12  }
0x2a: {  	v13 =	vsel vm5, $0x380, v13;
	v14 =	vsel vm5, $0x300, v14;
	v15 =	vsel vm5, $0x280, v15  }
0x2b: {  	v35 =	vunpack.c.0.s8.s32 v16;
	v16 =	vimm.s32 $0x46054403;
	v47 =	vsel vm15, v23, v27  }
0x2c: {  	v1 =	vsel vm6, $0x200, v1;
	v2 =	vsel vm6, $0x180, v2;
	v3 =	vsel vm6, $0x100, v3  }
0x2d: {  	v4 =	vsel vm6, $0x80, v4;
	v5 =	vsel vm6, $0x0, v5;
	v6 =	vsel vm6, $0x780, v6  }
0x2e: {  	v7 =	vsel vm6, $0x700, v7;
	v8 =	vsel vm6, $0x680, v8;
	v9 =	vsel vm6, $0x600, v9  }
0x2f: {  	v10 =	vsel vm6, $0x580, v10;
	v11 =	vsel vm6, $0x500, v11;
	v12 =	vsel vm6, $0x480, v12  }
0x30: {  	v13 =	vsel vm6, $0x400, v13;
	v14 =	vsel vm6, $0x380, v14;
	v15 =	vsel vm6, $0x300, v15  }
0x31: {  	v38 =	vunpack.c.0.s8.s32 v16;
	v1 =	vsel vm1, $0x280, v1;
	v2 =	vsel vm1, $0x200, v2  }
0x32: {  	v3 =	vsel vm1, $0x180, v3;
	v4 =	vsel vm1, $0x100, v4;
	v5 =	vsel vm1, $0x80, v5  }
0x33: {  	v6 =	vsel vm1, $0x0, v6;
	v7 =	vsel vm1, $0x780, v7;
	v8 =	vsel vm1, $0x700, v8  }
0x34: {  	v9 =	vsel vm1, $0x680, v9;
	v10 =	vsel vm1, $0x600, v10;
	v11 =	vsel vm1, $0x580, v11  }
0x35: {  	v12 =	vsel vm1, $0x500, v12;
	v13 =	vsel vm1, $0x480, v13;
	v14 =	vsel vm1, $0x400, v14  }
0x36: {  	v15 =	vsel vm1, $0x380, v15;
	v1 =	vsel vm2, $0x300, v1;
	v2 =	vsel vm2, $0x280, v2  }
0x37: {  	v3 =	vsel vm2, $0x200, v3;
	v4 =	vsel vm2, $0x180, v4;
	v5 =	vsel vm2, $0x100, v5  }
0x38: {  	v6 =	vsel vm2, $0x80, v6;
	v7 =	vsel vm2, $0x0, v7;
	v8 =	vsel vm2, $0x780, v8  }
0x39: {  	v9 =	vsel vm2, $0x700, v9;
	v10 =	vsel vm2, $0x680, v10;
	v11 =	vsel vm2, $0x600, v11  }
0x3a: {  	v12 =	vsel vm2, $0x580, v12;
	v13 =	vsel vm2, $0x500, v13;
	v14 =	vsel vm2, $0x480, v14  }
0x3b: {  	v15 =	vsel vm2, $0x400, v15;
	v43 =	vsel vm15, v39, v38;
	v1 =	vsel vm3, $0x380, v1  }
0x3c: {  	v2 =	vsel vm3, $0x300, v2;
	v3 =	vsel vm3, $0x280, v3;
	v4 =	vsel vm3, $0x200, v4  }
0x3d: {  	v5 =	vsel vm3, $0x180, v5;
	v6 =	vsel vm3, $0x100, v6;
	v7 =	vsel vm3, $0x80, v7  }
0x3e: {  	v8 =	vsel vm3, $0x0, v8;
	v9 =	vsel vm3, $0x780, v9;
	v10 =	vsel vm3, $0x700, v10  }
0x3f: {  	v11 =	vsel vm3, $0x680, v11;
	v12 =	vsel vm3, $0x600, v12;
	v13 =	vsel vm3, $0x580, v13  }
0x40: {  	v14 =	vsel vm3, $0x500, v14;
	v15 =	vsel vm3, $0x480, v15;
	v1 =	vsel vm4, $0x400, v1  }
0x41: {  	v2 =	vsel vm4, $0x380, v2;
	v3 =	vsel vm4, $0x300, v3;
	v4 =	vsel vm4, $0x280, v4  }
0x42: {  	v5 =	vsel vm4, $0x200, v5;
	v6 =	vsel vm4, $0x180, v6;
	v7 =	vsel vm4, $0x100, v7  }
0x43: {  	v8 =	vsel vm4, $0x80, v8;
	v9 =	vsel vm4, $0x0, v9;
	v10 =	vsel vm4, $0x780, v10  }
0x44: {  	v11 =	vsel vm4, $0x700, v11;
	v12 =	vsel vm4, $0x680, v12;
	v13 =	vsel vm4, $0x600, v13  }
0x45: {  	v14 =	vsel vm4, $0x580, v14;
	v15 =	vsel vm4, $0x500, v15;
	v1 =	vsel vm10, $0x480, v1  }
0x46: {  	v2 =	vsel vm10, $0x400, v2;
	v3 =	vsel vm10, $0x380, v3;
	v4 =	vsel vm10, $0x300, v4  }
0x47: {  	v5 =	vsel vm10, $0x280, v5;
	v6 =	vsel vm10, $0x200, v6;
	v7 =	vsel vm10, $0x180, v7  }
0x48: {  	v8 =	vsel vm10, $0x100, v8;
	v9 =	vsel vm10, $0x80, v9;
	v10 =	vsel vm10, $0x0, v10  }
0x49: {  	v11 =	vsel vm10, $0x780, v11;
	v12 =	vsel vm10, $0x700, v12;
	v13 =	vsel vm10, $0x680, v13  }
0x4a: {  	v14 =	vsel vm10, $0x600, v14;
	v15 =	vsel vm10, $0x580, v15;
	v1 =	vsel vm12, $0x500, v1  }
0x4b: {  	v2 =	vsel vm12, $0x480, v2;
	v3 =	vsel vm12, $0x400, v3;
	v4 =	vsel vm12, $0x380, v4  }
0x4c: {  	v5 =	vsel vm12, $0x300, v5;
	v6 =	vsel vm12, $0x280, v6;
	v7 =	vsel vm12, $0x200, v7  }
0x4d: {  	v8 =	vsel vm12, $0x180, v8;
	v9 =	vsel vm12, $0x100, v9;
	v10 =	vsel vm12, $0x80, v10  }
0x4e: {  	v11 =	vsel vm12, $0x0, v11;
	v12 =	vsel vm12, $0x780, v12;
	v13 =	vsel vm12, $0x700, v13  }
0x4f: {  	v14 =	vsel vm12, $0x680, v14;
	v15 =	vsel vm12, $0x600, v15;
	v1 =	vsel vm13, $0x580, v1  }
0x50: {  	v2 =	vsel vm13, $0x500, v2;
	v3 =	vsel vm13, $0x480, v3;
	v4 =	vsel vm13, $0x400, v4  }
0x51: {  	v5 =	vsel vm13, $0x380, v5;
	v6 =	vsel vm13, $0x300, v6;
	v7 =	vsel vm13, $0x280, v7  }
0x52: {  	v8 =	vsel vm13, $0x200, v8;
	v9 =	vsel vm13, $0x180, v9;
	v10 =	vsel vm13, $0x100, v10  }
0x53: {  	v11 =	vsel vm13, $0x80, v11;
	v12 =	vsel vm13, $0x0, v12;
	v13 =	vsel vm13, $0x780, v13  }
0x54: {  	v14 =	vsel vm13, $0x700, v14;
	v15 =	vsel vm13, $0x680, v15;
	v1 =	vsel vm14, $0x600, v1  }
0x55: {  	v2 =	vsel vm14, $0x580, v2;
	v3 =	vsel vm14, $0x500, v3;
	v4 =	vsel vm14, $0x480, v4  }
0x56: {  	v5 =	vsel vm14, $0x400, v5;
	v6 =	vsel vm14, $0x380, v6;
	v7 =	vsel vm14, $0x300, v7  }
0x57: {  	v8 =	vsel vm14, $0x280, v8;
	v9 =	vsel vm14, $0x200, v9;
	v10 =	vsel vm14, $0x180, v10  }
0x58: {  	v11 =	vsel vm14, $0x100, v11;
	v12 =	vsel vm14, $0x80, v12;
	v13 =	vsel vm14, $0x0, v13  }
0x59: {  	v14 =	vsel vm14, $0x780, v14;
	v25 =	vsel vm14, $0x700, v15;
	v15 =	vimm.s32 $0x43024100  }
0x5a: {  	v49 =	vsel vm0, $0x680, v1;
	v50 =	vsel vm0, $0x600, v2;
	v51 =	vsel vm0, $0x580, v3  }
0x5b: {  	v53 =	vsel vm0, $0x500, v4;
	v54 =	vsel vm0, $0x480, v5;
	v56 =	vsel vm0, $0x400, v6  }
0x5c: {  	v57 =	vsel vm0, $0x380, v7;
	v8 =	vsel vm0, $0x300, v8;
	v9 =	vsel vm0, $0x280, v9  }
0x5d: {  	v10 =	vsel vm0, $0x200, v10;
	v59 =	vsel vm0, $0x100, v12;
	v18 =	vsel vm0, $0x80, v13  }
0x5e: {  	v12 =	vsel vm0, $0x0, v14;
	v21 =	vunpack.c.0.s8.s32 v15;
	v15 =	vimm.s32 $0x47064504  }
0x5f: {  	v7 =	vsel vm15, v36, v39;
	v22 =	vunpack.c.0.s8.s32 v15;
	v15 =	vimm.s32 $0x400F4E0D  }
0x60: {  	s0 =	rddreg [dreg:$0x0];
	v13 =	vsel vm0, $0x780, v25;
	v24 =	vunpack.c.0.s8.s32 v15;
	v15 =	vimm.s32 $0x44034201  }
0x61: {  	s9 =	rddreg [dreg:$0x1];
	s2 =	simm.s32 $0x0;
	v44 =	vsel vm15, v21, v20;
	v30 =	vsel vm15, v22, v21;
	v26 =	vunpack.c.0.s8.s32 v15  }
0x62: {  	[smem:$0x7FF] =	sst s2;
	v15 =	vimm.s32 $0x4D0C4B0A;
	v45 =	vsel vm15, v19, v22;
	v31 =	vsel vm15, v24, v23  }
0x63: {  	s1 =	rddreg [dreg:$0x2];
	_ =	strace $0x80000047;
	[tilespmem:$0x1FF60] =	vst v13;
	v28 =	vunpack.c.0.s8.s32 v15;
	v15 =	vimm.s32 $0x45044302;
	v48 =	vcombine.low v30, v29  }
0x64: {  	s4 =	srdreg.scid;
	s3 =	stileid.u32;
	s11 =	simm.s32 $0x400;
	[tilespmem:$0x1FFA0] =	vst v7;
	v60 =	vcombine.low v45, v44;
	v32 =	vsel vm15, v27, v26;
	v34 =	vunpack.c.0.s8.s32 v15  }
0x65: {  	s12 =	simm.s32 $0x7A1400;
	s13 =	simm.s32 $0x1;
	s14 =	simm.s32 $0x4000;
	[tilespmem:$0x1FFF0] =	vst v12;
	v15 =	vimm.s32 $0x4201400F;
	v46 =	vsel vm15, v26, v24;
	v62 =	vsel vm15, v28, v35  }
0x66: {  	s15 =	simm.s32 $0x2;
	s16 =	simm.s32 $0x2000;
	s17 =	simm.s32 $0x6000;
	v37 =	vunpack.c.0.s8.s32 v15;
	v25 =	vcombine.low v46, v47;
	v61 =	vsel vm15, v34, v33;
	[tilespmem:$0x1FF80] =	vst v62  }
0x67: {  	s18 =	simm.s32 $0x3;
	s19 =	simm.s32 $0x4;
	s20 =	simm.s32 $0x0;
	v4 =	vcombine.low v32, v31;
	v40 =	vsel vm15, v33, v28;
	v23 =	vcombine.low v47, v46;
	[tilespmem:$0x1FF70] =	vst v61  }
.Ltmp0:
0x68: {  	s5 =	sand.u32 $0x1, s4;
	s6 =	sshll.u32 s3, $0x1;
	v41 =	vsel vm15, v35, v34;
	v34 =	vcombine.low v44, v45;
	v3 =	vsel vm15, v38, v37;
	[tilespmem:$0x1FFB0] =	vst v25;
	(pc) =	sbr.rel .LBB2_1-.Ltmp0, $4  }
0x69: {  	s4 =	sadd.s32 $0xE00, s9;
	s7 =	ssub.s32 $0x2, s5;
	s5 =	sor.u32 s5, s6;
	v28 =	vcombine.low v29, v30;
	v42 =	vsel vm15, v37, v36;
	v5 =	vcombine.low v41, v40;
	[tilespmem:$0x1FF90] =	vst v3  }
0x6a: {  	s6 =	sadd.s32 $0x1200, s9;
	s9 =	sadd.s32 $0x7A2200, s9;
	s8 =	sshrl.u32 s7, $0x1;
	v11 =	vsel vm0, $0x180, v11;
	v30 =	vcombine.low v31, v32;
	v6 =	vcombine.low v43, v42;
	[tilespmem:$0x1FFC0] =	vst v34  }
0x6b: {  	s31 =	sshll.u32 s5, $0x7;
	p0 =	sne.s32 s5, $0x0;
	s10 =	ssub.s32 s7, s8;
	v19 =	vmovc v59;
	v27 =	vmul.u32 $0x80, v52;
	v14 =	vcombine.low v62, v61;
	v31 =	vcombine.low v40, v41;
	[tilespmem:$0x1FFE0] =	vst v5  }
0x6c: {  	s7 =	sadd.s32 s0, s31;
	s8 =	sadd.s32 $0x1000, s0;
	s10 =	smax.u32 s10, $0x1;
	v24 =	vmul.u32 $0x80, v63;
	v33 =	vmovc v60;
	v26 =	vcombine.low v7, v3;
	v32 =	vcombine.low v42, v43;
	[tilespmem:$0x1FFD0] =	vst v6  }
.LBB2_10:
0x6d: {  	_ =	swait.ge [sflag:s18], $0x2000  }
0x6e: {  	[sflag:s18] =	ssyncset.done $0x0  }
0x6f: {  	[sflag:s18] =	ssyncadd.s32 $0xFFFFE000  }
0x70: {  	_ =	swait.ge [sflag:s19], $0x2000  }
0x71: {  	s21 =	simm.s32 @!p0 $0x0;
	[sflag:s19] =	ssyncset.done $0x0  }
0x72: {  	s22 =	simm.s32 @!p0 $0x8000;
	s23 =	simm.s32 @!p0 $0x5;
	[sflag:s19] =	ssyncadd.s32 $0xFFFFE000  }
0x73: {  	[tilespmem:s22], [sflag:$0x5] =	stream.linear.gather @!p0 [hbm4b:s4+s21], $0x1400, $0x38;
	[tilespmem:$0x9400] =	vst v63  }
0x74: {  	s20 =	sadd.s32 $0x1, s20;
	_ =	swait.ge @!p0 [sflag:s23], $0x1400  }
0x75: {  	p1 =	sne.s32 s20, s10;
	[sflag:s23] =	ssyncset.done @!p0 $0x0  }
.Ltmp1:
0x76: {  	[sflag:s23] =	ssyncadd.s32 @!p0 $0xFFFFEC00;
	(pc) =	sbr.rel @!p1 .LBB2_11-.Ltmp1, $4  }
0x77: {  	[hbm4b:s9+s21] =	stream.linear.scatter @!p0 [tilespmem:s22], [sflag:$0x5], $0x1400, $0x38;
	[tilespmem:$0x9400] =	vst v63  }
0x78: {  	_ =	swait.ge @!p0 [sflag:s23], $0x1400  }
0x79: {  	[sflag:s23] =	ssyncset.done @!p0 $0x0  }
0x7a: {  	[sflag:s23] =	ssyncadd.s32 @!p0 $0xFFFFEC00  }
.LBB2_1:
.Ltmp2:
0x7b: {  	(pc) =	sbr.rel .LBB2_2-.Ltmp2, $3  }
0x7c: {  	_ =	sdelay $0x1  }
0x7d: {  	[tilespmem:s2], [sflag:$0x1] =	stream.strided.gather [hbm4b:s7+s11], $0x2000, s12, s11, $0x38;
	[tilespmem:$0x9400] =	vst v63  }
0x7e: {  	s21 =	simm.s32 $0x0  }
.LBB2_9:
0x7f: {  	s21 =	sadd.s32 $0x1, s21  }
0x80: {  	p1 =	sne.s32 s21, $0x7B  }
.Ltmp3:
0x81: {  	_ = 	snop;
	(pc) =	sbr.rel @!p1 .LBB2_10-.Ltmp3, $1  }
0x82: {  	_ =	sdelay $0x3  }
.LBB2_2:
0x83: {  	s22 =	sshll.u32 s21, $0x6  }
0x84: {  	s23 =	sor.u32 s5, s22  }
0x85: {  	p1 =	sgt.u32 s23, $0x1E83  }
.Ltmp4:
0x86: {  	_ = 	snop;
	(pc) =	sbr.rel @p1 .LBB2_9-.Ltmp4, $1  }
0x87: {  	_ =	sdelay $0x3  }
0x88: {  	_ =	swait.ge [sflag:s13], $0x2000;
	s22 =	sor.u32 $0x20, s23;
	s24 =	simm.s32 $0x0  }
0x89: {  	p1 =	seq.s32 s21, $0x0;
	[sflag:s13] =	ssyncset.done $0x0;
	p2 =	sgt.u32 s22, $0x1E83  }
0x8a: {  	s26 =	sand.u32 $0x20, s24;
	s24 =	sand.u32 $0x70, s24;
	[sflag:s13] =	ssyncadd.s32 $0xFFFFE000  }
0x8b: {  	s25 =	sshll.u32 @!p2 s22, $0x7;
	s28 =	simm.s32 @!p2 $0x400;
	s29 =	sor.u32 $0x10, s26  }
0x8c: {  	v36 =	vmov s26;
	s30 =	simm.s32 @!p2 $0x7A1400;
	s31 =	simm.s32 @!p2 $0x2000;
	s25 =	sadd.s32 @!p2 s0, s25  }
0x8d: {  	v37 =	vmov s29;
	v40 =	vshll.u32 v36, $0x7;
	[tilespmem:s31], [sflag:$0x2] =	stream.strided.gather @!p2 [hbm4b:s25+s28], $0x2000, s30, s28, $0x38;
	[tilespmem:$0x9400] =	vst v63  }
0x8e: {  	v38 =	vor.u32 s24, v52;
	v36 =	vor.u32 v27, v40;
	v37 =	vshll.u32 v37, $0x7;
	s25 =	simm.s32 @!p1 $0x3  }
0x8f: {  	s24 =	sshrl.u32 s24, $0x1;
	v36 =	vor.u32 v38, v36;
	v39 =	vor.u32 v27, v37;
	_ =	swait.ge @!p1 [sflag:s25], $0x2000  }
0x90: {  	v41 =	vmov s24;
	v42 =	vor.u32 v38, v39;
	v2 =	vld [tilespmem:$0x1FF60]  }
0x91: {  	v59 =	vshll.u32 v41, $0x7  }
0x92: {  	v41 =	vor.u32 v24, v59;
	[sflag:s25] =	ssyncset.done @!p1 $0x0  }
0x93: {  	v39 =	vor.u32 s26, v41;
	[sflag:s25] =	ssyncadd.s32 @!p1 $0xFFFFE000  }
0x94: {  	v41 =	vor.u32 s29, v41;
	v43 =	vor.u32 v48, v39;
	v36 =	vld.idx.msk [tilespmem:v36+s2+$0x0], $0xffff  }
0x95: {  	v45 =	vor.u32 v48, v41;
	v44 =	vor.u32 v2, v40;
	v42 =	vld.idx.msk [tilespmem:v42+s2+$0x0], $0xffff  }
0x96: {  	v46 =	vor.u32 v2, v37;
	v44 =	vor.u32 v38, v44  }
0x97: {  	v46 =	vor.u32 v38, v46;
	_ =	sdelay $0x1  }
0x98: {  	[tilespmem:v43+s14+$0x0] =	vst.idx.msk $0xffff, v36  }
0x99: {  	[tilespmem:v45+s14+$0x0] =	vst.idx.msk $0xffff, v42  }
0x9a: {  	v60 =	vor.u32 v4, v39;
	v36 =	vld.idx.msk [tilespmem:v44+s2+$0x0], $0xffff  }
0x9b: {  	v61 =	vor.u32 v12, v40;
	v63 =	vor.u32 v4, v41;
	v62 =	vld.idx.msk [tilespmem:v46+s2+$0x0], $0xffff  }
0x9c: {  	v0 =	vor.u32 v12, v37;
	v43 =	vor.u32 v38, v61  }
0x9d: {  	v46 =	vor.u32 v38, v0;
	_ =	sdelay $0x1  }
0x9e: {  	[tilespmem:v60+s14+$0x0] =	vst.idx.msk $0xffff, v36  }
0x9f: {  	[tilespmem:v63+s14+$0x0] =	vst.idx.msk $0xffff, v62  }
0xa0: {  	v1 =	vor.u32 v5, v39;
	v36 =	vld.idx.msk [tilespmem:v43+s2+$0x0], $0xffff  }
0xa1: {  	v21 =	vor.u32 v18, v40;
	v22 =	vor.u32 v5, v41;
	v44 =	vld.idx.msk [tilespmem:v46+s2+$0x0], $0xffff  }
0xa2: {  	v35 =	vor.u32 v18, v37;
	v43 =	vor.u32 v38, v21  }
0xa3: {  	v46 =	vor.u32 v38, v35;
	_ =	sdelay $0x1  }
0xa4: {  	[tilespmem:v1+s14+$0x0] =	vst.idx.msk $0xffff, v36  }
0xa5: {  	[tilespmem:v22+s14+$0x0] =	vst.idx.msk $0xffff, v44  }
0xa6: {  	v55 =	vor.u32 v6, v39;
	v36 =	vld.idx.msk [tilespmem:v43+s2+$0x0], $0xffff  }
0xa7: {  	v58 =	vor.u32 v19, v40;
	v59 =	vor.u32 v6, v41;
	v44 =	vld.idx.msk [tilespmem:v46+s2+$0x0], $0xffff  }
0xa8: {  	v60 =	vor.u32 v19, v37;
	v43 =	vor.u32 v38, v58  }
0xa9: {  	v46 =	vor.u32 v38, v60;
	_ =	sdelay $0x1  }
0xaa: {  	[tilespmem:v55+s14+$0x0] =	vst.idx.msk $0xffff, v36  }
0xab: {  	[tilespmem:v59+s14+$0x0] =	vst.idx.msk $0xffff, v44  }
0xac: {  	v61 =	vor.u32 v33, v39;
	v36 =	vld.idx.msk [tilespmem:v43+s2+$0x0], $0xffff  }
0xad: {  	v62 =	vor.u32 v11, v40;
	v63 =	vor.u32 v33, v41;
	v44 =	vld.idx.msk [tilespmem:v46+s2+$0x0], $0xffff  }
0xae: {  	v0 =	vor.u32 v11, v37;
	v43 =	vor.u32 v38, v62  }
0xaf: {  	v46 =	vor.u32 v38, v0;
	_ =	sdelay $0x1  }
0xb0: {  	[tilespmem:v61+s14+$0x0] =	vst.idx.msk $0xffff, v36  }
0xb1: {  	[tilespmem:v63+s14+$0x0] =	vst.idx.msk $0xffff, v44  }
0xb2: {  	v1 =	vor.u32 v23, v39;
	v36 =	vld.idx.msk [tilespmem:v43+s2+$0x0], $0xffff  }
0xb3: {  	v21 =	vor.u32 v10, v40;
	v22 =	vor.u32 v23, v41;
	v44 =	vld.idx.msk [tilespmem:v46+s2+$0x0], $0xffff  }
0xb4: {  	v35 =	vor.u32 v10, v37;
	v43 =	vor.u32 v38, v21  }
0xb5: {  	v46 =	vor.u32 v38, v35;
	_ =	sdelay $0x1  }
0xb6: {  	[tilespmem:v1+s14+$0x0] =	vst.idx.msk $0xffff, v36  }
0xb7: {  	[tilespmem:v22+s14+$0x0] =	vst.idx.msk $0xffff, v44  }
0xb8: {  	v55 =	vor.u32 v14, v39;
	v36 =	vld.idx.msk [tilespmem:v43+s2+$0x0], $0xffff  }
0xb9: {  	v58 =	vor.u32 v9, v40;
	v59 =	vor.u32 v14, v41;
	v44 =	vld.idx.msk [tilespmem:v46+s2+$0x0], $0xffff  }
0xba: {  	v60 =	vor.u32 v9, v37;
	v43 =	vor.u32 v38, v58  }
0xbb: {  	v46 =	vor.u32 v38, v60;
	_ =	sdelay $0x1  }
0xbc: {  	[tilespmem:v55+s14+$0x0] =	vst.idx.msk $0xffff, v36  }
0xbd: {  	[tilespmem:v59+s14+$0x0] =	vst.idx.msk $0xffff, v44  }
0xbe: {  	v61 =	vor.u32 v26, v39;
	v36 =	vld.idx.msk [tilespmem:v43+s2+$0x0], $0xffff  }
0xbf: {  	v62 =	vor.u32 v8, v40;
	v63 =	vor.u32 v26, v41;
	v44 =	vld.idx.msk [tilespmem:v46+s2+$0x0], $0xffff  }
0xc0: {  	v0 =	vor.u32 v8, v37;
	v43 =	vor.u32 v38, v62  }
0xc1: {  	v46 =	vor.u32 v38, v0;
	_ =	sdelay $0x1  }
0xc2: {  	[tilespmem:v61+s14+$0x0] =	vst.idx.msk $0xffff, v36  }
0xc3: {  	[tilespmem:v63+s14+$0x0] =	vst.idx.msk $0xffff, v44  }
0xc4: {  	v1 =	vor.u32 v28, v39;
	v36 =	vld.idx.msk [tilespmem:v43+s2+$0x0], $0xffff  }
0xc5: {  	v21 =	vor.u32 v57, v40;
	v22 =	vor.u32 v28, v41;
	v44 =	vld.idx.msk [tilespmem:v46+s2+$0x0], $0xffff  }
0xc6: {  	v35 =	vor.u32 v57, v37;
	v43 =	vor.u32 v38, v21  }
0xc7: {  	v46 =	vor.u32 v38, v35;
	_ =	sdelay $0x1  }
0xc8: {  	[tilespmem:v1+s14+$0x0] =	vst.idx.msk $0xffff, v36  }
0xc9: {  	[tilespmem:v22+s14+$0x0] =	vst.idx.msk $0xffff, v44  }
0xca: {  	v55 =	vor.u32 v30, v39;
	v36 =	vld.idx.msk [tilespmem:v43+s2+$0x0], $0xffff  }
0xcb: {  	v58 =	vor.u32 v56, v40;
	v59 =	vor.u32 v30, v41;
	v44 =	vld.idx.msk [tilespmem:v46+s2+$0x0], $0xffff  }
0xcc: {  	v60 =	vor.u32 v56, v37;
	v43 =	vor.u32 v38, v58  }
0xcd: {  	v46 =	vor.u32 v38, v60;
	_ =	sdelay $0x1  }
0xce: {  	[tilespmem:v55+s14+$0x0] =	vst.idx.msk $0xffff, v36  }
0xcf: {  	[tilespmem:v59+s14+$0x0] =	vst.idx.msk $0xffff, v44  }
0xd0: {  	v61 =	vor.u32 v31, v39;
	v36 =	vld.idx.msk [tilespmem:v43+s2+$0x0], $0xffff  }
0xd1: {  	v62 =	vor.u32 v54, v40;
	v63 =	vor.u32 v31, v41;
	v44 =	vld.idx.msk [tilespmem:v46+s2+$0x0], $0xffff  }
0xd2: {  	v0 =	vor.u32 v54, v37;
	v43 =	vor.u32 v38, v62  }
0xd3: {  	v46 =	vor.u32 v38, v0;
	_ =	sdelay $0x1  }
0xd4: {  	[tilespmem:v61+s14+$0x0] =	vst.idx.msk $0xffff, v36  }
0xd5: {  	[tilespmem:v63+s14+$0x0] =	vst.idx.msk $0xffff, v44  }
0xd6: {  	v1 =	vor.u32 v32, v39;
	v36 =	vld.idx.msk [tilespmem:v43+s2+$0x0], $0xffff  }
0xd7: {  	v21 =	vor.u32 v53, v40;
	v22 =	vor.u32 v32, v41;
	v44 =	vld.idx.msk [tilespmem:v46+s2+$0x0], $0xffff  }
0xd8: {  	v35 =	vor.u32 v53, v37;
	v43 =	vor.u32 v38, v21  }
0xd9: {  	v46 =	vor.u32 v38, v35;
	_ =	sdelay $0x1  }
0xda: {  	[tilespmem:v1+s14+$0x0] =	vst.idx.msk $0xffff, v36  }
0xdb: {  	[tilespmem:v22+s14+$0x0] =	vst.idx.msk $0xffff, v44  }
0xdc: {  	v55 =	vor.u32 v34, v39;
	v36 =	vld.idx.msk [tilespmem:v43+s2+$0x0], $0xffff  }
0xdd: {  	v58 =	vor.u32 v51, v40;
	v59 =	vor.u32 v34, v41;
	v44 =	vld.idx.msk [tilespmem:v46+s2+$0x0], $0xffff  }
0xde: {  	v60 =	vor.u32 v51, v37;
	v43 =	vor.u32 v38, v58  }
0xdf: {  	v46 =	vor.u32 v38, v60;
	_ =	sdelay $0x1  }
0xe0: {  	[tilespmem:v55+s14+$0x0] =	vst.idx.msk $0xffff, v36  }
0xe1: {  	v0 =	vld [tilespmem:$0x1FF70];
	[tilespmem:v59+s14+$0x0] =	vst.idx.msk $0xffff, v44  }
0xe2: {  	v36 =	vld.idx.msk [tilespmem:v43+s2+$0x0], $0xffff  }
0xe3: {  	v1 =	vor.u32 v50, v37;
	v44 =	vld.idx.msk [tilespmem:v46+s2+$0x0], $0xffff  }
0xe4: {  	v61 =	vor.u32 v25, v39;
	v46 =	vor.u32 v38, v1;
	v1 =	vld [tilespmem:$0x1FF80]  }
0xe5: {  	v62 =	vor.u32 v50, v40;
	v63 =	vor.u32 v25, v41  }
0xe6: {  	v43 =	vor.u32 v38, v62;
	_ =	sdelay $0x1  }
0xe7: {  	v58 =	vld [tilespmem:$0x1FFA0]  }
0xe8: {  	s24 =	simm.s32 $0x8;
	v55 =	vld [tilespmem:$0x1FF90];
	[tilespmem:v61+s14+$0x0] =	vst.idx.msk $0xffff, v36;
	v0 =	vcombine.low v0, v1  }
0xe9: {  	v15 =	vmov v8;
	v16 =	vmov v9;
	v17 =	vmov v10;
	s28 =	sand.u32 $0x70, s24;
	[tilespmem:v63+s14+$0x0] =	vst.idx.msk $0xffff, v44  }
0xea: {  	v29 =	vmovc v27;
	v7 =	vmovc v33;
	v13 =	vmov v54;
	v27 =	vmov v14;
	s29 =	sshrl.u32 s28, $0x1;
	v42 =	vld.idx.msk [tilespmem:v43+s2+$0x0], $0xffff;
	v21 =	vor.u32 v0, v39  }
0xeb: {  	v47 =	vmov s29;
	v10 =	vmovc v50;
	v9 =	vmovc v49;
	v40 =	vor.u32 v49, v40;
	v44 =	vld.idx.msk [tilespmem:v46+s2+$0x0], $0xffff;
	v22 =	vor.u32 v0, v41  }
0xec: {  	s30 =	simm.s32 $0x20;
	v14 =	vmovc v56;
	v8 =	vmovc v23;
	v34 =	vmov v32;
	v32 =	vmov v31;
	v40 =	vor.u32 v38, v40  }
0xed: {  	s26 =	sand.u32 $0x20, s30;
	v31 =	vmovc v30;
	v30 =	vmovc v28;
	v28 =	vmov v26;
	v26 =	vmov v2;
	[tilespmem:$0x1FF40] =	vst v0;
	v0 =	vcombine.low v55, v58  }
0xee: {  	v25 =	vmovc v11;
	v11 =	vmovc v51;
	v37 =	vor.u32 v49, v37;
	v1 =	vshll.u32 v47, $0x7;
	v47 =	vmov s26  }
0xef: {  	s31 =	sor.u32 $0x10, s26;
	v59 =	vor.u32 v38, v37;
	v43 =	vor.u32 v0, v41;
	v41 =	vshll.u32 v47, $0x7;
	[tilespmem:v21+s14+$0x0] =	vst.idx.msk $0xffff, v42  }
0xf0: {  	v35 =	vmovc v48;
	v62 =	vmov s31;
	v63 =	vor.u32 v29, v41;
	v61 =	vor.u32 v18, v41;
	[tilespmem:v22+s14+$0x0] =	vst.idx.msk $0xffff, v44  }
0xf1: {  	v58 =	vor.u32 v19, v41;
	v21 =	vor.u32 v24, v1;
	v22 =	vor.u32 v0, v39;
	v55 =	vld.idx.msk [tilespmem:v40+s2+$0x0], $0xffff  }
0xf2: {  	v37 =	vmovc v19;
	v36 =	vmovc v18;
	v42 =	vshll.u32 v62, $0x7;
	v39 =	vor.u32 s28, v52;
	v38 =	vor.u32 s26, v21  }
0xf3: {  	[tilespmem:$0x1FF50] =	vst v0;
	v44 =	vor.u32 v2, v41;
	v45 =	vor.u32 v2, v42;
	v62 =	vor.u32 v12, v42  }
0xf4: {  	v60 =	vor.u32 v18, v42;
	v46 =	vor.u32 v39, v63;
	v40 =	vor.u32 v29, v42;
	v48 =	vld.idx.msk [tilespmem:v59+s2+$0x0], $0xffff  }
0xf5: {  	v18 =	vmovc v57;
	v63 =	vor.u32 v12, v41;
	v59 =	vor.u32 v19, v42;
	v19 =	vmovc v12;
	v12 =	vmov v53  }
0xf6: {  	s25 =	simm.s32 $0x40;
	v47 =	vor.u32 v39, v40;
	v40 =	vor.u32 s31, v21;
	[tilespmem:v22+s14+$0x0] =	vst.idx.msk $0xffff, v55;
	v55 =	vor.u32 v25, v41  }
.LBB2_4:
0xf7: {  	_ =	sdelay $0x1  }
0xf8: {  	[tilespmem:v43+s14+$0x0] =	vst.idx.msk $0xffff, v48  }
0xf9: {  	v43 =	vld.idx.msk [tilespmem:v46+s2+$0x0], $0xffff;
	v46 =	vor.u32 v35, v38  }
0xfa: {  	v1 =	vor.u32 v35, v40;
	v33 =	vld.idx.msk [tilespmem:v47+s2+$0x0], $0xffff  }
0xfb: {  	v2 =	vor.u32 v39, v44  }
0xfc: {  	v3 =	vor.u32 v39, v45;
	_ =	sdelay $0x1  }
0xfd: {  	[tilespmem:v46+s14+$0x0] =	vst.idx.msk $0xffff, v43  }
0xfe: {  	[tilespmem:v1+s14+$0x0] =	vst.idx.msk $0xffff, v33  }
0xff: {  	v33 =	vor.u32 v4, v38;
	v2 =	vld.idx.msk [tilespmem:v2+s2+$0x0], $0xffff  }
0x100: {  	v1 =	vor.u32 v4, v40;
	v3 =	vld.idx.msk [tilespmem:v3+s2+$0x0], $0xffff  }
0x101: {  	v63 =	vor.u32 v39, v63  }
0x102: {  	v62 =	vor.u32 v39, v62;
	_ =	sdelay $0x1  }
0x103: {  	[tilespmem:v33+s14+$0x0] =	vst.idx.msk $0xffff, v2  }
0x104: {  	[tilespmem:v1+s14+$0x0] =	vst.idx.msk $0xffff, v3  }
0x105: {  	v3 =	vor.u32 v5, v38;
	v1 =	vld.idx.msk [tilespmem:v63+s2+$0x0], $0xffff  }
0x106: {  	v33 =	vor.u32 v5, v40;
	v2 =	vld.idx.msk [tilespmem:v62+s2+$0x0], $0xffff  }
0x107: {  	v61 =	vor.u32 v39, v61  }
0x108: {  	v60 =	vor.u32 v39, v60;
	_ =	sdelay $0x1  }
0x109: {  	[tilespmem:v3+s14+$0x0] =	vst.idx.msk $0xffff, v1  }
0x10a: {  	[tilespmem:v33+s14+$0x0] =	vst.idx.msk $0xffff, v2  }
0x10b: {  	v3 =	vor.u32 v6, v38;
	v1 =	vld.idx.msk [tilespmem:v61+s2+$0x0], $0xffff  }
0x10c: {  	v62 =	vor.u32 v6, v40;
	v2 =	vld.idx.msk [tilespmem:v60+s2+$0x0], $0xffff  }
0x10d: {  	v58 =	vor.u32 v39, v58  }
0x10e: {  	v59 =	vor.u32 v39, v59;
	_ =	sdelay $0x1  }
0x10f: {  	[tilespmem:v3+s14+$0x0] =	vst.idx.msk $0xffff, v1  }
0x110: {  	[tilespmem:v62+s14+$0x0] =	vst.idx.msk $0xffff, v2  }
0x111: {  	v3 =	vor.u32 v7, v38;
	v1 =	vld.idx.msk [tilespmem:v58+s2+$0x0], $0xffff  }
0x112: {  	v63 =	vor.u32 v7, v40;
	v2 =	vld.idx.msk [tilespmem:v59+s2+$0x0], $0xffff  }
0x113: {  	v21 =	vor.u32 v25, v42;
	v55 =	vor.u32 v39, v55  }
0x114: {  	v21 =	vor.u32 v39, v21;
	_ =	sdelay $0x1  }
0x115: {  	[tilespmem:v3+s14+$0x0] =	vst.idx.msk $0xffff, v1  }
0x116: {  	[tilespmem:v63+s14+$0x0] =	vst.idx.msk $0xffff, v2  }
0x117: {  	v3 =	vor.u32 v8, v38;
	v1 =	vld.idx.msk [tilespmem:v55+s2+$0x0], $0xffff  }
0x118: {  	v22 =	vor.u32 v17, v41;
	v2 =	vld.idx.msk [tilespmem:v21+s2+$0x0], $0xffff;
	v21 =	vor.u32 v8, v40  }
0x119: {  	v23 =	vor.u32 v17, v42;
	v22 =	vor.u32 v39, v22  }
0x11a: {  	v23 =	vor.u32 v39, v23;
	_ =	sdelay $0x1  }
0x11b: {  	[tilespmem:v3+s14+$0x0] =	vst.idx.msk $0xffff, v1  }
0x11c: {  	[tilespmem:v21+s14+$0x0] =	vst.idx.msk $0xffff, v2  }
0x11d: {  	v3 =	vor.u32 v27, v38;
	v1 =	vld.idx.msk [tilespmem:v22+s2+$0x0], $0xffff  }
0x11e: {  	v20 =	vmov v24;
	v24 =	vor.u32 v16, v41;
	v21 =	vor.u32 v27, v40;
	v2 =	vld.idx.msk [tilespmem:v23+s2+$0x0], $0xffff  }
0x11f: {  	v0 =	vor.u32 v16, v42;
	v22 =	vor.u32 v39, v24  }
0x120: {  	v0 =	vor.u32 v39, v0;
	_ =	sdelay $0x1  }
0x121: {  	[tilespmem:v3+s14+$0x0] =	vst.idx.msk $0xffff, v1  }
0x122: {  	[tilespmem:v21+s14+$0x0] =	vst.idx.msk $0xffff, v2  }
0x123: {  	v33 =	vor.u32 v28, v38;
	v1 =	vld.idx.msk [tilespmem:v22+s2+$0x0], $0xffff  }
0x124: {  	v57 =	vor.u32 v15, v41;
	v3 =	vor.u32 v28, v40;
	v0 =	vld.idx.msk [tilespmem:v0+s2+$0x0], $0xffff  }
0x125: {  	v56 =	vor.u32 v15, v42;
	v21 =	vor.u32 v39, v57  }
0x126: {  	v22 =	vor.u32 v39, v56;
	_ =	sdelay $0x1  }
0x127: {  	[tilespmem:v33+s14+$0x0] =	vst.idx.msk $0xffff, v1  }
0x128: {  	[tilespmem:v3+s14+$0x0] =	vst.idx.msk $0xffff, v0  }
0x129: {  	v55 =	vor.u32 v30, v38;
	v0 =	vld.idx.msk [tilespmem:v21+s2+$0x0], $0xffff  }
0x12a: {  	v54 =	vor.u32 v18, v41;
	v3 =	vor.u32 v30, v40;
	v1 =	vld.idx.msk [tilespmem:v22+s2+$0x0], $0xffff  }
0x12b: {  	v53 =	vor.u32 v18, v42;
	v21 =	vor.u32 v39, v54  }
0x12c: {  	v22 =	vor.u32 v39, v53;
	_ =	sdelay $0x1  }
0x12d: {  	[tilespmem:v55+s14+$0x0] =	vst.idx.msk $0xffff, v0  }
0x12e: {  	[tilespmem:v3+s14+$0x0] =	vst.idx.msk $0xffff, v1  }
0x12f: {  	v56 =	vor.u32 v31, v38;
	v0 =	vld.idx.msk [tilespmem:v21+s2+$0x0], $0xffff  }
0x130: {  	v52 =	vor.u32 v14, v41;
	v3 =	vor.u32 v31, v40;
	v1 =	vld.idx.msk [tilespmem:v22+s2+$0x0], $0xffff  }
0x131: {  	v51 =	vor.u32 v14, v42;
	v21 =	vor.u32 v39, v52  }
0x132: {  	v22 =	vor.u32 v39, v51;
	_ =	sdelay $0x1  }
0x133: {  	[tilespmem:v56+s14+$0x0] =	vst.idx.msk $0xffff, v0  }
0x134: {  	[tilespmem:v3+s14+$0x0] =	vst.idx.msk $0xffff, v1  }
0x135: {  	v57 =	vor.u32 v32, v38;
	v0 =	vld.idx.msk [tilespmem:v21+s2+$0x0], $0xffff  }
0x136: {  	v50 =	vor.u32 v13, v41;
	v3 =	vor.u32 v32, v40;
	v1 =	vld.idx.msk [tilespmem:v22+s2+$0x0], $0xffff  }
0x137: {  	v49 =	vor.u32 v13, v42;
	v21 =	vor.u32 v39, v50  }
0x138: {  	v22 =	vor.u32 v39, v49;
	_ =	sdelay $0x1  }
0x139: {  	[tilespmem:v57+s14+$0x0] =	vst.idx.msk $0xffff, v0  }
0x13a: {  	[tilespmem:v3+s14+$0x0] =	vst.idx.msk $0xffff, v1  }
0x13b: {  	v58 =	vor.u32 v34, v38;
	v0 =	vld.idx.msk [tilespmem:v21+s2+$0x0], $0xffff  }
0x13c: {  	v3 =	vor.u32 v34, v40;
	v1 =	vld.idx.msk [tilespmem:v22+s2+$0x0], $0xffff;
	_ =	sdelay $0x3  }
0x13d: {  	v48 =	vor.u32 v12, v41;
	[tilespmem:v58+s14+$0x0] =	vst.idx.msk $0xffff, v0  }
0x13e: {  	v47 =	vor.u32 v12, v42;
	v21 =	vor.u32 v39, v48;
	[tilespmem:v3+s14+$0x0] =	vst.idx.msk $0xffff, v1;
	v3 =	vld [tilespmem:$0x1FFC0]  }
0x13f: {  	v22 =	vor.u32 v39, v47;
	_ =	sdelay $0x3  }
0x140: {  	v0 =	vld.idx.msk [tilespmem:v21+s2+$0x0], $0xffff;
	v59 =	vor.u32 v3, v38  }
0x141: {  	v1 =	vld.idx.msk [tilespmem:v22+s2+$0x0], $0xffff;
	v3 =	vor.u32 v3, v40;
	_ =	sdelay $0x3  }
0x142: {  	v45 =	vor.u32 v11, v41;
	[tilespmem:v59+s14+$0x0] =	vst.idx.msk $0xffff, v0  }
0x143: {  	v46 =	vor.u32 v11, v42;
	v21 =	vor.u32 v39, v45;
	[tilespmem:v3+s14+$0x0] =	vst.idx.msk $0xffff, v1;
	v3 =	vld [tilespmem:$0x1FFB0]  }
0x144: {  	v22 =	vor.u32 v39, v46;
	_ =	sdelay $0x3  }
0x145: {  	v0 =	vld.idx.msk [tilespmem:v21+s2+$0x0], $0xffff;
	v60 =	vor.u32 v3, v38  }
0x146: {  	v1 =	vld.idx.msk [tilespmem:v22+s2+$0x0], $0xffff;
	v3 =	vor.u32 v3, v40;
	_ =	sdelay $0x3  }
0x147: {  	v43 =	vor.u32 v10, v41;
	[tilespmem:v60+s14+$0x0] =	vst.idx.msk $0xffff, v0  }
0x148: {  	v44 =	vor.u32 v10, v42;
	v21 =	vor.u32 v39, v43;
	[tilespmem:v3+s14+$0x0] =	vst.idx.msk $0xffff, v1;
	v3 =	vld [tilespmem:$0x1FF40]  }
0x149: {  	v22 =	vor.u32 v39, v44;
	_ =	sdelay $0x2  }
0x14a: {  	v62 =	vld [tilespmem:$0x1FF50]  }
0x14b: {  	v0 =	vld.idx.msk [tilespmem:v21+s2+$0x0], $0xffff;
	v61 =	vor.u32 v3, v38  }
0x14c: {  	s24 =	sadd.s32 $0x8, s24;
	v41 =	vor.u32 v9, v41;
	v1 =	vld.idx.msk [tilespmem:v22+s2+$0x0], $0xffff;
	v3 =	vor.u32 v3, v40  }
0x14d: {  	s28 =	sand.u32 $0x70, s24;
	v42 =	vor.u32 v9, v42;
	v41 =	vor.u32 v39, v41  }
0x14e: {  	s26 =	smov.u32 s25;
	s29 =	sshrl.u32 s28, $0x1;
	v42 =	vor.u32 v39, v42  }
0x14f: {  	s26 =	sand.u32 $0x20, s26;
	v33 =	vor.u32 v62, v38;
	v52 =	vlaneseq.u32;
	v21 =	vmov s29  }
0x150: {  	s31 =	sor.u32 $0x10, s26;
	v43 =	vor.u32 v62, v40;
	v39 =	vor.u32 s28, v52;
	v21 =	vshll.u32 v21, $0x7;
	[tilespmem:v61+s14+$0x0] =	vst.idx.msk $0xffff, v0  }
0x151: {  	v63 =	vor.u32 v20, v21;
	v21 =	vmov s31;
	v61 =	vmov s26;
	[tilespmem:v3+s14+$0x0] =	vst.idx.msk $0xffff, v1  }
0x152: {  	p3 =	sne.s32 s25, $0x1E0;
	v38 =	vor.u32 s26, v63;
	v40 =	vor.u32 s31, v63;
	v3 =	vld.idx.msk [tilespmem:v41+s2+$0x0], $0xffff;
	v41 =	vshll.u32 v61, $0x7  }
.Ltmp5:
0x153: {  	v48 =	vld.idx.msk [tilespmem:v42+s2+$0x0], $0xffff;
	v42 =	vshll.u32 v21, $0x7;
	v62 =	vor.u32 v29, v41;
	v44 =	vor.u32 v26, v41;
	(pc) =	sbr.rel @p3 .LBB2_4-.Ltmp5, $4  }
0x154: {  	v63 =	vor.u32 v29, v42;
	v45 =	vor.u32 v26, v42;
	v61 =	vor.u32 v36, v41  }
0x155: {  	v60 =	vor.u32 v36, v42;
	v58 =	vor.u32 v37, v41;
	v59 =	vor.u32 v37, v42  }
0x156: {  	v55 =	vor.u32 v25, v41;
	v46 =	vor.u32 v39, v62;
	v47 =	vor.u32 v39, v63  }
0x157: {  	s25 =	sadd.s32 $0x20, s25;
	v24 =	vmov v20;
	v63 =	vor.u32 v19, v41;
	v62 =	vor.u32 v19, v42;
	[tilespmem:v33+s14+$0x0] =	vst.idx.msk $0xffff, v3  }
0x158: {  	_ =	sdelay $0x3  }
0x159: {  	[tilespmem:v43+s14+$0x0] =	vst.idx.msk $0xffff, v48  }
0x15a: {  	v1 =	vor.u32 v35, v38;
	v0 =	vld.idx.msk [tilespmem:v46+s2+$0x0], $0xffff  }
0x15b: {  	v3 =	vor.u32 v35, v40;
	v2 =	vld.idx.msk [tilespmem:v47+s2+$0x0], $0xffff  }
0x15c: {  	v21 =	vor.u32 v39, v44  }
0x15d: {  	v22 =	vor.u32 v39, v45;
	_ =	sdelay $0x1  }
0x15e: {  	[tilespmem:v1+s14+$0x0] =	vst.idx.msk $0xffff, v0  }
0x15f: {  	[tilespmem:v3+s14+$0x0] =	vst.idx.msk $0xffff, v2  }
0x160: {  	v48 =	vor.u32 v4, v38;
	v0 =	vld.idx.msk [tilespmem:v21+s2+$0x0], $0xffff  }
0x161: {  	v3 =	vor.u32 v4, v40;
	v2 =	vld.idx.msk [tilespmem:v22+s2+$0x0], $0xffff  }
0x162: {  	v21 =	vor.u32 v39, v63  }
0x163: {  	v22 =	vor.u32 v39, v62;
	_ =	sdelay $0x1  }
0x164: {  	[tilespmem:v48+s14+$0x0] =	vst.idx.msk $0xffff, v0  }
0x165: {  	[tilespmem:v3+s14+$0x0] =	vst.idx.msk $0xffff, v2  }
0x166: {  	v49 =	vor.u32 v5, v38;
	v0 =	vld.idx.msk [tilespmem:v21+s2+$0x0], $0xffff  }
0x167: {  	v3 =	vor.u32 v5, v40;
	v2 =	vld.idx.msk [tilespmem:v22+s2+$0x0], $0xffff  }
0x168: {  	v21 =	vor.u32 v39, v61  }
0x169: {  	v22 =	vor.u32 v39, v60;
	_ =	sdelay $0x1  }
0x16a: {  	[tilespmem:v49+s14+$0x0] =	vst.idx.msk $0xffff, v0  }
0x16b: {  	[tilespmem:v3+s14+$0x0] =	vst.idx.msk $0xffff, v2  }
0x16c: {  	v50 =	vor.u32 v6, v38;
	v0 =	vld.idx.msk [tilespmem:v21+s2+$0x0], $0xffff  }
0x16d: {  	v3 =	vor.u32 v6, v40;
	v2 =	vld.idx.msk [tilespmem:v22+s2+$0x0], $0xffff  }
0x16e: {  	v21 =	vor.u32 v39, v58  }
0x16f: {  	v22 =	vor.u32 v39, v59;
	_ =	sdelay $0x1  }
0x170: {  	[tilespmem:v50+s14+$0x0] =	vst.idx.msk $0xffff, v0  }
0x171: {  	[tilespmem:v3+s14+$0x0] =	vst.idx.msk $0xffff, v2  }
0x172: {  	v51 =	vor.u32 v7, v38;
	v0 =	vld.idx.msk [tilespmem:v21+s2+$0x0], $0xffff  }
0x173: {  	v3 =	vor.u32 v7, v40;
	v2 =	vld.idx.msk [tilespmem:v22+s2+$0x0], $0xffff  }
0x174: {  	v21 =	vor.u32 v25, v42;
	v22 =	vor.u32 v39, v55  }
0x175: {  	v21 =	vor.u32 v39, v21;
	_ =	sdelay $0x1  }
0x176: {  	[tilespmem:v51+s14+$0x0] =	vst.idx.msk $0xffff, v0  }
0x177: {  	[tilespmem:v3+s14+$0x0] =	vst.idx.msk $0xffff, v2  }
0x178: {  	v53 =	vor.u32 v8, v38;
	v0 =	vld.idx.msk [tilespmem:v22+s2+$0x0], $0xffff  }
0x179: {  	v54 =	vor.u32 v17, v41;
	v3 =	vld.idx.msk [tilespmem:v21+s2+$0x0], $0xffff;
	v21 =	vor.u32 v8, v40  }
0x17a: {  	v2 =	vor.u32 v39, v54;
	v22 =	vor.u32 v17, v42  }
0x17b: {  	v22 =	vor.u32 v39, v22;
	_ =	sdelay $0x1  }
0x17c: {  	[tilespmem:v53+s14+$0x0] =	vst.idx.msk $0xffff, v0  }
0x17d: {  	[tilespmem:v21+s14+$0x0] =	vst.idx.msk $0xffff, v3  }
0x17e: {  	v55 =	vor.u32 v27, v38;
	v0 =	vld.idx.msk [tilespmem:v2+s2+$0x0], $0xffff  }
0x17f: {  	v56 =	vor.u32 v16, v41;
	v21 =	vor.u32 v27, v40;
	v3 =	vld.idx.msk [tilespmem:v22+s2+$0x0], $0xffff  }
0x180: {  	v22 =	vor.u32 v16, v42;
	v2 =	vor.u32 v39, v56  }
0x181: {  	v22 =	vor.u32 v39, v22;
	_ =	sdelay $0x1  }
0x182: {  	[tilespmem:v55+s14+$0x0] =	vst.idx.msk $0xffff, v0  }
0x183: {  	[tilespmem:v21+s14+$0x0] =	vst.idx.msk $0xffff, v3  }
0x184: {  	v57 =	vor.u32 v28, v38;
	v0 =	vld.idx.msk [tilespmem:v2+s2+$0x0], $0xffff  }
0x185: {  	v58 =	vor.u32 v15, v41;
	v21 =	vor.u32 v28, v40;
	v3 =	vld.idx.msk [tilespmem:v22+s2+$0x0], $0xffff  }
0x186: {  	v22 =	vor.u32 v15, v42;
	v2 =	vor.u32 v39, v58  }
0x187: {  	v22 =	vor.u32 v39, v22;
	_ =	sdelay $0x1  }
0x188: {  	[tilespmem:v57+s14+$0x0] =	vst.idx.msk $0xffff, v0  }
0x189: {  	[tilespmem:v21+s14+$0x0] =	vst.idx.msk $0xffff, v3  }
0x18a: {  	v59 =	vor.u32 v30, v38;
	v0 =	vld.idx.msk [tilespmem:v2+s2+$0x0], $0xffff  }
0x18b: {  	v60 =	vor.u32 v18, v41;
	v21 =	vor.u32 v30, v40;
	v3 =	vld.idx.msk [tilespmem:v22+s2+$0x0], $0xffff  }
0x18c: {  	v22 =	vor.u32 v18, v42;
	v2 =	vor.u32 v39, v60  }
0x18d: {  	v22 =	vor.u32 v39, v22;
	_ =	sdelay $0x1  }
0x18e: {  	[tilespmem:v59+s14+$0x0] =	vst.idx.msk $0xffff, v0  }
0x18f: {  	[tilespmem:v21+s14+$0x0] =	vst.idx.msk $0xffff, v3  }
0x190: {  	v61 =	vor.u32 v31, v38;
	v0 =	vld.idx.msk [tilespmem:v2+s2+$0x0], $0xffff  }
0x191: {  	v62 =	vor.u32 v14, v41;
	v21 =	vor.u32 v31, v40;
	v3 =	vld.idx.msk [tilespmem:v22+s2+$0x0], $0xffff  }
0x192: {  	v22 =	vor.u32 v14, v42;
	v2 =	vor.u32 v39, v62  }
0x193: {  	v22 =	vor.u32 v39, v22;
	_ =	sdelay $0x1  }
0x194: {  	[tilespmem:v61+s14+$0x0] =	vst.idx.msk $0xffff, v0  }
0x195: {  	[tilespmem:v21+s14+$0x0] =	vst.idx.msk $0xffff, v3  }
0x196: {  	v63 =	vor.u32 v32, v38;
	v0 =	vld.idx.msk [tilespmem:v2+s2+$0x0], $0xffff  }
0x197: {  	v33 =	vor.u32 v13, v41;
	v21 =	vor.u32 v32, v40;
	v3 =	vld.idx.msk [tilespmem:v22+s2+$0x0], $0xffff  }
0x198: {  	v22 =	vor.u32 v13, v42;
	v2 =	vor.u32 v39, v33  }
0x199: {  	v22 =	vor.u32 v39, v22;
	_ =	sdelay $0x1  }
0x19a: {  	[tilespmem:v63+s14+$0x0] =	vst.idx.msk $0xffff, v0  }
0x19b: {  	[tilespmem:v21+s14+$0x0] =	vst.idx.msk $0xffff, v3  }
0x19c: {  	v43 =	vor.u32 v34, v38;
	v0 =	vld.idx.msk [tilespmem:v2+s2+$0x0], $0xffff  }
0x19d: {  	v44 =	vor.u32 v12, v41;
	v21 =	vor.u32 v34, v40;
	v3 =	vld.idx.msk [tilespmem:v22+s2+$0x0], $0xffff  }
0x19e: {  	v22 =	vor.u32 v12, v42;
	v2 =	vor.u32 v39, v44;
	v44 =	vld [tilespmem:$0x1FFC0]  }
0x19f: {  	v22 =	vor.u32 v39, v22;
	_ =	sdelay $0x1  }
0x1a0: {  	[tilespmem:v43+s14+$0x0] =	vst.idx.msk $0xffff, v0  }
0x1a1: {  	[tilespmem:v21+s14+$0x0] =	vst.idx.msk $0xffff, v3  }
0x1a2: {  	v45 =	vor.u32 v44, v38;
	v0 =	vld.idx.msk [tilespmem:v2+s2+$0x0], $0xffff  }
0x1a3: {  	v46 =	vor.u32 v11, v41;
	v21 =	vor.u32 v44, v40;
	v3 =	vld.idx.msk [tilespmem:v22+s2+$0x0], $0xffff  }
0x1a4: {  	v47 =	vld [tilespmem:$0x1FFB0];
	v22 =	vor.u32 v11, v42;
	v2 =	vor.u32 v39, v46  }
0x1a5: {  	v22 =	vor.u32 v39, v22;
	_ =	sdelay $0x1  }
0x1a6: {  	[tilespmem:v45+s14+$0x0] =	vst.idx.msk $0xffff, v0  }
0x1a7: {  	[tilespmem:v21+s14+$0x0] =	vst.idx.msk $0xffff, v3  }
0x1a8: {  	v58 =	vor.u32 v47, v38;
	v0 =	vld.idx.msk [tilespmem:v2+s2+$0x0], $0xffff  }
0x1a9: {  	v21 =	vor.u32 v47, v40;
	v3 =	vld.idx.msk [tilespmem:v22+s2+$0x0], $0xffff;
	_ =	sdelay $0x3  }
0x1aa: {  	v59 =	vor.u32 v10, v41;
	[tilespmem:v58+s14+$0x0] =	vst.idx.msk $0xffff, v0  }
0x1ab: {  	v22 =	vor.u32 v10, v42;
	v2 =	vor.u32 v39, v59;
	[tilespmem:v21+s14+$0x0] =	vst.idx.msk $0xffff, v3;
	v21 =	vld [tilespmem:$0x1FF40]  }
0x1ac: {  	v22 =	vor.u32 v39, v22;
	_ =	sdelay $0x3  }
0x1ad: {  	v0 =	vld.idx.msk [tilespmem:v2+s2+$0x0], $0xffff;
	v60 =	vor.u32 v21, v38  }
0x1ae: {  	v3 =	vld.idx.msk [tilespmem:v22+s2+$0x0], $0xffff;
	v21 =	vor.u32 v21, v40;
	_ =	sdelay $0x3  }
0x1af: {  	v61 =	vor.u32 v9, v41;
	[tilespmem:v60+s14+$0x0] =	vst.idx.msk $0xffff, v0  }
0x1b0: {  	v2 =	vor.u32 v39, v61;
	v22 =	vor.u32 v9, v42;
	[tilespmem:v21+s14+$0x0] =	vst.idx.msk $0xffff, v3;
	v3 =	vld [tilespmem:$0x1FF50]  }
0x1b1: {  	v22 =	vor.u32 v39, v22;
	_ =	sdelay $0x3  }
0x1b2: {  	v1 =	vld.idx.msk [tilespmem:v2+s2+$0x0], $0xffff;
	v62 =	vor.u32 v3, v38  }
0x1b3: {  	v63 =	vor.u32 v3, v40;
	v3 =	vld.idx.msk [tilespmem:v22+s2+$0x0], $0xffff  }
0x1b4: {  	v23 =	vmov v8  }
.Ltmp6:
0x1b5: {  	v26 =	vmovc v28;
	v48 =	vmovc v35;
	v49 =	vmov v9;
	v50 =	vmov v10;
	v51 =	vmov v11;
	(pc) =	sbr.rel @p2 .LBB2_9-.Ltmp6, $4  }
0x1b6: {  	v54 =	vmovc v13;
	v8 =	vmovc v15;
	v53 =	vmov v12;
	v56 =	vmov v14;
	v28 =	vmov v30  }
0x1b7: {  	s23 =	sshll.u32 s23, $0xA;
	v57 =	vmovc v18;
	v30 =	vmovc v31;
	v18 =	vmov v36;
	v31 =	vmov v32;
	v14 =	vmov v27;
	[tilespmem:v62+s14+$0x0] =	vst.idx.msk $0xffff, v1  }
0x1b8: {  	s23 =	sadd.s32 s6, s23;
	v27 =	vmovc v29;
	v32 =	vmovc v34;
	v33 =	vmov v7;
	v12 =	vmov v19;
	v19 =	vmov v37;
	[tilespmem:v63+s14+$0x0] =	vst.idx.msk $0xffff, v3  }
0x1b9: {  	v34 =	vmovc v44;
	v11 =	vmovc v25;
	v25 =	vmov v47;
	v10 =	vmov v17;
	v9 =	vmov v16;
	[hbm4b:s23+s2] =	stream.linear.scatter [tilespmem:s14], [sflag:$0x3], $0x2000, $0x38;
	[tilespmem:$0x9400] =	vst v63  }
0x1ba: {  	_ =	swait.ge [sflag:s15], $0x2000  }
0x1bb: {  	p2 =	sgt.u32 s22, $0x1E63;
	s23 =	simm.s32 $0x0;
	[sflag:s15] =	ssyncset.done $0x0  }
0x1bc: {  	s24 =	sshll.u32 @!p2 s22, $0x7;
	s25 =	sand.u32 $0x20, s23;
	s26 =	simm.s32 @!p2 $0x400  }
0x1bd: {  	s29 =	simm.s32 @!p2 $0x7A1400;
	s30 =	simm.s32 @!p2 $0x0;
	s23 =	sand.u32 $0x70, s23  }
0x1be: {  	[sflag:s15] =	ssyncadd.s32 $0xFFFFE000;
	s24 =	sadd.s32 @!p2 s24, s8;
	v0 =	vmov s25;
	s28 =	sor.u32 $0x10, s25  }
0x1bf: {  	v1 =	vmov s28;
	v41 =	vshll.u32 v0, $0x7;
	[tilespmem:s30], [sflag:$0x1] =	stream.strided.gather @!p2 [hbm4b:s24+s26], $0x2000, s29, s26, $0x38;
	[tilespmem:$0x9400] =	vst v63  }
0x1c0: {  	v38 =	vor.u32 s23, v52;
	s24 =	simm.s32 @!p1 $0x4;
	v0 =	vor.u32 v27, v41;
	v39 =	vshll.u32 v1, $0x7  }
0x1c1: {  	s23 =	sshrl.u32 s23, $0x1;
	_ =	swait.ge @!p1 [sflag:s24], $0x2000;
	v0 =	vor.u32 v38, v0;
	v1 =	vor.u32 v27, v39  }
0x1c2: {  	v2 =	vmov s23;
	v13 =	vld [tilespmem:$0x1FF60];
	v1 =	vor.u32 v38, v1  }
0x1c3: {  	v2 =	vshll.u32 v2, $0x7  }
0x1c4: {  	[sflag:s24] =	ssyncset.done @!p1 $0x0;
	v2 =	vor.u32 v24, v2  }
0x1c5: {  	[sflag:s24] =	ssyncadd.s32 @!p1 $0xFFFFE000;
	v40 =	vor.u32 s25, v2  }
0x1c6: {  	v42 =	vor.u32 s28, v2;
	v47 =	vor.u32 v48, v40;
	v0 =	vld.idx.msk [tilespmem:v0+s16+$0x0], $0xffff  }
0x1c7: {  	v21 =	vor.u32 v48, v42;
	v3 =	vor.u32 v13, v41;
	v1 =	vld.idx.msk [tilespmem:v1+s16+$0x0], $0xffff  }
0x1c8: {  	v22 =	vor.u32 v13, v39;
	v3 =	vor.u32 v38, v3  }
0x1c9: {  	v22 =	vor.u32 v38, v22;
	_ =	sdelay $0x1  }
0x1ca: {  	[tilespmem:v47+s17+$0x0] =	vst.idx.msk $0xffff, v0  }
0x1cb: {  	[tilespmem:v21+s17+$0x0] =	vst.idx.msk $0xffff, v1  }
0x1cc: {  	v55 =	vor.u32 v4, v40;
	v0 =	vld.idx.msk [tilespmem:v3+s16+$0x0], $0xffff  }
0x1cd: {  	v58 =	vor.u32 v12, v41;
	v21 =	vor.u32 v4, v42;
	v59 =	vld.idx.msk [tilespmem:v22+s16+$0x0], $0xffff  }
0x1ce: {  	v2 =	vor.u32 v38, v58;
	v22 =	vor.u32 v12, v39  }
0x1cf: {  	v22 =	vor.u32 v38, v22;
	_ =	sdelay $0x1  }
0x1d0: {  	[tilespmem:v55+s17+$0x0] =	vst.idx.msk $0xffff, v0  }
0x1d1: {  	[tilespmem:v21+s17+$0x0] =	vst.idx.msk $0xffff, v59  }
0x1d2: {  	v60 =	vor.u32 v5, v40;
	v0 =	vld.idx.msk [tilespmem:v2+s16+$0x0], $0xffff  }
0x1d3: {  	v61 =	vor.u32 v18, v41;
	v21 =	vor.u32 v5, v42;
	v3 =	vld.idx.msk [tilespmem:v22+s16+$0x0], $0xffff  }
0x1d4: {  	v22 =	vor.u32 v18, v39;
	v2 =	vor.u32 v38, v61  }
0x1d5: {  	v22 =	vor.u32 v38, v22;
	_ =	sdelay $0x1  }
0x1d6: {  	[tilespmem:v60+s17+$0x0] =	vst.idx.msk $0xffff, v0  }
0x1d7: {  	[tilespmem:v21+s17+$0x0] =	vst.idx.msk $0xffff, v3  }
0x1d8: {  	v62 =	vor.u32 v6, v40;
	v0 =	vld.idx.msk [tilespmem:v2+s16+$0x0], $0xffff  }
0x1d9: {  	v63 =	vor.u32 v19, v41;
	v21 =	vor.u32 v6, v42;
	v3 =	vld.idx.msk [tilespmem:v22+s16+$0x0], $0xffff  }
0x1da: {  	v22 =	vor.u32 v19, v39;
	v2 =	vor.u32 v38, v63  }
0x1db: {  	v22 =	vor.u32 v38, v22;
	_ =	sdelay $0x1  }
0x1dc: {  	[tilespmem:v62+s17+$0x0] =	vst.idx.msk $0xffff, v0  }
0x1dd: {  	[tilespmem:v21+s17+$0x0] =	vst.idx.msk $0xffff, v3  }
0x1de: {  	v35 =	vor.u32 v33, v40;
	v0 =	vld.idx.msk [tilespmem:v2+s16+$0x0], $0xffff  }
0x1df: {  	v36 =	vor.u32 v11, v41;
	v21 =	vor.u32 v33, v42;
	v3 =	vld.idx.msk [tilespmem:v22+s16+$0x0], $0xffff  }
0x1e0: {  	v22 =	vor.u32 v11, v39;
	v2 =	vor.u32 v38, v36  }
0x1e1: {  	v22 =	vor.u32 v38, v22;
	_ =	sdelay $0x1  }
0x1e2: {  	[tilespmem:v35+s17+$0x0] =	vst.idx.msk $0xffff, v0  }
0x1e3: {  	[tilespmem:v21+s17+$0x0] =	vst.idx.msk $0xffff, v3  }
0x1e4: {  	v37 =	vor.u32 v23, v40;
	v0 =	vld.idx.msk [tilespmem:v2+s16+$0x0], $0xffff  }
0x1e5: {  	v43 =	vor.u32 v10, v41;
	v21 =	vor.u32 v23, v42;
	v3 =	vld.idx.msk [tilespmem:v22+s16+$0x0], $0xffff  }
0x1e6: {  	v22 =	vor.u32 v10, v39;
	v2 =	vor.u32 v38, v43  }
0x1e7: {  	v22 =	vor.u32 v38, v22;
	_ =	sdelay $0x1  }
0x1e8: {  	[tilespmem:v37+s17+$0x0] =	vst.idx.msk $0xffff, v0  }
0x1e9: {  	[tilespmem:v21+s17+$0x0] =	vst.idx.msk $0xffff, v3  }
0x1ea: {  	v44 =	vor.u32 v14, v40;
	v0 =	vld.idx.msk [tilespmem:v2+s16+$0x0], $0xffff  }
0x1eb: {  	v45 =	vor.u32 v9, v41;
	v21 =	vor.u32 v14, v42;
	v3 =	vld.idx.msk [tilespmem:v22+s16+$0x0], $0xffff  }
0x1ec: {  	v22 =	vor.u32 v9, v39;
	v2 =	vor.u32 v38, v45  }
0x1ed: {  	v22 =	vor.u32 v38, v22;
	_ =	sdelay $0x1  }
0x1ee: {  	[tilespmem:v44+s17+$0x0] =	vst.idx.msk $0xffff, v0  }
0x1ef: {  	[tilespmem:v21+s17+$0x0] =	vst.idx.msk $0xffff, v3  }
0x1f0: {  	v46 =	vor.u32 v26, v40;
	v0 =	vld.idx.msk [tilespmem:v2+s16+$0x0], $0xffff  }
0x1f1: {  	v47 =	vor.u32 v8, v41;
	v21 =	vor.u32 v26, v42;
	v3 =	vld.idx.msk [tilespmem:v22+s16+$0x0], $0xffff  }
0x1f2: {  	v22 =	vor.u32 v8, v39;
	v2 =	vor.u32 v38, v47  }
0x1f3: {  	v22 =	vor.u32 v38, v22;
	_ =	sdelay $0x1  }
0x1f4: {  	[tilespmem:v46+s17+$0x0] =	vst.idx.msk $0xffff, v0  }
0x1f5: {  	[tilespmem:v21+s17+$0x0] =	vst.idx.msk $0xffff, v3  }
0x1f6: {  	v55 =	vor.u32 v28, v40;
	v0 =	vld.idx.msk [tilespmem:v2+s16+$0x0], $0xffff  }
0x1f7: {  	v58 =	vor.u32 v57, v41;
	v21 =	vor.u32 v28, v42;
	v3 =	vld.idx.msk [tilespmem:v22+s16+$0x0], $0xffff  }
0x1f8: {  	v22 =	vor.u32 v57, v39;
	v2 =	vor.u32 v38, v58  }
0x1f9: {  	v22 =	vor.u32 v38, v22;
	_ =	sdelay $0x1  }
0x1fa: {  	[tilespmem:v55+s17+$0x0] =	vst.idx.msk $0xffff, v0  }
0x1fb: {  	[tilespmem:v21+s17+$0x0] =	vst.idx.msk $0xffff, v3  }
0x1fc: {  	v59 =	vor.u32 v30, v40;
	v0 =	vld.idx.msk [tilespmem:v2+s16+$0x0], $0xffff  }
0x1fd: {  	v60 =	vor.u32 v56, v41;
	v21 =	vor.u32 v30, v42;
	v3 =	vld.idx.msk [tilespmem:v22+s16+$0x0], $0xffff  }
0x1fe: {  	v22 =	vor.u32 v56, v39;
	v2 =	vor.u32 v38, v60  }
0x1ff: {  	v22 =	vor.u32 v38, v22;
	_ =	sdelay $0x1  }
0x200: {  	[tilespmem:v59+s17+$0x0] =	vst.idx.msk $0xffff, v0  }
0x201: {  	[tilespmem:v21+s17+$0x0] =	vst.idx.msk $0xffff, v3  }
0x202: {  	v61 =	vor.u32 v31, v40;
	v0 =	vld.idx.msk [tilespmem:v2+s16+$0x0], $0xffff  }
0x203: {  	v62 =	vor.u32 v54, v41;
	v21 =	vor.u32 v31, v42;
	v3 =	vld.idx.msk [tilespmem:v22+s16+$0x0], $0xffff  }
0x204: {  	v22 =	vor.u32 v54, v39;
	v2 =	vor.u32 v38, v62  }
0x205: {  	v22 =	vor.u32 v38, v22;
	_ =	sdelay $0x1  }
0x206: {  	[tilespmem:v61+s17+$0x0] =	vst.idx.msk $0xffff, v0  }
0x207: {  	[tilespmem:v21+s17+$0x0] =	vst.idx.msk $0xffff, v3  }
0x208: {  	v63 =	vor.u32 v32, v40;
	v0 =	vld.idx.msk [tilespmem:v2+s16+$0x0], $0xffff  }
0x209: {  	v35 =	vor.u32 v53, v41;
	v21 =	vor.u32 v32, v42;
	v3 =	vld.idx.msk [tilespmem:v22+s16+$0x0], $0xffff  }
0x20a: {  	v22 =	vor.u32 v53, v39;
	v2 =	vor.u32 v38, v35  }
0x20b: {  	v22 =	vor.u32 v38, v22;
	_ =	sdelay $0x1  }
0x20c: {  	[tilespmem:v63+s17+$0x0] =	vst.idx.msk $0xffff, v0  }
0x20d: {  	[tilespmem:v21+s17+$0x0] =	vst.idx.msk $0xffff, v3  }
0x20e: {  	v36 =	vor.u32 v34, v40;
	v0 =	vld.idx.msk [tilespmem:v2+s16+$0x0], $0xffff  }
0x20f: {  	v37 =	vor.u32 v51, v41;
	v21 =	vor.u32 v34, v42;
	v3 =	vld.idx.msk [tilespmem:v22+s16+$0x0], $0xffff  }
0x210: {  	v22 =	vor.u32 v51, v39;
	v2 =	vor.u32 v38, v37  }
0x211: {  	v22 =	vor.u32 v38, v22;
	_ =	sdelay $0x1  }
0x212: {  	[tilespmem:v36+s17+$0x0] =	vst.idx.msk $0xffff, v0  }
0x213: {  	[tilespmem:v21+s17+$0x0] =	vst.idx.msk $0xffff, v3  }
0x214: {  	v43 =	vor.u32 v25, v40;
	v0 =	vld.idx.msk [tilespmem:v2+s16+$0x0], $0xffff  }
0x215: {  	v44 =	vor.u32 v50, v41;
	v21 =	vor.u32 v25, v42;
	v3 =	vld.idx.msk [tilespmem:v22+s16+$0x0], $0xffff  }
0x216: {  	v7 =	vld [tilespmem:$0x1FF40];
	v22 =	vor.u32 v50, v39;
	v2 =	vor.u32 v38, v44  }
0x217: {  	v22 =	vor.u32 v38, v22;
	_ =	sdelay $0x1  }
0x218: {  	v47 =	vld [tilespmem:$0x1FF50];
	[tilespmem:v43+s17+$0x0] =	vst.idx.msk $0xffff, v0  }
0x219: {  	[tilespmem:v21+s17+$0x0] =	vst.idx.msk $0xffff, v3  }
0x21a: {  	s23 =	simm.s32 $0x8;
	s30 =	simm.s32 $0x20;
	v45 =	vor.u32 v7, v40;
	v0 =	vld.idx.msk [tilespmem:v2+s16+$0x0], $0xffff  }
0x21b: {  	s28 =	sand.u32 $0x70, s23;
	s25 =	sand.u32 $0x20, s30;
	v46 =	vor.u32 v49, v41;
	v21 =	vor.u32 v7, v42;
	v3 =	vld.idx.msk [tilespmem:v22+s16+$0x0], $0xffff  }
0x21c: {  	v29 =	vmov v27;
	s29 =	sshrl.u32 s28, $0x1;
	v62 =	vmov s25;
	v2 =	vor.u32 v38, v46  }
0x21d: {  	v15 =	vmovc v10;
	v1 =	vor.u32 v47, v40;
	v41 =	vshll.u32 v62, $0x7;
	v36 =	vmovc v23;
	v23 =	vmov s29  }
0x21e: {  	v16 =	vmovc v11;
	v17 =	vmovc v19;
	v58 =	vor.u32 v19, v41;
	v23 =	vshll.u32 v23, $0x7;
	v22 =	vor.u32 v49, v39  }
0x21f: {  	s31 =	sor.u32 $0x10, s25;
	v6 =	vmov v49;
	v55 =	vor.u32 v24, v23;
	v22 =	vor.u32 v38, v22;
	[tilespmem:v45+s17+$0x0] =	vst.idx.msk $0xffff, v0  }
0x220: {  	v61 =	vor.u32 v18, v41;
	v44 =	vor.u32 v13, v41;
	v40 =	vor.u32 s31, v55;
	[tilespmem:v21+s17+$0x0] =	vst.idx.msk $0xffff, v3  }
0x221: {  	v10 =	vmovc v54;
	v35 =	vmovc v48;
	v43 =	vor.u32 v47, v42;
	v39 =	vor.u32 s28, v52;
	v21 =	vmov s31;
	v2 =	vld.idx.msk [tilespmem:v2+s16+$0x0], $0xffff  }
0x222: {  	v37 =	vmovc v4;
	v7 =	vmovc v50;
	v38 =	vor.u32 s25, v55;
	v3 =	vor.u32 v27, v41;
	v42 =	vshll.u32 v21, $0x7  }
0x223: {  	v55 =	vor.u32 v11, v41;
	v11 =	vmovc v56;
	v46 =	vor.u32 v39, v3;
	v63 =	vor.u32 v27, v42  }
0x224: {  	v48 =	vld.idx.msk [tilespmem:v22+s16+$0x0], $0xffff;
	v45 =	vor.u32 v13, v42;
	v62 =	vor.u32 v12, v42;
	v27 =	vmovc v14;
	v13 =	vmov v8  }
0x225: {  	v14 =	vmovc v9;
	v60 =	vor.u32 v18, v42;
	v59 =	vor.u32 v19, v42;
	v9 =	vmovc v53;
	v8 =	vmov v51  }
0x226: {  	s24 =	simm.s32 $0x40;
	v47 =	vor.u32 v39, v63;
	v63 =	vor.u32 v12, v41;
	v12 =	vmov v57;
	[tilespmem:v1+s17+$0x0] =	vst.idx.msk $0xffff, v2  }
.LBB2_7:
0x227: {  	_ =	sdelay $0x1  }
0x228: {  	[tilespmem:v43+s17+$0x0] =	vst.idx.msk $0xffff, v48  }
0x229: {  	v24 =	vor.u32 v35, v38;
	v2 =	vld.idx.msk [tilespmem:v46+s16+$0x0], $0xffff  }
0x22a: {  	v19 =	vmov v33;
	v33 =	vor.u32 v35, v40;
	v23 =	vld.idx.msk [tilespmem:v47+s16+$0x0], $0xffff  }
0x22b: {  	v4 =	vor.u32 v39, v44;
	_ =	sdelay $0x2  }
0x22c: {  	[tilespmem:v24+s17+$0x0] =	vst.idx.msk $0xffff, v2  }
0x22d: {  	v5 =	vor.u32 v39, v45;
	[tilespmem:v33+s17+$0x0] =	vst.idx.msk $0xffff, v23  }
0x22e: {  	v23 =	vor.u32 v37, v38;
	v4 =	vld.idx.msk [tilespmem:v4+s16+$0x0], $0xffff;
	_ =	sdelay $0x3  }
0x22f: {  	v2 =	vor.u32 v37, v40;
	v5 =	vld.idx.msk [tilespmem:v5+s16+$0x0], $0xffff  }
0x230: {  	v24 =	vor.u32 v39, v63;
	[tilespmem:v23+s17+$0x0] =	vst.idx.msk $0xffff, v4;
	v23 =	vld [tilespmem:$0x1FFE0]  }
0x231: {  	v62 =	vor.u32 v39, v62;
	_ =	sdelay $0x2  }
0x232: {  	[tilespmem:v2+s17+$0x0] =	vst.idx.msk $0xffff, v5  }
0x233: {  	v2 =	vld.idx.msk [tilespmem:v24+s16+$0x0], $0xffff;
	v5 =	vor.u32 v23, v38  }
0x234: {  	v4 =	vld.idx.msk [tilespmem:v62+s16+$0x0], $0xffff;
	v23 =	vor.u32 v23, v40;
	_ =	sdelay $0x3  }
0x235: {  	[tilespmem:v5+s17+$0x0] =	vst.idx.msk $0xffff, v2  }
0x236: {  	v24 =	vor.u32 v39, v61;
	[tilespmem:v23+s17+$0x0] =	vst.idx.msk $0xffff, v4;
	v23 =	vld [tilespmem:$0x1FFD0]  }
0x237: {  	v63 =	vor.u32 v39, v60;
	_ =	sdelay $0x3  }
0x238: {  	v2 =	vld.idx.msk [tilespmem:v24+s16+$0x0], $0xffff;
	v5 =	vor.u32 v23, v38  }
0x239: {  	v4 =	vld.idx.msk [tilespmem:v63+s16+$0x0], $0xffff;
	v23 =	vor.u32 v23, v40  }
0x23a: {  	v24 =	vor.u32 v39, v58  }
0x23b: {  	v58 =	vor.u32 v39, v59;
	_ =	sdelay $0x1  }
0x23c: {  	[tilespmem:v5+s17+$0x0] =	vst.idx.msk $0xffff, v2  }
0x23d: {  	[tilespmem:v23+s17+$0x0] =	vst.idx.msk $0xffff, v4  }
0x23e: {  	v5 =	vor.u32 v19, v38;
	v2 =	vld.idx.msk [tilespmem:v24+s16+$0x0], $0xffff  }
0x23f: {  	v23 =	vor.u32 v19, v40;
	v4 =	vld.idx.msk [tilespmem:v58+s16+$0x0], $0xffff  }
0x240: {  	v0 =	vor.u32 v16, v42;
	v24 =	vor.u32 v39, v55  }
0x241: {  	v0 =	vor.u32 v39, v0;
	_ =	sdelay $0x1  }
0x242: {  	[tilespmem:v5+s17+$0x0] =	vst.idx.msk $0xffff, v2  }
0x243: {  	[tilespmem:v23+s17+$0x0] =	vst.idx.msk $0xffff, v4  }
0x244: {  	v4 =	vor.u32 v36, v38;
	v2 =	vld.idx.msk [tilespmem:v24+s16+$0x0], $0xffff  }
0x245: {  	v1 =	vor.u32 v15, v41;
	v5 =	vor.u32 v36, v40;
	v0 =	vld.idx.msk [tilespmem:v0+s16+$0x0], $0xffff  }
0x246: {  	v3 =	vor.u32 v15, v42;
	v1 =	vor.u32 v39, v1  }
0x247: {  	v3 =	vor.u32 v39, v3;
	_ =	sdelay $0x1  }
0x248: {  	[tilespmem:v4+s17+$0x0] =	vst.idx.msk $0xffff, v2  }
0x249: {  	[tilespmem:v5+s17+$0x0] =	vst.idx.msk $0xffff, v0  }
0x24a: {  	v60 =	vor.u32 v27, v38;
	v0 =	vld.idx.msk [tilespmem:v1+s16+$0x0], $0xffff  }
0x24b: {  	v21 =	vor.u32 v14, v41;
	v61 =	vor.u32 v27, v40;
	v59 =	vld.idx.msk [tilespmem:v3+s16+$0x0], $0xffff  }
0x24c: {  	v22 =	vor.u32 v14, v42;
	v4 =	vor.u32 v39, v21  }
0x24d: {  	v5 =	vor.u32 v39, v22;
	_ =	sdelay $0x1  }
0x24e: {  	[tilespmem:v60+s17+$0x0] =	vst.idx.msk $0xffff, v0  }
0x24f: {  	[tilespmem:v61+s17+$0x0] =	vst.idx.msk $0xffff, v59  }
0x250: {  	v62 =	vor.u32 v26, v38;
	v0 =	vld.idx.msk [tilespmem:v4+s16+$0x0], $0xffff  }
0x251: {  	v57 =	vor.u32 v13, v41;
	v63 =	vor.u32 v26, v40;
	v1 =	vld.idx.msk [tilespmem:v5+s16+$0x0], $0xffff  }
0x252: {  	v56 =	vor.u32 v13, v42;
	v4 =	vor.u32 v39, v57  }
0x253: {  	v5 =	vor.u32 v39, v56;
	_ =	sdelay $0x1  }
0x254: {  	[tilespmem:v62+s17+$0x0] =	vst.idx.msk $0xffff, v0  }
0x255: {  	[tilespmem:v63+s17+$0x0] =	vst.idx.msk $0xffff, v1  }
0x256: {  	v55 =	vor.u32 v28, v38;
	v0 =	vld.idx.msk [tilespmem:v4+s16+$0x0], $0xffff  }
0x257: {  	v54 =	vor.u32 v12, v41;
	v56 =	vor.u32 v28, v40;
	v1 =	vld.idx.msk [tilespmem:v5+s16+$0x0], $0xffff  }
0x258: {  	v53 =	vor.u32 v12, v42;
	v4 =	vor.u32 v39, v54  }
0x259: {  	v5 =	vor.u32 v39, v53;
	_ =	sdelay $0x1  }
0x25a: {  	[tilespmem:v55+s17+$0x0] =	vst.idx.msk $0xffff, v0  }
0x25b: {  	[tilespmem:v56+s17+$0x0] =	vst.idx.msk $0xffff, v1  }
0x25c: {  	v57 =	vor.u32 v30, v38;
	v0 =	vld.idx.msk [tilespmem:v4+s16+$0x0], $0xffff  }
0x25d: {  	v52 =	vor.u32 v11, v41;
	v58 =	vor.u32 v30, v40;
	v1 =	vld.idx.msk [tilespmem:v5+s16+$0x0], $0xffff  }
0x25e: {  	v51 =	vor.u32 v11, v42;
	v4 =	vor.u32 v39, v52  }
0x25f: {  	v5 =	vor.u32 v39, v51;
	_ =	sdelay $0x1  }
0x260: {  	[tilespmem:v57+s17+$0x0] =	vst.idx.msk $0xffff, v0  }
0x261: {  	[tilespmem:v58+s17+$0x0] =	vst.idx.msk $0xffff, v1  }
0x262: {  	v59 =	vor.u32 v31, v38;
	v0 =	vld.idx.msk [tilespmem:v4+s16+$0x0], $0xffff  }
0x263: {  	v50 =	vor.u32 v10, v41;
	v60 =	vor.u32 v31, v40;
	v1 =	vld.idx.msk [tilespmem:v5+s16+$0x0], $0xffff  }
0x264: {  	v49 =	vor.u32 v10, v42;
	v4 =	vor.u32 v39, v50  }
0x265: {  	v5 =	vor.u32 v39, v49;
	_ =	sdelay $0x1  }
0x266: {  	[tilespmem:v59+s17+$0x0] =	vst.idx.msk $0xffff, v0  }
0x267: {  	[tilespmem:v60+s17+$0x0] =	vst.idx.msk $0xffff, v1  }
0x268: {  	v61 =	vor.u32 v32, v38;
	v0 =	vld.idx.msk [tilespmem:v4+s16+$0x0], $0xffff  }
0x269: {  	v48 =	vor.u32 v9, v41;
	v62 =	vor.u32 v32, v40;
	v1 =	vld.idx.msk [tilespmem:v5+s16+$0x0], $0xffff  }
0x26a: {  	v47 =	vor.u32 v9, v42;
	v4 =	vor.u32 v39, v48  }
0x26b: {  	v5 =	vor.u32 v39, v47;
	_ =	sdelay $0x1  }
0x26c: {  	[tilespmem:v61+s17+$0x0] =	vst.idx.msk $0xffff, v0  }
0x26d: {  	[tilespmem:v62+s17+$0x0] =	vst.idx.msk $0xffff, v1  }
0x26e: {  	v63 =	vor.u32 v34, v38;
	v0 =	vld.idx.msk [tilespmem:v4+s16+$0x0], $0xffff  }
0x26f: {  	v45 =	vor.u32 v8, v41;
	v47 =	vor.u32 v34, v40;
	v1 =	vld.idx.msk [tilespmem:v5+s16+$0x0], $0xffff  }
0x270: {  	v46 =	vor.u32 v8, v42;
	v4 =	vor.u32 v39, v45  }
0x271: {  	v5 =	vor.u32 v39, v46;
	_ =	sdelay $0x1  }
0x272: {  	[tilespmem:v63+s17+$0x0] =	vst.idx.msk $0xffff, v0  }
0x273: {  	[tilespmem:v47+s17+$0x0] =	vst.idx.msk $0xffff, v1  }
0x274: {  	v48 =	vor.u32 v25, v38;
	v0 =	vld.idx.msk [tilespmem:v4+s16+$0x0], $0xffff  }
0x275: {  	v43 =	vor.u32 v7, v41;
	v49 =	vor.u32 v25, v40;
	v1 =	vld.idx.msk [tilespmem:v5+s16+$0x0], $0xffff  }
0x276: {  	v44 =	vor.u32 v7, v42;
	v50 =	vld [tilespmem:$0x1FF40];
	v4 =	vor.u32 v39, v43  }
0x277: {  	v5 =	vor.u32 v39, v44;
	_ =	sdelay $0x1  }
0x278: {  	[tilespmem:v48+s17+$0x0] =	vst.idx.msk $0xffff, v0  }
0x279: {  	v52 =	vld [tilespmem:$0x1FF50];
	[tilespmem:v49+s17+$0x0] =	vst.idx.msk $0xffff, v1  }
0x27a: {  	v51 =	vor.u32 v50, v38;
	v0 =	vld.idx.msk [tilespmem:v4+s16+$0x0], $0xffff  }
0x27b: {  	s23 =	sadd.s32 $0x8, s23;
	v41 =	vor.u32 v6, v41;
	v3 =	vor.u32 v50, v40;
	v1 =	vld.idx.msk [tilespmem:v5+s16+$0x0], $0xffff  }
0x27c: {  	s26 =	sand.u32 $0x70, s23;
	v41 =	vor.u32 v39, v41;
	v42 =	vor.u32 v6, v42  }
0x27d: {  	s25 =	smov.u32 s24;
	s28 =	sshrl.u32 s26, $0x1;
	v42 =	vor.u32 v39, v42;
	v57 =	vld [tilespmem:$0x1FF60]  }
0x27e: {  	s25 =	sand.u32 $0x20, s25;
	v54 =	vlaneseq.u32;
	v59 =	vld [tilespmem:$0x1FFF0];
	v4 =	vmov s28  }
0x27f: {  	s31 =	sor.u32 $0x10, s25;
	v55 =	vmov s25;
	v43 =	vor.u32 v52, v40;
	v4 =	vshll.u32 v4, $0x7;
	[tilespmem:v51+s17+$0x0] =	vst.idx.msk $0xffff, v0  }
0x280: {  	v39 =	vor.u32 s26, v54;
	v53 =	vor.u32 v20, v4;
	v4 =	vmov s31;
	[tilespmem:v3+s17+$0x0] =	vst.idx.msk $0xffff, v1  }
0x281: {  	p1 =	sne.s32 s24, $0x1E0;
	v40 =	vor.u32 s31, v53;
	v1 =	vor.u32 v52, v38;
	v3 =	vld.idx.msk [tilespmem:v41+s16+$0x0], $0xffff;
	v41 =	vshll.u32 v55, $0x7  }
.Ltmp7:
0x282: {  	v48 =	vld.idx.msk [tilespmem:v42+s16+$0x0], $0xffff;
	v42 =	vshll.u32 v4, $0x7;
	v56 =	vor.u32 v29, v41;
	v44 =	vor.u32 v57, v41;
	(pc) =	sbr.rel @p1 .LBB2_7-.Ltmp7, $4  }
0x283: {  	v58 =	vor.u32 v29, v42;
	v45 =	vor.u32 v57, v42;
	v63 =	vor.u32 v59, v41  }
0x284: {  	v62 =	vor.u32 v59, v42;
	v61 =	vor.u32 v18, v41;
	v60 =	vor.u32 v18, v42  }
0x285: {  	v33 =	vmovc v19;
	v59 =	vor.u32 v17, v42;
	v55 =	vor.u32 v16, v41;
	v46 =	vor.u32 v39, v56  }
0x286: {  	s24 =	sadd.s32 $0x20, s24;
	v38 =	vor.u32 s25, v53;
	v47 =	vor.u32 v39, v58;
	v58 =	vor.u32 v17, v41;
	[tilespmem:v1+s17+$0x0] =	vst.idx.msk $0xffff, v3  }
0x287: {  	_ =	sdelay $0x3  }
0x288: {  	[tilespmem:v43+s17+$0x0] =	vst.idx.msk $0xffff, v48  }
0x289: {  	v1 =	vor.u32 v35, v38;
	v0 =	vld.idx.msk [tilespmem:v46+s16+$0x0], $0xffff  }
0x28a: {  	v3 =	vor.u32 v35, v40;
	v2 =	vld.idx.msk [tilespmem:v47+s16+$0x0], $0xffff  }
0x28b: {  	v4 =	vor.u32 v39, v44  }
0x28c: {  	v5 =	vor.u32 v39, v45;
	_ =	sdelay $0x1  }
0x28d: {  	[tilespmem:v1+s17+$0x0] =	vst.idx.msk $0xffff, v0  }
0x28e: {  	[tilespmem:v3+s17+$0x0] =	vst.idx.msk $0xffff, v2  }
0x28f: {  	v56 =	vor.u32 v37, v38;
	v0 =	vld.idx.msk [tilespmem:v4+s16+$0x0], $0xffff  }
0x290: {  	v3 =	vor.u32 v37, v40;
	v2 =	vld.idx.msk [tilespmem:v5+s16+$0x0], $0xffff  }
0x291: {  	v24 =	vmov v20;
	v20 =	vld [tilespmem:$0x1FFE0];
	v4 =	vor.u32 v39, v63  }
0x292: {  	v5 =	vor.u32 v39, v62;
	_ =	sdelay $0x1  }
0x293: {  	[tilespmem:v56+s17+$0x0] =	vst.idx.msk $0xffff, v0  }
0x294: {  	[tilespmem:v3+s17+$0x0] =	vst.idx.msk $0xffff, v2  }
0x295: {  	v57 =	vor.u32 v20, v38;
	v0 =	vld.idx.msk [tilespmem:v4+s16+$0x0], $0xffff  }
0x296: {  	v3 =	vor.u32 v20, v40;
	v2 =	vld.idx.msk [tilespmem:v5+s16+$0x0], $0xffff  }
0x297: {  	v21 =	vld [tilespmem:$0x1FFD0];
	v4 =	vor.u32 v39, v61  }
0x298: {  	v5 =	vor.u32 v39, v60;
	_ =	sdelay $0x1  }
0x299: {  	[tilespmem:v57+s17+$0x0] =	vst.idx.msk $0xffff, v0  }
0x29a: {  	[tilespmem:v3+s17+$0x0] =	vst.idx.msk $0xffff, v2  }
0x29b: {  	v61 =	vor.u32 v21, v38;
	v0 =	vld.idx.msk [tilespmem:v4+s16+$0x0], $0xffff  }
0x29c: {  	v3 =	vor.u32 v21, v40;
	v2 =	vld.idx.msk [tilespmem:v5+s16+$0x0], $0xffff  }
0x29d: {  	v4 =	vor.u32 v39, v58  }
0x29e: {  	v5 =	vor.u32 v39, v59;
	_ =	sdelay $0x1  }
0x29f: {  	[tilespmem:v61+s17+$0x0] =	vst.idx.msk $0xffff, v0  }
0x2a0: {  	[tilespmem:v3+s17+$0x0] =	vst.idx.msk $0xffff, v2  }
0x2a1: {  	v62 =	vor.u32 v33, v38;
	v0 =	vld.idx.msk [tilespmem:v4+s16+$0x0], $0xffff  }
0x2a2: {  	v3 =	vor.u32 v33, v40;
	v2 =	vld.idx.msk [tilespmem:v5+s16+$0x0], $0xffff  }
0x2a3: {  	v4 =	vor.u32 v16, v42;
	v5 =	vor.u32 v39, v55  }
0x2a4: {  	v4 =	vor.u32 v39, v4;
	_ =	sdelay $0x1  }
0x2a5: {  	[tilespmem:v62+s17+$0x0] =	vst.idx.msk $0xffff, v0  }
0x2a6: {  	[tilespmem:v3+s17+$0x0] =	vst.idx.msk $0xffff, v2  }
0x2a7: {  	v63 =	vor.u32 v36, v38;
	v0 =	vld.idx.msk [tilespmem:v5+s16+$0x0], $0xffff  }
0x2a8: {  	v43 =	vor.u32 v15, v41;
	v3 =	vld.idx.msk [tilespmem:v4+s16+$0x0], $0xffff;
	v4 =	vor.u32 v36, v40  }
0x2a9: {  	v2 =	vor.u32 v39, v43;
	v5 =	vor.u32 v15, v42  }
0x2aa: {  	v5 =	vor.u32 v39, v5;
	_ =	sdelay $0x1  }
0x2ab: {  	[tilespmem:v63+s17+$0x0] =	vst.idx.msk $0xffff, v0  }
0x2ac: {  	[tilespmem:v4+s17+$0x0] =	vst.idx.msk $0xffff, v3  }
0x2ad: {  	v44 =	vor.u32 v27, v38;
	v0 =	vld.idx.msk [tilespmem:v2+s16+$0x0], $0xffff  }
0x2ae: {  	v45 =	vor.u32 v14, v41;
	v4 =	vor.u32 v27, v40;
	v3 =	vld.idx.msk [tilespmem:v5+s16+$0x0], $0xffff  }
0x2af: {  	v5 =	vor.u32 v14, v42;
	v2 =	vor.u32 v39, v45  }
0x2b0: {  	v5 =	vor.u32 v39, v5;
	_ =	sdelay $0x1  }
0x2b1: {  	[tilespmem:v44+s17+$0x0] =	vst.idx.msk $0xffff, v0  }
0x2b2: {  	[tilespmem:v4+s17+$0x0] =	vst.idx.msk $0xffff, v3  }
0x2b3: {  	v46 =	vor.u32 v26, v38;
	v0 =	vld.idx.msk [tilespmem:v2+s16+$0x0], $0xffff  }
0x2b4: {  	v47 =	vor.u32 v13, v41;
	v4 =	vor.u32 v26, v40;
	v3 =	vld.idx.msk [tilespmem:v5+s16+$0x0], $0xffff  }
0x2b5: {  	v5 =	vor.u32 v13, v42;
	v2 =	vor.u32 v39, v47  }
0x2b6: {  	v5 =	vor.u32 v39, v5;
	_ =	sdelay $0x1  }
0x2b7: {  	[tilespmem:v46+s17+$0x0] =	vst.idx.msk $0xffff, v0  }
0x2b8: {  	[tilespmem:v4+s17+$0x0] =	vst.idx.msk $0xffff, v3  }
0x2b9: {  	v48 =	vor.u32 v28, v38;
	v0 =	vld.idx.msk [tilespmem:v2+s16+$0x0], $0xffff  }
0x2ba: {  	v49 =	vor.u32 v12, v41;
	v4 =	vor.u32 v28, v40;
	v3 =	vld.idx.msk [tilespmem:v5+s16+$0x0], $0xffff  }
0x2bb: {  	v5 =	vor.u32 v12, v42;
	v2 =	vor.u32 v39, v49  }
0x2bc: {  	v5 =	vor.u32 v39, v5;
	_ =	sdelay $0x1  }
0x2bd: {  	[tilespmem:v48+s17+$0x0] =	vst.idx.msk $0xffff, v0  }
0x2be: {  	[tilespmem:v4+s17+$0x0] =	vst.idx.msk $0xffff, v3  }
0x2bf: {  	v50 =	vor.u32 v30, v38;
	v0 =	vld.idx.msk [tilespmem:v2+s16+$0x0], $0xffff  }
0x2c0: {  	v51 =	vor.u32 v11, v41;
	v4 =	vor.u32 v30, v40;
	v3 =	vld.idx.msk [tilespmem:v5+s16+$0x0], $0xffff  }
0x2c1: {  	v5 =	vor.u32 v11, v42;
	v2 =	vor.u32 v39, v51  }
0x2c2: {  	v5 =	vor.u32 v39, v5;
	_ =	sdelay $0x1  }
0x2c3: {  	[tilespmem:v50+s17+$0x0] =	vst.idx.msk $0xffff, v0  }
0x2c4: {  	[tilespmem:v4+s17+$0x0] =	vst.idx.msk $0xffff, v3  }
0x2c5: {  	v52 =	vor.u32 v31, v38;
	v0 =	vld.idx.msk [tilespmem:v2+s16+$0x0], $0xffff  }
0x2c6: {  	v53 =	vor.u32 v10, v41;
	v4 =	vor.u32 v31, v40;
	v3 =	vld.idx.msk [tilespmem:v5+s16+$0x0], $0xffff  }
0x2c7: {  	v5 =	vor.u32 v10, v42;
	v2 =	vor.u32 v39, v53  }
0x2c8: {  	v5 =	vor.u32 v39, v5;
	_ =	sdelay $0x1  }
0x2c9: {  	[tilespmem:v52+s17+$0x0] =	vst.idx.msk $0xffff, v0  }
0x2ca: {  	[tilespmem:v4+s17+$0x0] =	vst.idx.msk $0xffff, v3  }
0x2cb: {  	v54 =	vor.u32 v32, v38;
	v0 =	vld.idx.msk [tilespmem:v2+s16+$0x0], $0xffff  }
0x2cc: {  	v55 =	vor.u32 v9, v41;
	v4 =	vor.u32 v32, v40;
	v3 =	vld.idx.msk [tilespmem:v5+s16+$0x0], $0xffff  }
0x2cd: {  	v5 =	vor.u32 v9, v42;
	v2 =	vor.u32 v39, v55  }
0x2ce: {  	v5 =	vor.u32 v39, v5;
	_ =	sdelay $0x1  }
0x2cf: {  	[tilespmem:v54+s17+$0x0] =	vst.idx.msk $0xffff, v0  }
0x2d0: {  	[tilespmem:v4+s17+$0x0] =	vst.idx.msk $0xffff, v3  }
0x2d1: {  	v56 =	vor.u32 v34, v38;
	v0 =	vld.idx.msk [tilespmem:v2+s16+$0x0], $0xffff  }
0x2d2: {  	v57 =	vor.u32 v8, v41;
	v4 =	vor.u32 v34, v40;
	v3 =	vld.idx.msk [tilespmem:v5+s16+$0x0], $0xffff  }
0x2d3: {  	v5 =	vor.u32 v8, v42;
	v2 =	vor.u32 v39, v57  }
0x2d4: {  	v5 =	vor.u32 v39, v5;
	_ =	sdelay $0x1  }
0x2d5: {  	[tilespmem:v56+s17+$0x0] =	vst.idx.msk $0xffff, v0  }
0x2d6: {  	[tilespmem:v4+s17+$0x0] =	vst.idx.msk $0xffff, v3  }
0x2d7: {  	v58 =	vor.u32 v25, v38;
	v0 =	vld.idx.msk [tilespmem:v2+s16+$0x0], $0xffff  }
0x2d8: {  	v4 =	vor.u32 v25, v40;
	v3 =	vld.idx.msk [tilespmem:v5+s16+$0x0], $0xffff;
	_ =	sdelay $0x3  }
0x2d9: {  	v59 =	vor.u32 v7, v41;
	[tilespmem:v58+s17+$0x0] =	vst.idx.msk $0xffff, v0  }
0x2da: {  	v5 =	vor.u32 v7, v42;
	v2 =	vor.u32 v39, v59;
	[tilespmem:v4+s17+$0x0] =	vst.idx.msk $0xffff, v3;
	v4 =	vld [tilespmem:$0x1FF40]  }
0x2db: {  	v5 =	vor.u32 v39, v5;
	_ =	sdelay $0x3  }
0x2dc: {  	v0 =	vld.idx.msk [tilespmem:v2+s16+$0x0], $0xffff;
	v60 =	vor.u32 v4, v38  }
0x2dd: {  	v3 =	vld.idx.msk [tilespmem:v5+s16+$0x0], $0xffff;
	v4 =	vor.u32 v4, v40;
	_ =	sdelay $0x3  }
0x2de: {  	v61 =	vor.u32 v6, v41;
	[tilespmem:v60+s17+$0x0] =	vst.idx.msk $0xffff, v0  }
0x2df: {  	v2 =	vor.u32 v39, v61;
	v5 =	vor.u32 v6, v42;
	[tilespmem:v4+s17+$0x0] =	vst.idx.msk $0xffff, v3;
	v3 =	vld [tilespmem:$0x1FF50]  }
0x2e0: {  	v5 =	vor.u32 v39, v5;
	_ =	sdelay $0x3  }
0x2e1: {  	v1 =	vld.idx.msk [tilespmem:v2+s16+$0x0], $0xffff;
	v62 =	vor.u32 v3, v38  }
0x2e2: {  	v63 =	vor.u32 v3, v40;
	v3 =	vld.idx.msk [tilespmem:v5+s16+$0x0], $0xffff;
	_ =	sdelay $0x1  }
.Ltmp8:
0x2e3: {  	_ = 	snop;
	(pc) =	sbr.rel .LBB2_9-.Ltmp8, $4  }
0x2e4: {  	v19 =	vmovc v17;
	v23 =	vmovc v36;
	v49 =	vmov v6;
	v48 =	vmov v35;
	v51 =	vmov v8  }
0x2e5: {  	s22 =	sshll.u32 s22, $0xA;
	v50 =	vmovc v7;
	v53 =	vmovc v9;
	v52 =	vlaneseq.u32;
	v9 =	vmov v14;
	v14 =	vmov v27;
	[tilespmem:v62+s17+$0x0] =	vst.idx.msk $0xffff, v1  }
0x2e6: {  	s22 =	sadd.s32 s6, s22;
	v27 =	vmovc v29;
	v54 =	vmovc v10;
	v10 =	vmov v15;
	v57 =	vmov v12;
	v8 =	vmov v13;
	[tilespmem:v63+s17+$0x0] =	vst.idx.msk $0xffff, v3  }
0x2e7: {  	v12 =	vld [tilespmem:$0x1FFF0];
	v56 =	vmovc v11;
	v11 =	vmovc v16;
	v6 =	vmov v21;
	v4 =	vmov v37;
	v5 =	vmov v20;
	[hbm4b:s22+s2] =	stream.linear.scatter [tilespmem:s17], [sflag:$0x4], $0x2000, $0x38  }
.LBB2_11:
0x2e8: {  	_ =	sfence.sel $0x180000  }
0x2e9: {  	[bflag:$0x0] =	sbarrier.arrive $0xFFFF  }
0x2ea: {  	p0 =	sne.s32 s3, $0x0;
	_ =	strace $0x90000047  }
0x2eb: {  	s0 =	sadd.s32 @!p0 $0x100000, s1;
	[bflag:$0x2] =	sbarrier.arrive $0xFFFF  }
0x2ec: {  	[sflag:s0] =	ssyncadd.tile.s32 @!p0 $0x1;
	_ =	shalt  }
.Lfunc_end2:
_tile_overlayer_lowered:
.L_overlay_start_2:
0x2ed: {  	(tag) =	ssettag $0x2  }
0x2ee: {  	s0 =	rddreg [dreg:$0x0];
	s2 =	stileid.u32  }
0x2ef: {  	s1 =	rddreg [dreg:$0x1];
	p0 =	sne.s32 s2, $0x0  }
0x2f0: {  	s3 =	rddreg [dreg:$0x2];
	[bflag:$0x3] =	sbarrier.arrive $0xFFFF;
	s2 =	simm.s32 @!p0 $0x1C05  }
0x2f1: {  	[timem:s3], [sflag:s2] =	dma.local @!p0 [hbm:s0], s1  }
0x2f2: {  	s0 =	simm.s32 @!p0 $0x5  }
0x2f3: {  	_ =	swait.ge @!p0 [sflag:s0], s1  }
0x2f4: {  	s1 =	ssub.s32 @!p0 $0x0, s1;
	[sflag:s0] =	ssyncset.done @!p0 $0x0  }
0x2f5: {  	[sflag:s0] =	ssyncadd.s32 @!p0 s1  }
0x2f6: {  	[bflag:$0x3] =	sbarrier.arrive $0xFFFF  }
0x2f7: {  	_ =	shalt  }

// kernel: kernel.7.cloned.1.call-start
scs
__scs_entry_jumppad:
0x0: {  	(pc) =	sbr.rel $0x88, $3  }
0x1: {  	(tag) =	ssettag $0x0;
	lr =	simm.s32 $0x1  }
0x2: {  	[smem:$0x3F9F] =	sst lr;
	_ =	strace $0xD0000000  }
0x3: {  	_ = 	snop  }
0x4: {  	_ = 	snop  }
0x5: {  	_ = 	snop  }
0x6: {  	_ = 	snop  }
0x7: {  	_ = 	snop  }
__scs_overlays_trampoline_lowered:
0x8: {  	[smem:$0x3FAE] =	sst s0  }
0x9: {  	[smem:$0x3FAF] =	sst s1  }
0xa: {  	[smem:$0x3FB0] =	sst s2  }
0xb: {  	[smem:$0x3FB1] =	sst s3  }
0xc: {  	[smem:$0x3FB2] =	sst s4  }
0xd: {  	[smem:$0x3FB3] =	sst s5  }
0xe: {  	[smem:$0x3FB4] =	sst s6  }
0xf: {  	[smem:$0x3FB5] =	sst s7  }
0x10: {  	[smem:$0x3FB6] =	sst s8  }
0x11: {  	[smem:$0x3FB7] =	sst s9;
	s0 =	simm.s32 @!p0 $0x0  }
0x12: {  	s1 =	sld [smem:$0x3F9D];
	s0 =	simm.s32 @p0 $0x1  }
0x13: {  	[smem:$0x3FB8] =	sst s0;
	s0 =	simm.s32 @!p1 $0x0  }
0x14: {  	s2 =	sld [smem:$0x3F9C];
	s0 =	simm.s32 @p1 $0x1  }
0x15: {  	[smem:$0x3FB9] =	sst s0;
	s0 =	simm.s32 @!p2 $0x0  }
0x16: {  	s3 =	sld [smem:$0x3FDB];
	s0 =	simm.s32 @p2 $0x1  }
0x17: {  	s4 =	simm.s32 $0x1BF5;
	[smem:$0x3FBB] =	sst s0  }
0x18: {  	s0 =	sld [smem:$0x3F9E];
	_ =	swait.ge [sflag:s4], $0x0  }
0x19: {  	s7 =	sld [smem:$0x3F9F]  }
0x1a: {  	s8 =	sadd.s32 $0xFFFFE003, lr  }
0x1b: {  	s9 =	sadd.s32 $0xFFFFFEF7, lr;
	s5 =	simm.s32 $0xFFFFFFFF;
	p2 =	slt.u32 s8, $0xFFFFF086  }
0x1c: {  	p1 =	slt.u32 s9, $0xF7A;
	s5 =	simm.s32 @!p2 $0x0  }
0x1d: {  	s5 =	simm.s32 @p1 $0x1;
	p0 =	seq.s32 s7, s2  }
0x1e: {  	s7 =	smul.u32 @!p0 $0xF7A, s2;
	p2 =	seq.s32 @!p0 s5, $0x0  }
0x1f: {  	s9 =	smul.u32 $0xF7A, s1;
	s8 =	simm.s32 @!p0 $0x1BF5;
	p2 =	por !p2, p0  }
0x20: {  	[sflag:s8] =	ssyncset.s32 @!p0 $0xFFFFF086;
	s6 =	sadd.s32 @!p0 s3, s7;
	s7 =	simm.s32 @!p0 $0x108  }
0x21: {  	s3 =	sadd.s32 s3, s9;
	s6 =	sadd.s32 @!p0 $0x88, s6;
	s7 =	simm.s32 @p2 $0x1082  }
0x22: {  	[simem:s7], [sflag:s8] =	dma.local @!p0 [hbm:s6], $0xF7A  }
0x23: {  	s9 =	sor.u32 $0xD0000000, s2;
	s6 =	simm.s32 $0x108;
	_ =	swait.ge @!p0 [sflag:s8], $0x0  }
0x24: {  	s3 =	sadd.s32 $0x88, s3;
	s6 =	simm.s32 @!p1 $0x1082;
	[sflag:s4] =	ssyncset.s32 $0xFFFFF086  }
0x25: {  	[simem:s6], [sflag:s4] =	dma.local [hbm:s3], $0xF7A  }
0x26: {  	[smem:$0x3F9F] =	sst s1;
	(tag) =	ssettag s2;
	_ =	strace s9  }
0x27: {  	s1 =	sld [smem:$0x3FAF]  }
0x28: {  	s2 =	sld [smem:$0x3FB0]  }
0x29: {  	s4 =	sld [smem:$0x3FB2]  }
0x2a: {  	p0 =	seq.s32 s5, $0x0;
	s5 =	sld [smem:$0x3FB3]  }
0x2b: {  	s6 =	sld [smem:$0x3FB4]  }
0x2c: {  	s7 =	sld [smem:$0x3FB5]  }
0x2d: {  	s3 =	simm.s32 $0x108;
	s8 =	sld [smem:$0x3FB6]  }
0x2e: {  	s3 =	simm.s32 @!p0 $0x1082;
	s9 =	sld [smem:$0x3FB7]  }
0x2f: {  	lr =	sadd.s32 s0, s3;
	s0 =	sld [smem:$0x3FAE]  }
0x30: {  	s3 =	sld [smem:$0x3FB1]  }
0x31: {  	[smem:$0x3FBA] =	sst s10  }
0x32: {  	s10 =	sld [smem:$0x3FB8];
	_ =	sdelay $0x3  }
0x33: {  	p0 =	seq.s32 s10, $0x1;
	s10 =	sld [smem:$0x3FBA];
	_ =	sdelay $0x3  }
0x34: {  	[smem:$0x3FBA] =	sst s10  }
0x35: {  	s10 =	sld [smem:$0x3FB9];
	_ =	sdelay $0x3  }
0x36: {  	p1 =	seq.s32 s10, $0x1;
	s10 =	sld [smem:$0x3FBA];
	_ =	sdelay $0x3  }
0x37: {  	[smem:$0x3FBA] =	sst s10  }
0x38: {  	s10 =	sld [smem:$0x3FBB]  }
0x39: {  	_ = 	snop;
	(pc) =	sbr.ind lr, $3  }
0x3a: {  	_ = 	snop  }
0x3b: {  	_ = 	snop  }
0x3c: {  	p2 =	seq.s32 s10, $0x1;
	s10 =	sld [smem:$0x3FBA]  }
0x3d: {  	_ =	shalt  }
0x3e: {  	_ =	shalt  }
0x3f: {  	_ =	shalt  }
0x40: {  	_ =	shalt  }
0x41: {  	_ =	shalt  }
0x42: {  	_ =	shalt  }
0x43: {  	_ =	shalt  }
0x44: {  	_ =	shalt  }
0x45: {  	_ =	shalt  }
0x46: {  	_ =	shalt  }
0x47: {  	_ =	shalt  }
0x48: {  	_ =	shalt  }
0x49: {  	_ =	shalt  }
0x4a: {  	_ =	shalt  }
0x4b: {  	_ =	shalt  }
0x4c: {  	_ =	shalt  }
0x4d: {  	_ =	shalt  }
0x4e: {  	_ =	shalt  }
0x4f: {  	_ =	shalt  }
0x50: {  	_ =	shalt  }
0x51: {  	_ =	shalt  }
0x52: {  	_ =	shalt  }
0x53: {  	_ =	shalt  }
0x54: {  	_ =	shalt  }
0x55: {  	_ =	shalt  }
0x56: {  	_ =	shalt  }
0x57: {  	_ =	shalt  }
0x58: {  	_ =	shalt  }
0x59: {  	_ =	shalt  }
0x5a: {  	_ =	shalt  }
0x5b: {  	_ =	shalt  }
0x5c: {  	_ =	shalt  }
0x5d: {  	_ =	shalt  }
0x5e: {  	_ =	shalt  }
0x5f: {  	_ =	shalt  }
0x60: {  	_ =	shalt  }
0x61: {  	_ =	shalt  }
0x62: {  	_ =	shalt  }
0x63: {  	_ =	shalt  }
0x64: {  	_ =	shalt  }
0x65: {  	_ =	shalt  }
0x66: {  	_ =	shalt  }
0x67: {  	_ =	shalt  }
0x68: {  	_ =	shalt  }
0x69: {  	_ =	shalt  }
0x6a: {  	_ =	shalt  }
0x6b: {  	_ =	shalt  }
0x6c: {  	_ =	shalt  }
0x6d: {  	_ =	shalt  }
0x6e: {  	_ =	shalt  }
0x6f: {  	_ =	shalt  }
0x70: {  	_ =	shalt  }
0x71: {  	_ =	shalt  }
0x72: {  	_ =	shalt  }
0x73: {  	_ =	shalt  }
0x74: {  	_ =	shalt  }
0x75: {  	_ =	shalt  }
0x76: {  	_ =	shalt  }
0x77: {  	_ =	shalt  }
0x78: {  	_ =	shalt  }
0x79: {  	_ =	shalt  }
0x7a: {  	_ =	shalt  }
0x7b: {  	_ =	shalt  }
0x7c: {  	_ =	shalt  }
0x7d: {  	_ =	shalt  }
0x7e: {  	_ =	shalt  }
0x7f: {  	_ =	shalt  }
0x80: {  	_ =	shalt  }
0x81: {  	_ =	shalt  }
0x82: {  	_ =	shalt  }
0x83: {  	_ =	shalt  }
0x84: {  	_ =	shalt  }
0x85: {  	_ =	shalt  }
0x86: {  	_ =	shalt  }
0x87: {  	_ =	shalt  }
.Lfunc_end0:
.L_simem_size_0:
called_computation.2_lowered:
.L_overlay_start_0:
0x88: {  	s2 =	sld [smem:$0x3FD9]  }
0x89: {  	s3 =	sld [smem:$0x3FFE];
	_ =	sdelay $0x1  }
0x8a: {  	s1 =	srdreg.scid  }
0x8b: {  	s0 =	sand.u32 $0x1, s1  }
0x8c: {  	s17 =	sshll.u32 s0, $0xA;
	s2 =	sadd.s32 s3, s2  }
0x8d: {  	s2 =	sadd.s32 s2, s17  }
0x8e: {  	[smem:$0x3FC6] =	sst s2  }
0x8f: {  	_ = 	snop  }
0x90: {  	s2 =	sld [smem:$0x3FD0];
	(tm) =	ssettm $0x1  }
0x91: {  	s18 =	sld [smem:$0x3FFB];
	_ =	sdelay $0x3  }
0x92: {  	_ =	strace s18  }
0x93: {  	s3 =	sld [smem:$0x3FFC];
	_ =	sdelay $0x3  }
0x94: {  	_ =	strace s3  }
0x95: {  	s3 =	sld [smem:$0x3FFD];
	_ =	sdelay $0x3  }
0x96: {  	_ =	strace s3  }
0x97: {  	_ =	strace $0x8FFFFFFF  }
0x98: {  	s19 =	sld [smem:$0x3FDB];
	_ =	sdelay $0x1  }
0x99: {  	s4 =	simm.s32 $_scs_section_size  }
0x9a: {  	s5 =	simm.s32 $_size__tile_overlayer_lowered;
	s6 =	simm.s32 $_tile_overlayer_lowered  }
0x9b: {  	s22 =	simm.s32 $0x1BFF;
	s21 =	sshll.u32 s6, $0x1;
	s3 =	sadd.s32 s4, s19  }
0x9c: {  	s7 =	simm.s32 $0x0;
	s20 =	sshll.u32 s5, $0x1;
	s5 =	sadd.s32 s21, s3  }
0x9d: {  	[timem:s7], [sflag:s22] =	dma.local [hbm:s5], s20  }
0x9e: {  	_ =	swait.ge [sflag:s22], s20  }
0x9f: {  	s4 =	ssub.s32 $0x0, s20;
	[sflag:s22] =	ssyncset.done $0x0  }
0xa0: {  	[sflag:s22] =	ssyncadd.s32 s4;
	_ =	sdelay $0x1  }
0xa1: {  	s23 =	simm.s32 $0x1B8B  }
0xa2: {  	_ =	swait.ge [sflag:s23], $0x1  }
0xa3: {  	[sflag:s23] =	ssyncset.done $0x0  }
0xa4: {  	s25 =	simm.s32 $0x1B8E;
	s24 =	sld [smem:$0x3FFE];
	[sflag:s23] =	ssyncadd.s32 $0xFFFFFFFF  }
0xa5: {  	s26 =	simm.s32 $execute0_lowered;
	[smem:$0x3FD2] =	sst s25  }
0xa6: {  	s5 =	sshll.u32 s26, $0x1;
	_ =	strace $0x80000049;
	[dreg:$0x1] =	wrdreg $0xFFFFFFFF  }
0xa7: {  	s28 =	simm.s32 $_size_execute0_lowered;
	s3 =	sadd.s32 s3, s5;
	[dreg:$0x0] =	wrdreg $0x0  }
0xa8: {  	s5 =	sshll.u32 s28, $0x1;
	[dreg:$0x2] =	wrdreg s3  }
0xa9: {  	[dreg:$0x3] =	wrdreg s5  }
0xaa: {  	[dreg:$0x4] =	wrdreg $0xC0  }
0xab: {  	_ =	task [dreg:s7], $0x5FFFF  }
0xac: {  	[dreg:$0x1] =	wrdreg $0xFFFFFFFF  }
0xad: {  	[dreg:$0x0] =	wrdreg $0x60  }
0xae: {  	[dreg:$0x2] =	wrdreg s2  }
0xaf: {  	[dreg:$0x3] =	wrdreg s24  }
0xb0: {  	[dreg:$0x4] =	wrdreg $0x9  }
0xb1: {  	_ =	task.clear_ibuf [dreg:s7], $0x5FFFF;
	_ =	strace $0x90000049  }
0xb2: {  	s29 =	simm.s32 $0x9;
	_ =	strace $0x8000004B  }
0xb3: {  	_ =	swait.ge [sflag:s29], $0x1  }
0xb4: {  	[sflag:s29] =	ssyncadd.s32 $0xFFFFFFFF  }
0xb5: {  	_ =	strace $0x9000004B  }
0xb6: {  	_ =	sfence  }
0xb7: {  	s30 =	sld [smem:$0x0];
	_ =	sdelay $0x2  }
0xb8: {  	s31 =	sshll.u32 s1, $0xD;
	s1 =	sshrl.u32 s1, $0x2  }
0xb9: {  	s3 =	sand.u32 $0x4000, s31;
	s1 =	sadd.s32 s1, s30  }
0xba: {  	s0 =	sor.u32 s3, s0;
	s1 =	sshll.u32 s1, $0x11  }
0xbb: {  	s0 =	sor.u32 s1, s0  }
0xbc: {  	s0 =	sadd.s32 $0x8F2B, s0  }
0xbd: {  	[sflag:s0] =	ssyncadd.remote.s32 $0x1  }
0xbe: {  	_ =	sfence.sel $0xFFFF  }
0xbf: {  	[dreg:$0x0] =	wrdreg $0xFFFFFFFF;
	(pc) =	sbr.abs _section_cstart, $3  }
0xc0: {  	[dreg:$0x1] =	wrdreg $0xFFFFFFFF  }
0xc1: {  	_ =	task.clear_ibuf [dreg:s7], $0x2FFFF;
	_ =	strace $0x9FFFFFFF  }
0xc2: {  	(tm) =	ssettm $0x7FFFFFFF  }
0xc3: {  	_ =	shalt  }
tec
execute0_lowered:
.L_overlay_start_1:
0x0: {  	(tag) =	ssettag $0x1  }
0x1: {  	s0 =	srdreg.scid;
	s1 =	rddreg [dreg:$0x0]  }
0x2: {  	s8 =	stileid.u32;
	s4 =	rddreg [dreg:$0x1]  }
0x3: {  	s3 =	simm.s32 $0x0;
	s15 =	simm.s32 $0x50;
	s16 =	simm.s32 $0x6400  }
0x4: {  	s31 =	simm.s32 $0x12C00;
	s14 =	simm.s32 $0x1A400;
	s17 =	simm.s32 $0x1B800  }
0x5: {  	s28 =	simm.s32 $0x15E00;
	s30 =	simm.s32 $0x1C200;
	s0 =	sand.u32 $0x1, s0  }
0x6: {  	s2 =	sshll.u32 s8, $0x1;
	[smem:$0x7FF] =	sst s3;
	s5 =	smul.u32 $0x640000, s8  }
0x7: {  	s3 =	sadd.s32 $0x1200, s4;
	s4 =	sadd.s32 $0x7A2600, s4;
	s23 =	smul.u32 $0xC8000, s8  }
0x8: {  	s2 =	sor.u32 s0, s2;
	s6 =	ssub.s32 $0x2, s0;
	s7 =	smul.u32 $0x320000, s0  }
0x9: {  	_ =	strace $0x8000004A;
	s0 =	smul.u32 $0x64000, s0;
	s19 =	sshrl.u32 s6, $0x1  }
0xa: {  	[dreg:$0x3] =	wrdreg s4;
	s2 =	smul.u32 $0xC80, s2;
	s4 =	ssub.s32 s6, s19  }
0xb: {  	s20 =	sadd.s32 s7, s5;
	s10 =	sadd.s32 s0, s23;
	s6 =	simm.s32 $0x19000  }
0xc: {  	s19 =	simm.s32 $0x1CC00;
	s23 =	simm.s32 $0x2;
	s1 =	sadd.s32 s1, s2  }
0xd: {  	s21 =	smax.u32 s4, $0x1;
	s22 =	sor.u32 $0x12C00, s20;
	s5 =	sor.u32 $0xC800, s20  }
0xe: {  	s24 =	sor.u32 $0x6400, s20;
	s25 =	sadd.s32 $0x2BC00, s20;
	s26 =	sadd.s32 $0x25800, s20  }
0xf: {  	s29 =	sor.u32 $0x1F400, s20;
	s20 =	simm.s32 $0x1;
	[dreg:$0x4] =	wrdreg s1  }
.Ltmp0:
0x10: {  	s4 =	simm.s32 $0x0;
	[dreg:$0x5] =	wrdreg s21;
	(pc) =	sbr.rel .LBB2_1-.Ltmp0, $4  }
0x11: {  	s7 =	sshrl.u32 s22, $0x3;
	s8 =	sshrl.u32 s5, $0x3;
	s9 =	sshrl.u32 s24, $0x3  }
0x12: {  	s11 =	sshrl.u32 s25, $0x3;
	s12 =	sshrl.u32 s26, $0x3;
	s13 =	sshrl.u32 s29, $0x3  }
0x13: {  	s25 =	simm.s32 $0xC800;
	s22 =	simm.s32 $0x40;
	s24 =	simm.s32 $0x80  }
0x14: {  	s5 =	simm.s32 $0x17C00;
	s21 =	simm.s32 $0x1E000;
	s1 =	simm.s32 $0x3  }
.LBB2_4:
0x15: {  	s2 =	simm.s32 $0x4  }
0x16: {  	_ =	swait.ge [sflag:s2], $0x3200  }
0x17: {  	[sflag:s2] =	ssyncset.done $0x0  }
0x18: {  	[sflag:s2] =	ssyncadd.s32 $0xFFFFCE00  }
0x19: {  	_ =	swait.ge [sflag:s2], $0x3200  }
0x1a: {  	[sflag:s2] =	ssyncset.done $0x0  }
0x1b: {  	[sflag:s2] =	ssyncadd.s32 $0xFFFFCE00  }
0x1c: {  	_ =	swait.ge [sflag:s2], $0x3200  }
0x1d: {  	[sflag:s2] =	ssyncset.done $0x0  }
0x1e: {  	[sflag:s2] =	ssyncadd.s32 $0xFFFFCE00  }
0x1f: {  	_ =	swait.ge [sflag:s2], $0x3200  }
0x20: {  	s4 =	rddreg [dreg:$0x6]  }
0x21: {  	s0 =	rddreg [dreg:$0x5];
	s4 =	sadd.s32 $0x1, s4  }
0x22: {  	p0 =	sne.s32 s4, s0  }
.Ltmp1:
0x23: {  	_ = 	snop;
	(pc) =	sbr.rel @!p0 .LBB2_5-.Ltmp1, $3  }
0x24: {  	_ =	sdelay $0x1  }
0x25: {  	[sflag:s2] =	ssyncset.done $0x0  }
0x26: {  	[sflag:s2] =	ssyncadd.s32 $0xFFFFCE00  }
.LBB2_1:
0x27: {  	[dreg:$0x6] =	wrdreg s4  }
0x28: {  	s0 =	simm.s32 $0x0;
	s2 =	rddreg [dreg:$0x4];
	s4 =	simm.s32 $0x5  }
0x29: {  	[tilespmem:s0], [sflag:$0x5] =	stream.linear.gather [hbm4b:s2+s0], $0x6400, $0x38;
	[tilespmem:$0x1F400] =	vst v63  }
0x2a: {  	_ =	swait.ge [sflag:s4], $0x6400  }
0x2b: {  	[sflag:s4] =	ssyncset.done $0x0  }
0x2c: {  	[sflag:s4] =	ssyncadd.s32 $0xFFFF9C00  }
0x2d: {  	[tilespmem:s16], [sflag:$0x1] =	stream.indirect.gather [hbm4b:s3+s15], $0x40, s0, s15, $0xb8;
	[tilespmem:$0x1F400] =	vst v63  }
0x2e: {  	s18 =	simm.s32 $0x7800  }
0x2f: {  	[tilespmem:s18], [sflag:$0x1] =	stream.indirect.gather [hbm4b:s3+s15], $0x40, s15, s15, $0xb8;
	[tilespmem:$0x1F400] =	vst v63  }
0x30: {  	s26 =	simm.s32 $0xA0;
	s29 =	simm.s32 $0x8C00  }
0x31: {  	[tilespmem:s29], [sflag:$0x1] =	stream.indirect.gather [hbm4b:s3+s15], $0x40, s26, s15, $0xb8;
	[tilespmem:$0x1F400] =	vst v63  }
0x32: {  	s4 =	simm.s32 $0xF0;
	s18 =	simm.s32 $0xA000  }
0x33: {  	[tilespmem:s18], [sflag:$0x1] =	stream.indirect.gather [hbm4b:s3+s15], $0x40, s4, s15, $0xb8;
	[tilespmem:$0x1F400] =	vst v63  }
0x34: {  	s26 =	simm.s32 $0x140;
	s29 =	simm.s32 $0xB400  }
0x35: {  	[tilespmem:s29], [sflag:$0x1] =	stream.indirect.gather [hbm4b:s3+s15], $0x40, s26, s15, $0xb8;
	[tilespmem:$0x1F400] =	vst v63  }
0x36: {  	s2 =	simm.s32 $0x190  }
0x37: {  	[tilespmem:s25], [sflag:$0x1] =	stream.indirect.gather [hbm4b:s3+s15], $0x40, s2, s15, $0xb8;
	[tilespmem:$0x1F400] =	vst v63  }
0x38: {  	s4 =	simm.s32 $0x1E0;
	s18 =	simm.s32 $0xDC00  }
0x39: {  	[tilespmem:s18], [sflag:$0x1] =	stream.indirect.gather [hbm4b:s3+s15], $0x40, s4, s15, $0xb8;
	[tilespmem:$0x1F400] =	vst v63  }
0x3a: {  	s26 =	simm.s32 $0x230;
	s29 =	simm.s32 $0xF000  }
0x3b: {  	[tilespmem:s29], [sflag:$0x1] =	stream.indirect.gather [hbm4b:s3+s15], $0x40, s26, s15, $0xb8;
	[tilespmem:$0x1F400] =	vst v63  }
0x3c: {  	s4 =	simm.s32 $0x280;
	s18 =	simm.s32 $0x10400  }
0x3d: {  	[tilespmem:s18], [sflag:$0x1] =	stream.indirect.gather [hbm4b:s3+s15], $0x40, s4, s15, $0xb8;
	[tilespmem:$0x1F400] =	vst v63  }
0x3e: {  	s26 =	simm.s32 $0x2D0;
	s29 =	simm.s32 $0x11800  }
0x3f: {  	[tilespmem:s29], [sflag:$0x1] =	stream.indirect.gather [hbm4b:s3+s15], $0x40, s26, s15, $0xb8;
	[tilespmem:$0x1F400] =	vst v63  }
0x40: {  	s18 =	rddreg [dreg:$0x3];
	s26 =	simm.s32 $0x0  }
.LBB2_2:
0x41: {  	_ =	swait.ge [sflag:s20], $0xC800  }
0x42: {  	[sflag:s20] =	ssyncset.done $0x0  }
0x43: {  	s0 =	sadd.s32 s18, s10;
	[sflag:s20] =	ssyncadd.s32 $0xFFFF3800  }
0x44: {  	[hbm4b:s0+s22] =	stream.strided.scatter [tilespmem:s16], [sflag:$0x3], $0x3200, s24, s22, $0x38;
	[tilespmem:$0x1F400] =	vst v63  }
0x45: {  	s29 =	sadd.s32 s18, s9;
	s2 =	simm.s32 $0x9600  }
0x46: {  	[hbm4b:s29+s22] =	stream.strided.scatter [tilespmem:s2], [sflag:$0x3], $0x3200, s24, s22, $0x38;
	[tilespmem:$0x1F400] =	vst v63  }
0x47: {  	p0 =	seq.s32 s26, $0x0;
	s29 =	sadd.s32 s18, s8  }
0x48: {  	[hbm4b:s29+s22] =	stream.strided.scatter [tilespmem:s25], [sflag:$0x3], $0x3200, s24, s22, $0x38;
	[tilespmem:$0x1F400] =	vst v63  }
0x49: {  	s4 =	simm.s32 $0xFA00;
	s2 =	simm.s32 @!p0 $0x4;
	s29 =	sadd.s32 s18, s7  }
0x4a: {  	[hbm4b:s29+s22] =	stream.strided.scatter [tilespmem:s4], [sflag:$0x3], $0x3200, s24, s22, $0x38;
	[tilespmem:$0x1F400] =	vst v63  }
0x4b: {  	_ =	swait.ge @!p0 [sflag:s2], $0x3200  }
0x4c: {  	[sflag:s2] =	ssyncset.done @!p0 $0x0  }
0x4d: {  	[sflag:s2] =	ssyncadd.s32 @!p0 $0xFFFFCE00  }
0x4e: {  	_ =	swait.ge @!p0 [sflag:s2], $0x3200  }
0x4f: {  	[sflag:s2] =	ssyncset.done @!p0 $0x0  }
0x50: {  	[sflag:s2] =	ssyncadd.s32 @!p0 $0xFFFFCE00  }
0x51: {  	_ =	swait.ge @!p0 [sflag:s2], $0x3200  }
0x52: {  	[sflag:s2] =	ssyncset.done @!p0 $0x0  }
0x53: {  	[sflag:s2] =	ssyncadd.s32 @!p0 $0xFFFFCE00  }
0x54: {  	_ =	swait.ge @!p0 [sflag:s2], $0x3200  }
0x55: {  	s29 =	sshra.s32 s26, $0x2;
	[sflag:s2] =	ssyncset.done @!p0 $0x0  }
0x56: {  	s4 =	sadd.s32 $0x320, s29;
	[sflag:s2] =	ssyncadd.s32 @!p0 $0xFFFFCE00  }
0x57: {  	[tilespmem:s31], [sflag:$0x2] =	stream.indirect.gather [hbm4b:s3+s15], $0x40, s4, s15, $0xb8;
	[tilespmem:$0x1F400] =	vst v63  }
0x58: {  	s2 =	sadd.s32 $0x370, s29;
	s4 =	simm.s32 $0x14000  }
0x59: {  	[tilespmem:s4], [sflag:$0x2] =	stream.indirect.gather [hbm4b:s3+s15], $0x40, s2, s15, $0xb8;
	[tilespmem:$0x1F400] =	vst v63  }
0x5a: {  	s2 =	sadd.s32 $0x3C0, s29;
	s4 =	simm.s32 $0x15400  }
0x5b: {  	[tilespmem:s4], [sflag:$0x2] =	stream.indirect.gather [hbm4b:s3+s15], $0x40, s2, s15, $0xb8;
	[tilespmem:$0x1F400] =	vst v63  }
0x5c: {  	s2 =	sadd.s32 $0x410, s29;
	s4 =	simm.s32 $0x16800  }
0x5d: {  	[tilespmem:s4], [sflag:$0x2] =	stream.indirect.gather [hbm4b:s3+s15], $0x40, s2, s15, $0xb8;
	[tilespmem:$0x1F400] =	vst v63  }
0x5e: {  	s4 =	sadd.s32 $0x460, s29  }
0x5f: {  	[tilespmem:s5], [sflag:$0x2] =	stream.indirect.gather [hbm4b:s3+s15], $0x40, s4, s15, $0xb8;
	[tilespmem:$0x1F400] =	vst v63  }
0x60: {  	s4 =	sadd.s32 $0x4B0, s29  }
0x61: {  	[tilespmem:s6], [sflag:$0x2] =	stream.indirect.gather [hbm4b:s3+s15], $0x40, s4, s15, $0xb8;
	[tilespmem:$0x1F400] =	vst v63  }
0x62: {  	s4 =	sadd.s32 $0x500, s29  }
0x63: {  	[tilespmem:s14], [sflag:$0x2] =	stream.indirect.gather [hbm4b:s3+s15], $0x40, s4, s15, $0xb8;
	[tilespmem:$0x1F400] =	vst v63  }
0x64: {  	s4 =	sadd.s32 $0x550, s29  }
0x65: {  	[tilespmem:s17], [sflag:$0x2] =	stream.indirect.gather [hbm4b:s3+s15], $0x40, s4, s15, $0xb8;
	[tilespmem:$0x1F400] =	vst v63  }
0x66: {  	s4 =	sadd.s32 $0x5A0, s29  }
0x67: {  	[tilespmem:s19], [sflag:$0x2] =	stream.indirect.gather [hbm4b:s3+s15], $0x40, s4, s15, $0xb8;
	[tilespmem:$0x1F400] =	vst v63  }
0x68: {  	s4 =	sadd.s32 $0x5F0, s29  }
0x69: {  	[tilespmem:s21], [sflag:$0x2] =	stream.indirect.gather [hbm4b:s3+s15], $0x40, s4, s15, $0xb8;
	[tilespmem:$0x1F400] =	vst v63  }
0x6a: {  	_ =	swait.ge [sflag:s23], $0xC800  }
0x6b: {  	[sflag:s23] =	ssyncset.done $0x0  }
0x6c: {  	s0 =	sadd.s32 $0x3200, s0;
	[sflag:s23] =	ssyncadd.s32 $0xFFFF3800  }
0x6d: {  	[hbm4b:s0+s22] =	stream.strided.scatter [tilespmem:s31], [sflag:$0x4], $0x3200, s24, s22, $0x38;
	[tilespmem:$0x1F400] =	vst v63  }
0x6e: {  	s4 =	sadd.s32 s18, s13  }
0x6f: {  	[hbm4b:s4+s22] =	stream.strided.scatter [tilespmem:s28], [sflag:$0x4], $0x3200, s24, s22, $0x38;
	[tilespmem:$0x1F400] =	vst v63  }
0x70: {  	s2 =	sadd.s32 s18, s12  }
0x71: {  	[hbm4b:s2+s22] =	stream.strided.scatter [tilespmem:s6], [sflag:$0x4], $0x3200, s24, s22, $0x38;
	[tilespmem:$0x1F400] =	vst v63  }
0x72: {  	s4 =	sadd.s32 s18, s11  }
0x73: {  	[hbm4b:s4+s22] =	stream.strided.scatter [tilespmem:s30], [sflag:$0x4], $0x3200, s24, s22, $0x38;
	[tilespmem:$0x1F400] =	vst v63  }
0x74: {  	_ =	swait.ge [sflag:s1], $0x3200  }
0x75: {  	[sflag:s1] =	ssyncset.done $0x0  }
0x76: {  	[sflag:s1] =	ssyncadd.s32 $0xFFFFCE00  }
0x77: {  	_ =	swait.ge [sflag:s1], $0x3200  }
0x78: {  	[sflag:s1] =	ssyncset.done $0x0  }
0x79: {  	[sflag:s1] =	ssyncadd.s32 $0xFFFFCE00  }
0x7a: {  	p0 =	seq.s32 s26, $0x17700;
	_ =	swait.ge [sflag:s1], $0x3200  }
.Ltmp2:
0x7b: {  	[sflag:s1] =	ssyncset.done $0x0;
	(pc) =	sbr.rel @p0 .LBB2_4-.Ltmp2, $4  }
0x7c: {  	[sflag:s1] =	ssyncadd.s32 $0xFFFFCE00  }
0x7d: {  	_ =	swait.ge [sflag:s1], $0x3200  }
0x7e: {  	[sflag:s1] =	ssyncset.done $0x0  }
0x7f: {  	[sflag:s1] =	ssyncadd.s32 $0xFFFFCE00  }
0x80: {  	s0 =	sadd.s32 $0x640, s29  }
0x81: {  	[tilespmem:s16], [sflag:$0x1] =	stream.indirect.gather [hbm4b:s3+s15], $0x40, s0, s15, $0xb8;
	[tilespmem:$0x1F400] =	vst v63  }
0x82: {  	s4 =	sadd.s32 $0x690, s29;
	s2 =	simm.s32 $0x7800  }
0x83: {  	[tilespmem:s2], [sflag:$0x1] =	stream.indirect.gather [hbm4b:s3+s15], $0x40, s4, s15, $0xb8;
	[tilespmem:$0x1F400] =	vst v63  }
0x84: {  	s2 =	sadd.s32 $0x6E0, s29;
	s4 =	simm.s32 $0x8C00  }
0x85: {  	[tilespmem:s4], [sflag:$0x1] =	stream.indirect.gather [hbm4b:s3+s15], $0x40, s2, s15, $0xb8;
	[tilespmem:$0x1F400] =	vst v63  }
0x86: {  	s2 =	sadd.s32 $0x730, s29;
	s4 =	simm.s32 $0xA000  }
0x87: {  	[tilespmem:s4], [sflag:$0x1] =	stream.indirect.gather [hbm4b:s3+s15], $0x40, s2, s15, $0xb8;
	[tilespmem:$0x1F400] =	vst v63  }
0x88: {  	s2 =	sadd.s32 $0x780, s29;
	s4 =	simm.s32 $0xB400  }
0x89: {  	[tilespmem:s4], [sflag:$0x1] =	stream.indirect.gather [hbm4b:s3+s15], $0x40, s2, s15, $0xb8;
	[tilespmem:$0x1F400] =	vst v63  }
0x8a: {  	s4 =	sadd.s32 $0x7D0, s29  }
0x8b: {  	[tilespmem:s25], [sflag:$0x1] =	stream.indirect.gather [hbm4b:s3+s15], $0x40, s4, s15, $0xb8;
	[tilespmem:$0x1F400] =	vst v63  }
0x8c: {  	s2 =	sadd.s32 $0x820, s29;
	s4 =	simm.s32 $0xDC00  }
0x8d: {  	[tilespmem:s4], [sflag:$0x1] =	stream.indirect.gather [hbm4b:s3+s15], $0x40, s2, s15, $0xb8;
	[tilespmem:$0x1F400] =	vst v63  }
0x8e: {  	s2 =	sadd.s32 $0x870, s29;
	s4 =	simm.s32 $0xF000  }
0x8f: {  	[tilespmem:s4], [sflag:$0x1] =	stream.indirect.gather [hbm4b:s3+s15], $0x40, s2, s15, $0xb8;
	[tilespmem:$0x1F400] =	vst v63  }
.Ltmp3:
0x90: {  	_ = 	snop;
	(pc) =	sbr.rel .LBB2_2-.Ltmp3, $4  }
0x91: {  	s26 =	sadd.s32 $0x1900, s26;
	s2 =	sadd.s32 $0x8C0, s29;
	s4 =	simm.s32 $0x10400  }
0x92: {  	[tilespmem:s4], [sflag:$0x1] =	stream.indirect.gather [hbm4b:s3+s15], $0x40, s2, s15, $0xb8;
	[tilespmem:$0x1F400] =	vst v63  }
0x93: {  	s18 =	sadd.s32 $0x6400, s18;
	s4 =	sadd.s32 $0x910, s29;
	s29 =	simm.s32 $0x11800  }
0x94: {  	[tilespmem:s29], [sflag:$0x1] =	stream.indirect.gather [hbm4b:s3+s15], $0x40, s4, s15, $0xb8;
	[tilespmem:$0x1F400] =	vst v63  }
.LBB2_5:
0x95: {  	_ =	sfence.sel $0x180000  }
0x96: {  	[bflag:$0x0] =	sbarrier.arrive $0xFFFF  }
0x97: {  	_ =	strace $0x9000004A  }
0x98: {  	s0 =	stileid.u32;
	[bflag:$0x2] =	sbarrier.arrive $0xFFFF  }
0x99: {  	p0 =	sne.s32 s0, $0x0;
	s0 =	rddreg [dreg:$0x2]  }
0x9a: {  	s0 =	sadd.s32 @!p0 $0x100000, s0  }
0x9b: {  	[sflag:s0] =	ssyncadd.tile.s32 @!p0 $0x1;
	_ =	shalt  }
.Lfunc_end2:
_tile_overlayer_lowered:
.L_overlay_start_2:
0x9c: {  	(tag) =	ssettag $0x2  }
0x9d: {  	s0 =	rddreg [dreg:$0x0];
	s2 =	stileid.u32  }
0x9e: {  	s1 =	rddreg [dreg:$0x1];
	p0 =	sne.s32 s2, $0x0  }
0x9f: {  	s3 =	rddreg [dreg:$0x2];
	[bflag:$0x3] =	sbarrier.arrive $0xFFFF;
	s2 =	simm.s32 @!p0 $0x1C05  }
0xa0: {  	[timem:s3], [sflag:s2] =	dma.local @!p0 [hbm:s0], s1  }
0xa1: {  	s0 =	simm.s32 @!p0 $0x5  }
0xa2: {  	_ =	swait.ge @!p0 [sflag:s0], s1  }
0xa3: {  	s1 =	ssub.s32 @!p0 $0x0, s1;
	[sflag:s0] =	ssyncset.done @!p0 $0x0  }
0xa4: {  	[sflag:s0] =	ssyncadd.s32 @!p0 s1  }
0xa5: {  	[bflag:$0x3] =	sbarrier.arrive $0xFFFF  }
0xa6: {  	_ =	shalt  }

// kernel: sparse-core-data-format-call.cloned.1.call-start
scs
called_computation_lowered:
.L_overlay_start_0:
0x0: {  	s2 =	sld [smem:$0x3FD9]  }
0x1: {  	s3 =	sld [smem:$0x3FFE];
	_ =	sdelay $0x1  }
0x2: {  	s1 =	srdreg.scid  }
0x3: {  	s0 =	sand.u32 $0x1, s1  }
0x4: {  	s18 =	sshll.u32 s0, $0xA;
	s2 =	sadd.s32 s3, s2  }
0x5: {  	s2 =	sadd.s32 s2, s18  }
0x6: {  	[smem:$0x3FC6] =	sst s2  }
0x7: {  	_ = 	snop  }
0x8: {  	s2 =	sld [smem:$0x3FD0];
	(tm) =	ssettm $0x1  }
0x9: {  	s19 =	sld [smem:$0x3FFB];
	_ =	sdelay $0x3  }
0xa: {  	_ =	strace s19  }
0xb: {  	s3 =	sld [smem:$0x3FFC];
	_ =	sdelay $0x3  }
0xc: {  	_ =	strace s3  }
0xd: {  	s3 =	sld [smem:$0x3FFD];
	_ =	sdelay $0x3  }
0xe: {  	_ =	strace s3  }
0xf: {  	_ =	strace $0x8FFFFFFF  }
0x10: {  	s20 =	sld [smem:$0x3FDB];
	_ =	sdelay $0x1  }
0x11: {  	s4 =	simm.s32 $_scs_section_size  }
0x12: {  	s5 =	simm.s32 $_size__tile_overlayer_lowered;
	s6 =	simm.s32 $_tile_overlayer_lowered  }
0x13: {  	s23 =	simm.s32 $0x1BFF;
	s22 =	sshll.u32 s6, $0x1;
	s3 =	sadd.s32 s4, s20  }
0x14: {  	s7 =	simm.s32 $0x0;
	s21 =	sshll.u32 s5, $0x1;
	s5 =	sadd.s32 s22, s3  }
0x15: {  	[timem:s7], [sflag:s23] =	dma.local [hbm:s5], s21  }
0x16: {  	_ =	swait.ge [sflag:s23], s21  }
0x17: {  	s4 =	ssub.s32 $0x0, s21;
	[sflag:s23] =	ssyncset.done $0x0  }
0x18: {  	[sflag:s23] =	ssyncadd.s32 s4;
	_ =	sdelay $0x1  }
0x19: {  	s24 =	simm.s32 $0x1B8B  }
0x1a: {  	_ =	swait.ge [sflag:s24], $0x1  }
0x1b: {  	[sflag:s24] =	ssyncset.done $0x0  }
0x1c: {  	s26 =	simm.s32 $0x1B8E;
	s25 =	sld [smem:$0x3FFE];
	[sflag:s24] =	ssyncadd.s32 $0xFFFFFFFF  }
0x1d: {  	s27 =	simm.s32 $execute0_lowered;
	[smem:$0x3FD2] =	sst s26  }
0x1e: {  	s5 =	sshll.u32 s27, $0x1;
	_ =	strace $0x8000004C;
	[dreg:$0x1] =	wrdreg $0xFFFFFFFF  }
0x1f: {  	s28 =	simm.s32 $_size_execute0_lowered;
	s3 =	sadd.s32 s3, s5;
	[dreg:$0x0] =	wrdreg $0x0  }
0x20: {  	s5 =	sshll.u32 s28, $0x1;
	[dreg:$0x2] =	wrdreg s3  }
0x21: {  	[dreg:$0x3] =	wrdreg s5  }
0x22: {  	[dreg:$0x4] =	wrdreg $0xC0  }
0x23: {  	_ =	task [dreg:s7], $0x5FFFF  }
0x24: {  	[dreg:$0x1] =	wrdreg $0xFFFFFFFF  }
0x25: {  	[dreg:$0x0] =	wrdreg $0x60  }
0x26: {  	[dreg:$0x2] =	wrdreg s25  }
0x27: {  	[dreg:$0x3] =	wrdreg s2  }
0x28: {  	[dreg:$0x4] =	wrdreg $0x9  }
0x29: {  	_ =	task.clear_ibuf [dreg:s7], $0x5FFFF;
	_ =	strace $0x9000004C  }
0x2a: {  	s29 =	simm.s32 $0x9;
	_ =	strace $0x8000004E  }
0x2b: {  	_ =	swait.ge [sflag:s29], $0x1  }
0x2c: {  	[sflag:s29] =	ssyncadd.s32 $0xFFFFFFFF  }
0x2d: {  	_ =	strace $0x9000004E  }
0x2e: {  	_ =	sfence  }
0x2f: {  	s30 =	sld [smem:$0x0];
	_ =	sdelay $0x2  }
0x30: {  	s31 =	sshll.u32 s1, $0xD;
	s1 =	sshrl.u32 s1, $0x2  }
0x31: {  	s3 =	sand.u32 $0x4000, s31;
	s1 =	sadd.s32 s1, s30  }
0x32: {  	s0 =	sor.u32 s3, s0;
	s1 =	sshll.u32 s1, $0x11  }
0x33: {  	s0 =	sor.u32 s1, s0  }
0x34: {  	s0 =	sadd.s32 $0x8F2B, s0  }
0x35: {  	[sflag:s0] =	ssyncadd.remote.s32 $0x1  }
0x36: {  	_ =	sfence.sel $0xFFFF  }
0x37: {  	[dreg:$0x0] =	wrdreg $0xFFFFFFFF;
	(pc) =	sbr.abs _section_cstart, $3  }
0x38: {  	[dreg:$0x1] =	wrdreg $0xFFFFFFFF  }
0x39: {  	_ =	task.clear_ibuf [dreg:s7], $0x2FFFF;
	_ =	strace $0x9FFFFFFF  }
0x3a: {  	(tm) =	ssettm $0x7FFFFFFF  }
0x3b: {  	_ =	shalt  }
tec
execute0_lowered:
.L_overlay_start_1:
0x0: {  	(tag) =	ssettag $0x1  }
0x1: {  	s0 =	srdreg.scid  }
0x2: {  	s1 =	sshll.u32 s0, $0x4  }
0x3: {  	s0 =	stileid.u32;
	s1 =	sand.u32 $0x10, s1  }
0x4: {  	s1 =	sor.u32 s0, s1  }
0x5: {  	s6 =	rddreg [dreg:$0x0];
	s4 =	simm.s32 $0x1;
	s2 =	sshll.u32 s1, $0x7  }
0x6: {  	s7 =	simm.s32 $0x2;
	s12 =	simm.s32 $0x0;
	s1 =	ssub.s32 $0x1000, s2  }
0x7: {  	s8 =	simm.s32 $0x8000;
	s13 =	simm.s32 $0x0;
	s3 =	sand.u32 $0xF80, s1  }
0x8: {  	s9 =	simm.s32 $0x0;
	s5 =	sshrl.u32 s1, $0xC;
	p0 =	sne.s32 s3, $0x0  }
.Ltmp0:
0x9: {  	s1 =	rddreg [dreg:$0x2];
	s4 =	simm.s32 @!p0 $0x0;
	(pc) =	sbr.rel .LBB1_1-.Ltmp0, $4  }
0xa: {  	s11 =	simm.s32 $0x0;
	s3 =	rddreg [dreg:$0x1];
	s5 =	sadd.s32 s4, s5  }
0xb: {  	_ =	strace $0x8000004D;
	s4 =	simm.s32 $0x1;
	s5 =	smul.u32 $0xC8, s5  }
0xc: {  	s6 =	sadd.s32 $0x7A2600, s6;
	s10 =	smov.u32 s2;
	[sflag:s4] =	ssyncpa.u1 $0x0  }
0xd: {  	p0 =	por $0x0, $0x0;
	[sflag:s7] =	ssyncpa.u1 $0x0;
	s7 =	sor.u32 $0x1, s5  }
.LBB1_4:
0xe: {  	s16 =	sshll.u32 s13, $0x3;
	s17 =	sand.u32 $0x78, s13  }
0xf: {  	s30 =	sand.u32 $0x7E00, s13;
	s12 =	sshll.u32 s12, $0xF;
	s16 =	sand.u32 $0xC00, s16  }
0x10: {  	[tilespmem:s15+$0x810 ss:$0x81] =	vst.msk $0xffff, v2;
	s31 =	sand.u32 $0x7, s13;
	s16 =	sor.u32 s17, s16;
	s17 =	sadd.s32 s3, s30  }
0x11: {  	[tilespmem:s15+$0x1020 ss:$0x81] =	vst.msk $0xffff, v0;
	s13 =	sshll.u32 s31, $0x12;
	s12 =	sadd.s32 s12, s17;
	s16 =	sshrl.u32 s16, $0x3  }
0x12: {  	[tilespmem:s15+$0x0 ss:$0x81] =	vst.msk $0xffff, v1;
	s13 =	sor.u32 $0x400, s13;
	s12 =	sadd.s32 s16, s12  }
0x13: {  	[hbm4b:s12+s13] =	stream.strided.scatter [tilespmem:s14], [sflag:$0x2], $0x2000, s8, s13, $0x20;
	[tilespmem:$0x8080] =	vst v63  }
.LBB1_5:
0x14: {  	s14 =	sadd.s32 $0x1, s9  }
0x15: {  	s12 =	sadd.s32 $0x1000, s10;
	s16 =	smov.u32 s10;
	p2 =	sgt.s32 s14, $0xC7  }
0x16: {  	s16 =	smov.u32 @p2 s12  }
0x17: {  	s14 =	simm.s32 @p2 $0x0;
	p2 =	sgt.s32 s16, $0xFFF  }
0x18: {  	s16 =	smov.u32 @p2 s2;
	p2 =	sne.s32 s11, s7  }
.Ltmp1:
0x19: {  	p1 =	slt.u32 s11, $0x2;
	(pc) =	sbr.rel @!p2 .LBB1_6-.Ltmp1, $4  }
0x1a: {  	s15 =	simm.s32 @!p1 $0x2  }
0x1b: {  	s13 =	smov.u32 s10;
	p0 =	por !p0, !p0;
	_ =	swait.ge @!p1 [sflag:s15], $0x2000  }
0x1c: {  	s12 =	smov.u32 s9;
	[sflag:s15] =	ssyncset.done @!p1 $0x0;
	s9 =	smov.u32 s14  }
0x1d: {  	s11 =	sadd.s32 $0x1, s11;
	[sflag:s15] =	ssyncadd.s32 @!p1 $0xFFFFE000;
	s10 =	smov.u32 s16  }
.LBB1_1:
0x1e: {  	p1 =	sge.u32 s11, s5  }
0x1f: {  	s14 =	sand.u32 @!p1 $0x1FFFFFF, s9  }
0x20: {  	s15 =	smulhi.u32 @!p1 $0x147AE15, s14;
	_ =	sdelay $0x1  }
0x21: {  	s15 =	smul.u32 @!p1 $0xC8, s15  }
0x22: {  	s16 =	sxor.u32 @!p1 $0xFFFFFFFF, s11;
	s17 =	smul.u32 @!p1 $0xC80, s10  }
0x23: {  	s31 =	sadd.s32 $0xFFFFFFFF, s11;
	s16 =	sshll.u32 @!p1 s16, $0xD;
	s14 =	ssub.s32 @!p1 s14, s15  }
0x24: {  	s15 =	sand.u32 @!p1 $0x2000, s16;
	s16 =	sadd.s32 @!p1 s6, s17;
	s14 =	sshll.u32 @!p1 s14, $0x4  }
0x25: {  	s17 =	simm.s32 @!p1 $0x6400;
	s14 =	sadd.s32 @!p1 s14, s16;
	s16 =	simm.s32 @!p1 $0x40  }
0x26: {  	[tilespmem:s15], [sflag:$0x1] =	stream.strided.gather @!p1 [hbm4b:s14+s16], $0x2000, s17, s16, $0x38;
	[tilespmem:$0x8080] =	vst v63  }
0x27: {  	p1 =	sge.u32 s31, s5  }
.Ltmp2:
0x28: {  	_ = 	snop;
	(pc) =	sbr.rel @p1 .LBB1_5-.Ltmp2, $1  }
0x29: {  	_ =	sdelay $0x3  }
0x2a: {  	s14 =	simm.s32 $0x1  }
0x2b: {  	_ =	swait.ge [sflag:s4], $0x2000;
	s14 =	simm.s32 @!p0 $0x0  }
0x2c: {  	[sflag:s4] =	ssyncset.done $0x0;
	s15 =	sshll.u32 s14, $0xD  }
0x2d: {  	[sflag:s4] =	ssyncadd.s32 $0xFFFFE000;
	s18 =	sor.u32 $0x20, s15  }
0x2e: {  	s14 =	smul.u32 $0x8100, s14;
	v3 =	vld [tilespmem:s18+$0x10]  }
0x2f: {  	s30 =	sand.u32 $0x1, s11;
	v2 =	vld [tilespmem:s18+$0xFFFFFFF0]  }
0x30: {  	s15 =	smul.u32 $0x8100, s30;
	s14 =	sshrl.u32 s14, $0x2;
	v0 =	vld [tilespmem:s18+$0x0]  }
0x31: {  	v1 =	vld [tilespmem:s18+$0xFFFFFFE0];
	s16 =	sor.u32 $0x4000, s14  }
0x32: {  	s31 =	sshrl.u32 s15, $0x2;
	s15 =	sadd.s32 $0x0, s16  }
0x33: {  	s17 =	simm.s32 $0x4;
	s18 =	sadd.s32 $0x40, s18;
	s14 =	sor.u32 $0x4000, s31;
	[tilespmem:s15+$0x1830 ss:$0x81] =	vst.msk $0xffff, v3  }
.LBB1_3:
0x34: {  	v3 =	vld [tilespmem:s18+$0x10];
	p1 =	sne.s32 s17, $0x1FC;
	[tilespmem:s15+$0x810 ss:$0x81] =	vst.msk $0xffff, v2;
	s19 =	smov.u32 s17;
	s17 =	sadd.s32 $0x4, s17  }
.Ltmp3:
0x35: {  	v2 =	vld [tilespmem:s18+$0xFFFFFFF0];
	[tilespmem:s15+$0x1020 ss:$0x81] =	vst.msk $0xffff, v0;
	(pc) =	sbr.rel @p1 .LBB1_3-.Ltmp3, $4  }
0x36: {  	v0 =	vld [tilespmem:s18+$0x0];
	[tilespmem:s15+$0x0 ss:$0x81] =	vst.msk $0xffff, v1  }
0x37: {  	s15 =	sshra.s32 s19, $0x2;
	v1 =	vld [tilespmem:s18+$0xFFFFFFE0]  }
0x38: {  	s15 =	sadd.s32 s15, s16  }
0x39: {  	s18 =	sadd.s32 $0x40, s18;
	[tilespmem:s15+$0x1830 ss:$0x81] =	vst.msk $0xffff, v3  }
.Ltmp4:
0x3a: {  	_ = 	snop;
	(pc) =	sbr.rel .LBB1_4-.Ltmp4, $1  }
0x3b: {  	_ =	sdelay $0x3  }
.LBB1_6:
0x3c: {  	_ =	sfence.sel $0x180000  }
0x3d: {  	s2 =	simm.s32 $0x1;
	[bflag:$0x0] =	sbarrier.arrive $0xFFFF  }
0x3e: {  	s31 =	simm.s32 $0x2;
	[sflag:s2] =	ssyncpa.u1 $0x1  }
0x3f: {  	[sflag:s31] =	ssyncpa.u1 $0x1  }
0x40: {  	p0 =	sne.s32 s0, $0x0;
	_ =	strace $0x9000004D  }
0x41: {  	s0 =	sadd.s32 @!p0 $0x100000, s1;
	[bflag:$0x2] =	sbarrier.arrive $0xFFFF  }
0x42: {  	[sflag:s0] =	ssyncadd.tile.s32 @!p0 $0x1;
	_ =	shalt  }
.Lfunc_end1:
_tile_overlayer_lowered:
.L_overlay_start_2:
0x43: {  	(tag) =	ssettag $0x2  }
0x44: {  	s0 =	rddreg [dreg:$0x0];
	s2 =	stileid.u32  }
0x45: {  	s1 =	rddreg [dreg:$0x1];
	p0 =	sne.s32 s2, $0x0  }
0x46: {  	s3 =	rddreg [dreg:$0x2];
	[bflag:$0x3] =	sbarrier.arrive $0xFFFF;
	s2 =	simm.s32 @!p0 $0x1C01  }
0x47: {  	[timem:s3], [sflag:s2] =	dma.local @!p0 [hbm:s0], s1  }
0x48: {  	s0 =	simm.s32 @!p0 $0x1  }
0x49: {  	_ =	swait.ge @!p0 [sflag:s0], s1  }
0x4a: {  	s1 =	ssub.s32 @!p0 $0x0, s1;
	[sflag:s0] =	ssyncset.done @!p0 $0x0  }
0x4b: {  	[sflag:s0] =	ssyncadd.s32 @!p0 s1  }
0x4c: {  	[bflag:$0x3] =	sbarrier.arrive $0xFFFF  }
0x4d: {  	_ =	shalt  }

</sc_bundles>
